<compile_context>
chip_gen: v7x
topology: tpu7x:2x2x1
jax: 0.10.2.dev20260603
libtpu: 0.0.44.dev20260713+nightly
codegen_flags: <defaults>
</compile_context>

<pallas_src>
import jax
import jax.numpy as jnp
from jax import lax
from jax.experimental import pallas as pl
from jax.experimental.pallas import tpu as pltpu
from jax.experimental.pallas import tpu_sc as plsc

_N = 8192
_K = 8192
_D = 256
_NB = 4096
_KB = 4096
_GN = _N // _NB
_GK = _K // _KB


def _argmin_body(z_ref, e_ref, idx_ref, zneg_ref,
                 nrm_s, best_s, zbf_s, ebf_s):
    n = pl.program_id(0)
    k = pl.program_id(1)

    @pl.when(k == 0)
    def _():
        zf = z_ref[...]
        zbf_s[...] = zf.astype(jnp.bfloat16)
        zneg_ref[...] = -zf

    @pl.when(n == 0)
    def _():
        ef = e_ref[...]
        ebf_s[k] = ef.astype(jnp.bfloat16)
        nrm_s[k] = jnp.reshape(1.0 - 0.5 * jnp.sum(ef * ef, axis=1),
                               (_KB // 128, 128))

    idc = (_GK - 1 - k) << 5
    nrm_rows = nrm_s[k]
    zbf = zbf_s[...]
    bv = None
    for g in range(_KB // 256):
        sg = lax.dot_general(
            zbf, ebf_s[k, g * 256:(g + 1) * 256, :],
            (((1,), (1,)), ((), ())),
            preferred_element_type=jnp.float32)
        for jj in range(2):
            j = 2 * g + jj
            sl = slice(jj * 128, (jj + 1) * 128)
            sj = sg[:, sl] + nrm_rows[j:j + 1, :]
            kj = ((lax.bitcast_convert_type(sj, jnp.int32) & jnp.int32(-64))
                  | (idc | (_KB // 128 - 1 - j)))
            kjf = lax.bitcast_convert_type(kj, jnp.float32)
            bv = kjf if bv is None else jnp.maximum(bv, kjf)

    @pl.when(k == 0)
    def _():
        best_s[...] = bv

    @pl.when(k > 0)
    def _():
        best_s[...] = jnp.maximum(best_s[...], bv)

    @pl.when(k == _GK - 1)
    def _():
        b128 = best_s[...]
        kmax = jnp.max(b128, axis=1, keepdims=True)
        lane_iota = lax.broadcasted_iota(jnp.int32, (_NB, 128), 1)
        lane = jnp.min(jnp.where(b128 == kmax, lane_iota, jnp.int32(2 ** 30)),
                       axis=1, keepdims=True)
        id6 = lax.bitcast_convert_type(kmax, jnp.int32) & 63
        ktile = _GK - 1 - lax.shift_right_logical(id6, 5)
        strip = _KB // 128 - 1 - (id6 & 31)
        b = ktile * _KB + strip * 128 + lane
        idx_ref[...] = jnp.reshape(b, (_NB,))


_argmin_call = pl.pallas_call(
    _argmin_body,
    grid=(_GN, _GK),
    in_specs=[
        pl.BlockSpec((_NB, _D), lambda n, k: (n, 0)),
        pl.BlockSpec((_KB, _D), lambda n, k: (jnp.where(n == 0, k, _GK - 1), 0)),
    ],
    out_specs=[
        pl.BlockSpec((_NB,), lambda n, k: (n,)),
        pl.BlockSpec((_NB, _D), lambda n, k: (n, 0)),
    ],
    out_shape=[
        jax.ShapeDtypeStruct((_N,), jnp.int32),
        jax.ShapeDtypeStruct((_N, _D), jnp.float32),
    ],
    scratch_shapes=[
        pltpu.VMEM((_GK, _KB // 128, 128), jnp.float32),
        pltpu.VMEM((_NB, 128), jnp.float32),
        pltpu.VMEM((_NB, _D), jnp.bfloat16),
        pltpu.VMEM((_GK, _KB, _D), jnp.bfloat16),
    ],
    compiler_params=pltpu.CompilerParams(
        dimension_semantics=("arbitrary", "arbitrary")),
)

_CH = 64
_RPW = _N // 32
_NCH = _RPW // _CH


def _gather_combine(emb, idx, zneg):
    mesh = plsc.VectorSubcoreMesh(core_axis_name="c", subcore_axis_name="s")

    @pl.kernel(out_type=jax.ShapeDtypeStruct((_N, _D), jnp.float32),
               mesh=mesh,
               scratch_types=[
                   pltpu.VMEM((_RPW,), jnp.int32),
                   pltpu.VMEM((2, _CH, _D), jnp.float32),
                   pltpu.VMEM((2, _CH, _D), jnp.float32),
                   pltpu.SemaphoreType.DMA,
                   pltpu.SemaphoreType.DMA,
                   pltpu.SemaphoreType.DMA,
               ])
    def sc_kernel(emb_hbm, i_hbm, zn_hbm, o_hbm,
                  idx_v, g_v, a_v, gsem, zsem, osem):
        wid = lax.axis_index("s") * 2 + lax.axis_index("c")
        base = wid * _RPW
        pltpu.sync_copy(i_hbm.at[pl.ds(base, _RPW)], idx_v)

        def start_in(ch):
            b = ch % 2
            g = pltpu.async_copy(
                emb_hbm.at[idx_v.at[pl.ds(ch * _CH, _CH)]], g_v.at[b], gsem)
            z = pltpu.async_copy(
                zn_hbm.at[pl.ds(base + ch * _CH, _CH)], a_v.at[b], zsem)
            return g, z

        def compute(ch):
            b = ch % 2

            @pl.loop(0, _CH)
            def _(r):
                for cc in range(0, _D, 16):
                    gx = g_v.at[b, r, pl.ds(cc, 16)][...]
                    plsc.addupdate(a_v.at[b, r, pl.ds(cc, 16)], 2.0 * gx)

        def start_out(ch):
            b = ch % 2
            return pltpu.async_copy(
                a_v.at[b], o_hbm.at[pl.ds(base + ch * _CH, _CH)], osem)

        ins = [start_in(0), start_in(1)]
        outs = []
        for ch in range(_NCH):
            g, z = ins[ch]
            g.wait()
            z.wait()
            compute(ch)
            outs.append(start_out(ch))
            if ch + 2 < _NCH:
                outs[ch].wait()
                ins.append(start_in(ch + 2))
        outs[_NCH - 2].wait()
        outs[_NCH - 1].wait()

    return sc_kernel(emb, idx, zneg)


def kernel(z, emb):
    z_flat = z.reshape(_N, _D)
    idx, zneg = _argmin_call(z_flat, emb)
    out = _gather_combine(emb, idx, zneg)
    return out.reshape(z.shape)

# --- scband reference (transcript-rebuilt; emitter-appended) ---
"""Pipeline reference for scband-vector-quantizer-59734405153101 (READ-ONLY COPY).

The authoritative reference and input builder live on the scoring server;
editing this copy changes nothing except your own understanding.
"""

import jax, jax.numpy as jnp
import numpy as np

NUM_EMBEDDINGS = 8192
EMBEDDING_DIM = 256

def setup_inputs(seed: int = 0) -> dict:
    key = jax.random.key(seed)
    k_z, k_emb = jax.random.split(key)
    z = jax.random.normal(k_z, (8, 1024, EMBEDDING_DIM), dtype=jnp.float32)
    # nn.Embedding weight, uniform(-1/K, 1/K) per module init
    emb = jax.random.uniform(
        k_emb, (NUM_EMBEDDINGS, EMBEDDING_DIM), dtype=jnp.float32,
        minval=-1.0 / NUM_EMBEDDINGS, maxval=1.0 / NUM_EMBEDDINGS,
    )
    return {"z": z, "emb": emb}

def reference(z, emb):
    flat_z = z.reshape(-1, EMBEDDING_DIM)
    # squared L2 distances: ||z||^2 - 2 z.E^T + ||e||^2
    distances = (
        jnp.sum(flat_z ** 2, axis=1, keepdims=True)
        - 2.0 * flat_z @ emb.T
        + jnp.sum(emb ** 2, axis=1)
    )
    indices = jnp.argmin(distances, axis=1)[:, None]  # [N, 1]
    quantized = jnp.take(emb, indices, axis=0).reshape(z.shape)  # [N,1,D] -> z.shape
    # faithful to torch: quantized.detach() + (quantized - z).detach()
    return jax.lax.stop_gradient(quantized) + jax.lax.stop_gradient(quantized - z)

if __name__ == "__main__":
    import jax
    _d = setup_inputs()
    print(jax.jit(kernel)(*tuple(_d.values())))

</pallas_src>

<mosaic_0001>
#map = affine_map<(d0, d1) -> (0, 0)>
#map1 = affine_map<(d0, d1) -> (0)>
module attributes {stable_mosaic.version = 14 : i64} {
  func.func @sc_kernel(%arg0: i32, %arg1: i32, %arg2: memref<8192x256xf32, #tpu.memory_space<hbm>>, %arg3: memref<8192xi32, #tpu.memory_space<hbm>>, %arg4: memref<8192x256xf32, #tpu.memory_space<hbm>>, %arg5: memref<8192x256xf32, #tpu.memory_space<hbm>>, %arg6: memref<256xi32, #tpu.memory_space<vmem>>, %arg7: memref<2x64x256xf32, #tpu.memory_space<vmem>>, %arg8: memref<2x64x256xf32, #tpu.memory_space<vmem>>, %arg9: memref<!tpu.dma_semaphore, #tpu.memory_space<semaphore_mem>>, %arg10: memref<!tpu.dma_semaphore, #tpu.memory_space<semaphore_mem>>, %arg11: memref<!tpu.dma_semaphore, #tpu.memory_space<semaphore_mem>>) attributes {dimension_semantics = [#tpu.dimension_semantics<core_parallel>, #tpu.dimension_semantics<subcore_parallel>], iteration_bounds = array<i64: 2, 16>, scalar_prefetch = 0 : i64, scratch_operands = 6 : i64, tpu.core_type = #tpu.core_type<sc_vector_subcore>, window_params = [{transform_indices = #map}, {transform_indices = #map1}, {transform_indices = #map}, {transform_indices = #map}]} {
    %mul3A = arith.constant 2 : i32
    %mul3A_0 = arith.muli %arg1, %mul3A : i32
    %add3A = arith.addi %mul3A_0, %arg0 : i32
    %mul3A_1 = arith.constant 256 : i32
    %mul3A_2 = arith.muli %add3A, %mul3A_1 : i32
    "tpu.region"() ({
      %run_scoped3A = tpu.sem_alloc : memref<!tpu.dma_semaphore, #tpu.memory_space<semaphore_mem>>
      %dma_start3A_324 = tpu.memref_slice %arg3[%mul3A_2] : memref<8192xi32, #tpu.memory_space<hbm>> -> memref<256xi32, #tpu.memory_space<hbm>>
      %dma_start3A_325 = tpu.memref_slice %arg3[%mul3A_2] : memref<8192xi32, #tpu.memory_space<hbm>> -> memref<256xi32, #tpu.memory_space<hbm>>
      tpu.enqueue_dma source(%dma_start3A_325 : memref<256xi32, #tpu.memory_space<hbm>>) target(%arg6 : memref<256xi32, #tpu.memory_space<vmem>>) target_semaphore(%run_scoped3A : memref<!tpu.dma_semaphore, #tpu.memory_space<semaphore_mem>>)
      %dma_wait3A_326 = tpu.memref_slice %arg3[%mul3A_2] : memref<8192xi32, #tpu.memory_space<hbm>> -> memref<256xi32, #tpu.memory_space<hbm>>
      %dma_wait3A_327 = tpu.memref_slice %arg3[%mul3A_2] : memref<8192xi32, #tpu.memory_space<hbm>> -> memref<256xi32, #tpu.memory_space<hbm>>
      tpu.wait_dma2 semaphore(%run_scoped3A : memref<!tpu.dma_semaphore, #tpu.memory_space<semaphore_mem>>) src(%dma_wait3A_327 : memref<256xi32, #tpu.memory_space<hbm>>) dst(%arg6 : memref<256xi32, #tpu.memory_space<vmem>>)
      tpu.yield
    }) : () -> ()
    %dma_start3A = arith.constant 0 : i32
    %dma_start3A_3 = arith.constant 0 : i32
    %dma_start3A_4 = arith.constant 0 : i32
    %dma_start3A_5 = tpu.memref_slice %arg7[%dma_start3A, %dma_start3A_3, %dma_start3A_4] : memref<2x64x256xf32, #tpu.memory_space<vmem>> -> memref<1x64x256xf32, #tpu.memory_space<vmem>>
    %dma_start3A_6 = tpu.memref_squeeze %dma_start3A_5 : memref<1x64x256xf32, #tpu.memory_space<vmem>> -> memref<64x256xf32, #tpu.memory_space<vmem>>
    %dma_start3A_7 = arith.constant 0 : i32
    %dma_start3A_8 = tpu.memref_slice %arg6[%dma_start3A_7] : memref<256xi32, #tpu.memory_space<vmem>> -> memref<64xi32, #tpu.memory_space<vmem>>
    %dma_start3A_9 = arith.constant 0 : i32
    %dma_start3A_10 = arith.constant 0 : i32
    %dma_start3A_11 = tpu.memref_slice %arg2[%dma_start3A_9, %dma_start3A_10] : memref<8192x256xf32, #tpu.memory_space<hbm>> -> memref<8192x256xf32, #tpu.memory_space<hbm>>
    tpu.enqueue_indirect_dma source(%dma_start3A_11 : memref<8192x256xf32, #tpu.memory_space<hbm>>) target(%dma_start3A_6 : memref<64x256xf32, #tpu.memory_space<vmem>>) offsets(%dma_start3A_8 : memref<64xi32, #tpu.memory_space<vmem>>) semaphore(%arg9 : memref<!tpu.dma_semaphore, #tpu.memory_space<semaphore_mem>>)
    %add3A_12 = arith.constant 0 : i32
    %add3A_13 = arith.addi %mul3A_2, %add3A_12 : i32
    %dma_start3A_14 = arith.constant 0 : i32
    %dma_start3A_15 = arith.constant 0 : i32
    %dma_start3A_16 = arith.constant 0 : i32
    %dma_start3A_17 = tpu.memref_slice %arg8[%dma_start3A_14, %dma_start3A_15, %dma_start3A_16] : memref<2x64x256xf32, #tpu.memory_space<vmem>> -> memref<1x64x256xf32, #tpu.memory_space<vmem>>
    %dma_start3A_18 = tpu.memref_squeeze %dma_start3A_17 : memref<1x64x256xf32, #tpu.memory_space<vmem>> -> memref<64x256xf32, #tpu.memory_space<vmem>>
    %dma_start3A_19 = arith.constant 0 : i32
    %dma_start3A_20 = tpu.memref_slice %arg4[%add3A_13, %dma_start3A_19] : memref<8192x256xf32, #tpu.memory_space<hbm>> -> memref<64x256xf32, #tpu.memory_space<hbm>>
    %dma_start3A_21 = arith.constant 0 : i32
    %dma_start3A_22 = arith.constant 0 : i32
    %dma_start3A_23 = tpu.memref_slice %arg8[%dma_start3A_14, %dma_start3A_21, %dma_start3A_22] : memref<2x64x256xf32, #tpu.memory_space<vmem>> -> memref<1x64x256xf32, #tpu.memory_space<vmem>>
    %dma_start3A_24 = tpu.memref_squeeze %dma_start3A_23 : memref<1x64x256xf32, #tpu.memory_space<vmem>> -> memref<64x256xf32, #tpu.memory_space<vmem>>
    %dma_start3A_25 = arith.constant 0 : i32
    %dma_start3A_26 = tpu.memref_slice %arg4[%add3A_13, %dma_start3A_25] : memref<8192x256xf32, #tpu.memory_space<hbm>> -> memref<64x256xf32, #tpu.memory_space<hbm>>
    tpu.enqueue_dma source(%dma_start3A_26 : memref<64x256xf32, #tpu.memory_space<hbm>>) target(%dma_start3A_24 : memref<64x256xf32, #tpu.memory_space<vmem>>) target_semaphore(%arg10 : memref<!tpu.dma_semaphore, #tpu.memory_space<semaphore_mem>>)
    %dma_start3A_27 = arith.constant 1 : i32
    %dma_start3A_28 = arith.constant 0 : i32
    %dma_start3A_29 = arith.constant 0 : i32
    %dma_start3A_30 = tpu.memref_slice %arg7[%dma_start3A_27, %dma_start3A_28, %dma_start3A_29] : memref<2x64x256xf32, #tpu.memory_space<vmem>> -> memref<1x64x256xf32, #tpu.memory_space<vmem>>
    %dma_start3A_31 = tpu.memref_squeeze %dma_start3A_30 : memref<1x64x256xf32, #tpu.memory_space<vmem>> -> memref<64x256xf32, #tpu.memory_space<vmem>>
    %dma_start3A_32 = arith.constant 64 : i32
    %dma_start3A_33 = tpu.memref_slice %arg6[%dma_start3A_32] : memref<256xi32, #tpu.memory_space<vmem>> -> memref<64xi32, #tpu.memory_space<vmem>>
    %dma_start3A_34 = arith.constant 0 : i32
    %dma_start3A_35 = arith.constant 0 : i32
    %dma_start3A_36 = tpu.memref_slice %arg2[%dma_start3A_34, %dma_start3A_35] : memref<8192x256xf32, #tpu.memory_space<hbm>> -> memref<8192x256xf32, #tpu.memory_space<hbm>>
    tpu.enqueue_indirect_dma source(%dma_start3A_36 : memref<8192x256xf32, #tpu.memory_space<hbm>>) target(%dma_start3A_31 : memref<64x256xf32, #tpu.memory_space<vmem>>) offsets(%dma_start3A_33 : memref<64xi32, #tpu.memory_space<vmem>>) semaphore(%arg9 : memref<!tpu.dma_semaphore, #tpu.memory_space<semaphore_mem>>)
    %add3A_37 = arith.constant 64 : i32
    %add3A_38 = arith.addi %mul3A_2, %add3A_37 : i32
    %dma_start3A_39 = arith.constant 1 : i32
    %dma_start3A_40 = arith.constant 0 : i32
    %dma_start3A_41 = arith.constant 0 : i32
    %dma_start3A_42 = tpu.memref_slice %arg8[%dma_start3A_39, %dma_start3A_40, %dma_start3A_41] : memref<2x64x256xf32, #tpu.memory_space<vmem>> -> memref<1x64x256xf32, #tpu.memory_space<vmem>>
    %dma_start3A_43 = tpu.memref_squeeze %dma_start3A_42 : memref<1x64x256xf32, #tpu.memory_space<vmem>> -> memref<64x256xf32, #tpu.memory_space<vmem>>
    %dma_start3A_44 = arith.constant 0 : i32
    %dma_start3A_45 = tpu.memref_slice %arg4[%add3A_38, %dma_start3A_44] : memref<8192x256xf32, #tpu.memory_space<hbm>> -> memref<64x256xf32, #tpu.memory_space<hbm>>
    %dma_start3A_46 = arith.constant 0 : i32
    %dma_start3A_47 = arith.constant 0 : i32
    %dma_start3A_48 = tpu.memref_slice %arg8[%dma_start3A_39, %dma_start3A_46, %dma_start3A_47] : memref<2x64x256xf32, #tpu.memory_space<vmem>> -> memref<1x64x256xf32, #tpu.memory_space<vmem>>
    %dma_start3A_49 = tpu.memref_squeeze %dma_start3A_48 : memref<1x64x256xf32, #tpu.memory_space<vmem>> -> memref<64x256xf32, #tpu.memory_space<vmem>>
    %dma_start3A_50 = arith.constant 0 : i32
    %dma_start3A_51 = tpu.memref_slice %arg4[%add3A_38, %dma_start3A_50] : memref<8192x256xf32, #tpu.memory_space<hbm>> -> memref<64x256xf32, #tpu.memory_space<hbm>>
    tpu.enqueue_dma source(%dma_start3A_51 : memref<64x256xf32, #tpu.memory_space<hbm>>) target(%dma_start3A_49 : memref<64x256xf32, #tpu.memory_space<vmem>>) target_semaphore(%arg10 : memref<!tpu.dma_semaphore, #tpu.memory_space<semaphore_mem>>)
    %dma_wait3A = arith.constant 0 : i32
    %dma_wait3A_52 = arith.constant 0 : i32
    %dma_wait3A_53 = arith.constant 0 : i32
    %dma_wait3A_54 = tpu.memref_slice %arg7[%dma_wait3A, %dma_wait3A_52, %dma_wait3A_53] : memref<2x64x256xf32, #tpu.memory_space<vmem>> -> memref<1x64x256xf32, #tpu.memory_space<vmem>>
    %dma_wait3A_55 = tpu.memref_squeeze %dma_wait3A_54 : memref<1x64x256xf32, #tpu.memory_space<vmem>> -> memref<64x256xf32, #tpu.memory_space<vmem>>
    %dma_wait3A_56 = arith.constant 0 : i32
    %dma_wait3A_57 = tpu.memref_slice %arg6[%dma_wait3A_56] : memref<256xi32, #tpu.memory_space<vmem>> -> memref<64xi32, #tpu.memory_space<vmem>>
    %dma_wait3A_58 = arith.constant 0 : i32
    %dma_wait3A_59 = arith.constant 0 : i32
    %dma_wait3A_60 = tpu.memref_slice %arg2[%dma_wait3A_58, %dma_wait3A_59] : memref<8192x256xf32, #tpu.memory_space<hbm>> -> memref<8192x256xf32, #tpu.memory_space<hbm>>
    tpu.wait_indirect_dma semaphore(%arg9 : memref<!tpu.dma_semaphore, #tpu.memory_space<semaphore_mem>>) src(%dma_wait3A_60 : memref<8192x256xf32, #tpu.memory_space<hbm>>) dst(%dma_wait3A_55 : memref<64x256xf32, #tpu.memory_space<vmem>>)
    %dma_wait3A_61 = arith.constant 0 : i32
    %dma_wait3A_62 = arith.constant 0 : i32
    %dma_wait3A_63 = arith.constant 0 : i32
    %dma_wait3A_64 = tpu.memref_slice %arg8[%dma_wait3A_61, %dma_wait3A_62, %dma_wait3A_63] : memref<2x64x256xf32, #tpu.memory_space<vmem>> -> memref<1x64x256xf32, #tpu.memory_space<vmem>>
    %dma_wait3A_65 = tpu.memref_squeeze %dma_wait3A_64 : memref<1x64x256xf32, #tpu.memory_space<vmem>> -> memref<64x256xf32, #tpu.memory_space<vmem>>
    %dma_wait3A_66 = arith.constant 0 : i32
    %dma_wait3A_67 = tpu.memref_slice %arg4[%add3A_13, %dma_wait3A_66] : memref<8192x256xf32, #tpu.memory_space<hbm>> -> memref<64x256xf32, #tpu.memory_space<hbm>>
    %dma_wait3A_68 = arith.constant 0 : i32
    %dma_wait3A_69 = arith.constant 0 : i32
    %dma_wait3A_70 = tpu.memref_slice %arg8[%dma_wait3A_61, %dma_wait3A_68, %dma_wait3A_69] : memref<2x64x256xf32, #tpu.memory_space<vmem>> -> memref<1x64x256xf32, #tpu.memory_space<vmem>>
    %dma_wait3A_71 = tpu.memref_squeeze %dma_wait3A_70 : memref<1x64x256xf32, #tpu.memory_space<vmem>> -> memref<64x256xf32, #tpu.memory_space<vmem>>
    %dma_wait3A_72 = arith.constant 0 : i32
    %dma_wait3A_73 = tpu.memref_slice %arg4[%add3A_13, %dma_wait3A_72] : memref<8192x256xf32, #tpu.memory_space<hbm>> -> memref<64x256xf32, #tpu.memory_space<hbm>>
    tpu.wait_dma2 semaphore(%arg10 : memref<!tpu.dma_semaphore, #tpu.memory_space<semaphore_mem>>) src(%dma_wait3A_73 : memref<64x256xf32, #tpu.memory_space<hbm>>) dst(%dma_wait3A_71 : memref<64x256xf32, #tpu.memory_space<vmem>>)
    %scan3A = arith.constant 0 : i32
    %scan3A_74 = arith.constant 64 : i32
    %scan3A_75 = arith.addi %scan3A, %scan3A_74 : i32
    %scan3A_76 = arith.constant 1 : i32
    scf.for %scan3A_324 = %scan3A to %scan3A_75 step %scan3A_76  : i32 {
      %mul3A_325 = arith.constant 1 : i32
      %mul3A_326 = arith.muli %scan3A_324, %mul3A_325 : i32
      %add3A_327 = arith.constant 0 : i32
      %add3A_328 = arith.addi %add3A_327, %mul3A_326 : i32
      %get3A = arith.constant 0 : i32
      %get3A_329 = arith.index_cast %get3A : i32 to index
      %get3A_330 = arith.index_cast %add3A_328 : i32 to index
      %get3A_331 = arith.constant 0 : index
      %get3A_332 = tpu.vector_load %arg7[%get3A_329, %get3A_330, %get3A_331] {strides = array<i32>} : memref<2x64x256xf32, #tpu.memory_space<vmem>>, vector<1x1x16xf32>,
      %get3A_333 = vector.shape_cast %get3A_332 : vector<1x1x16xf32> to vector<16xf32>
      %mul3A_334 = arith.constant 2.000000e+00 : f32
      %mul3A_335 = vector.broadcast %mul3A_334 : f32 to vector<16xf32>
      %mul3A_336 = arith.mulf %mul3A_335, %get3A_333 : vector<16xf32>
      %swap3A = arith.constant 0 : i32
      %swap3A_337 = arith.index_cast %swap3A : i32 to index
      %swap3A_338 = arith.index_cast %add3A_328 : i32 to index
      %swap3A_339 = arith.constant 0 : index
      %swap3A_340 = tpu.vector_load %arg8[%swap3A_337, %swap3A_338, %swap3A_339] {strides = array<i32>} : memref<2x64x256xf32, #tpu.memory_space<vmem>>, vector<1x1x16xf32>,
      %swap3A_341 = vector.shape_cast %swap3A_340 : vector<1x1x16xf32> to vector<16xf32>
      %swap3A_342 = vector.shape_cast %mul3A_336 : vector<16xf32> to vector<1x1x16xf32>
      tpu.vector_store %arg8[%swap3A_337, %swap3A_338, %swap3A_339], %swap3A_342 {add = true, strides = array<i32>} : memref<2x64x256xf32, #tpu.memory_space<vmem>>, vector<1x1x16xf32>,
      %get3A_343 = arith.constant 0 : i32
      %get3A_344 = arith.index_cast %get3A_343 : i32 to index
      %get3A_345 = arith.index_cast %add3A_328 : i32 to index
      %get3A_346 = arith.constant 16 : index
      %get3A_347 = tpu.vector_load %arg7[%get3A_344, %get3A_345, %get3A_346] {strides = array<i32>} : memref<2x64x256xf32, #tpu.memory_space<vmem>>, vector<1x1x16xf32>,
      %get3A_348 = vector.shape_cast %get3A_347 : vector<1x1x16xf32> to vector<16xf32>
      %mul3A_349 = arith.constant 2.000000e+00 : f32
      %mul3A_350 = vector.broadcast %mul3A_349 : f32 to vector<16xf32>
      %mul3A_351 = arith.mulf %mul3A_350, %get3A_348 : vector<16xf32>
      %swap3A_352 = arith.constant 0 : i32
      %swap3A_353 = arith.index_cast %swap3A_352 : i32 to index
      %swap3A_354 = arith.index_cast %add3A_328 : i32 to index
      %swap3A_355 = arith.constant 16 : index
      %swap3A_356 = tpu.vector_load %arg8[%swap3A_353, %swap3A_354, %swap3A_355] {strides = array<i32>} : memref<2x64x256xf32, #tpu.memory_space<vmem>>, vector<1x1x16xf32>,
      %swap3A_357 = vector.shape_cast %swap3A_356 : vector<1x1x16xf32> to vector<16xf32>
      %swap3A_358 = vector.shape_cast %mul3A_351 : vector<16xf32> to vector<1x1x16xf32>
      tpu.vector_store %arg8[%swap3A_353, %swap3A_354, %swap3A_355], %swap3A_358 {add = true, strides = array<i32>} : memref<2x64x256xf32, #tpu.memory_space<vmem>>, vector<1x1x16xf32>,
      %get3A_359 = arith.constant 0 : i32
      %get3A_360 = arith.index_cast %get3A_359 : i32 to index
      %get3A_361 = arith.index_cast %add3A_328 : i32 to index
      %get3A_362 = arith.constant 32 : index
      %get3A_363 = tpu.vector_load %arg7[%get3A_360, %get3A_361, %get3A_362] {strides = array<i32>} : memref<2x64x256xf32, #tpu.memory_space<vmem>>, vector<1x1x16xf32>,
      %get3A_364 = vector.shape_cast %get3A_363 : vector<1x1x16xf32> to vector<16xf32>
      %mul3A_365 = arith.constant 2.000000e+00 : f32
      %mul3A_366 = vector.broadcast %mul3A_365 : f32 to vector<16xf32>
      %mul3A_367 = arith.mulf %mul3A_366, %get3A_364 : vector<16xf32>
      %swap3A_368 = arith.constant 0 : i32
      %swap3A_369 = arith.index_cast %swap3A_368 : i32 to index
      %swap3A_370 = arith.index_cast %add3A_328 : i32 to index
      %swap3A_371 = arith.constant 32 : index
      %swap3A_372 = tpu.vector_load %arg8[%swap3A_369, %swap3A_370, %swap3A_371] {strides = array<i32>} : memref<2x64x256xf32, #tpu.memory_space<vmem>>, vector<1x1x16xf32>,
      %swap3A_373 = vector.shape_cast %swap3A_372 : vector<1x1x16xf32> to vector<16xf32>
      %swap3A_374 = vector.shape_cast %mul3A_367 : vector<16xf32> to vector<1x1x16xf32>
      tpu.vector_store %arg8[%swap3A_369, %swap3A_370, %swap3A_371], %swap3A_374 {add = true, strides = array<i32>} : memref<2x64x256xf32, #tpu.memory_space<vmem>>, vector<1x1x16xf32>,
      %get3A_375 = arith.constant 0 : i32
      %get3A_376 = arith.index_cast %get3A_375 : i32 to index
      %get3A_377 = arith.index_cast %add3A_328 : i32 to index
      %get3A_378 = arith.constant 48 : index
      %get3A_379 = tpu.vector_load %arg7[%get3A_376, %get3A_377, %get3A_378] {strides = array<i32>} : memref<2x64x256xf32, #tpu.memory_space<vmem>>, vector<1x1x16xf32>,
      %get3A_380 = vector.shape_cast %get3A_379 : vector<1x1x16xf32> to vector<16xf32>
      %mul3A_381 = arith.constant 2.000000e+00 : f32
      %mul3A_382 = vector.broadcast %mul3A_381 : f32 to vector<16xf32>
      %mul3A_383 = arith.mulf %mul3A_382, %get3A_380 : vector<16xf32>
      %swap3A_384 = arith.constant 0 : i32
      %swap3A_385 = arith.index_cast %swap3A_384 : i32 to index
      %swap3A_386 = arith.index_cast %add3A_328 : i32 to index
      %swap3A_387 = arith.constant 48 : index
      %swap3A_388 = tpu.vector_load %arg8[%swap3A_385, %swap3A_386, %swap3A_387] {strides = array<i32>} : memref<2x64x256xf32, #tpu.memory_space<vmem>>, vector<1x1x16xf32>,
      %swap3A_389 = vector.shape_cast %swap3A_388 : vector<1x1x16xf32> to vector<16xf32>
      %swap3A_390 = vector.shape_cast %mul3A_383 : vector<16xf32> to vector<1x1x16xf32>
      tpu.vector_store %arg8[%swap3A_385, %swap3A_386, %swap3A_387], %swap3A_390 {add = true, strides = array<i32>} : memref<2x64x256xf32, #tpu.memory_space<vmem>>, vector<1x1x16xf32>,
      %get3A_391 = arith.constant 0 : i32
      %get3A_392 = arith.index_cast %get3A_391 : i32 to index
      %get3A_393 = arith.index_cast %add3A_328 : i32 to index
      %get3A_394 = arith.constant 64 : index
      %get3A_395 = tpu.vector_load %arg7[%get3A_392, %get3A_393, %get3A_394] {strides = array<i32>} : memref<2x64x256xf32, #tpu.memory_space<vmem>>, vector<1x1x16xf32>,
      %get3A_396 = vector.shape_cast %get3A_395 : vector<1x1x16xf32> to vector<16xf32>
      %mul3A_397 = arith.constant 2.000000e+00 : f32
      %mul3A_398 = vector.broadcast %mul3A_397 : f32 to vector<16xf32>
      %mul3A_399 = arith.mulf %mul3A_398, %get3A_396 : vector<16xf32>
      %swap3A_400 = arith.constant 0 : i32
      %swap3A_401 = arith.index_cast %swap3A_400 : i32 to index
      %swap3A_402 = arith.index_cast %add3A_328 : i32 to index
      %swap3A_403 = arith.constant 64 : index
      %swap3A_404 = tpu.vector_load %arg8[%swap3A_401, %swap3A_402, %swap3A_403] {strides = array<i32>} : memref<2x64x256xf32, #tpu.memory_space<vmem>>, vector<1x1x16xf32>,
      %swap3A_405 = vector.shape_cast %swap3A_404 : vector<1x1x16xf32> to vector<16xf32>
      %swap3A_406 = vector.shape_cast %mul3A_399 : vector<16xf32> to vector<1x1x16xf32>
      tpu.vector_store %arg8[%swap3A_401, %swap3A_402, %swap3A_403], %swap3A_406 {add = true, strides = array<i32>} : memref<2x64x256xf32, #tpu.memory_space<vmem>>, vector<1x1x16xf32>,
      %get3A_407 = arith.constant 0 : i32
      %get3A_408 = arith.index_cast %get3A_407 : i32 to index
      %get3A_409 = arith.index_cast %add3A_328 : i32 to index
      %get3A_410 = arith.constant 80 : index
      %get3A_411 = tpu.vector_load %arg7[%get3A_408, %get3A_409, %get3A_410] {strides = array<i32>} : memref<2x64x256xf32, #tpu.memory_space<vmem>>, vector<1x1x16xf32>,
      %get3A_412 = vector.shape_cast %get3A_411 : vector<1x1x16xf32> to vector<16xf32>
      %mul3A_413 = arith.constant 2.000000e+00 : f32
      %mul3A_414 = vector.broadcast %mul3A_413 : f32 to vector<16xf32>
      %mul3A_415 = arith.mulf %mul3A_414, %get3A_412 : vector<16xf32>
      %swap3A_416 = arith.constant 0 : i32
      %swap3A_417 = arith.index_cast %swap3A_416 : i32 to index
      %swap3A_418 = arith.index_cast %add3A_328 : i32 to index
      %swap3A_419 = arith.constant 80 : index
      %swap3A_420 = tpu.vector_load %arg8[%swap3A_417, %swap3A_418, %swap3A_419] {strides = array<i32>} : memref<2x64x256xf32, #tpu.memory_space<vmem>>, vector<1x1x16xf32>,
      %swap3A_421 = vector.shape_cast %swap3A_420 : vector<1x1x16xf32> to vector<16xf32>
      %swap3A_422 = vector.shape_cast %mul3A_415 : vector<16xf32> to vector<1x1x16xf32>
      tpu.vector_store %arg8[%swap3A_417, %swap3A_418, %swap3A_419], %swap3A_422 {add = true, strides = array<i32>} : memref<2x64x256xf32, #tpu.memory_space<vmem>>, vector<1x1x16xf32>,
      %get3A_423 = arith.constant 0 : i32
      %get3A_424 = arith.index_cast %get3A_423 : i32 to index
      %get3A_425 = arith.index_cast %add3A_328 : i32 to index
      %get3A_426 = arith.constant 96 : index
      %get3A_427 = tpu.vector_load %arg7[%get3A_424, %get3A_425, %get3A_426] {strides = array<i32>} : memref<2x64x256xf32, #tpu.memory_space<vmem>>, vector<1x1x16xf32>,
      %get3A_428 = vector.shape_cast %get3A_427 : vector<1x1x16xf32> to vector<16xf32>
      %mul3A_429 = arith.constant 2.000000e+00 : f32
      %mul3A_430 = vector.broadcast %mul3A_429 : f32 to vector<16xf32>
      %mul3A_431 = arith.mulf %mul3A_430, %get3A_428 : vector<16xf32>
      %swap3A_432 = arith.constant 0 : i32
      %swap3A_433 = arith.index_cast %swap3A_432 : i32 to index
      %swap3A_434 = arith.index_cast %add3A_328 : i32 to index
      %swap3A_435 = arith.constant 96 : index
      %swap3A_436 = tpu.vector_load %arg8[%swap3A_433, %swap3A_434, %swap3A_435] {strides = array<i32>} : memref<2x64x256xf32, #tpu.memory_space<vmem>>, vector<1x1x16xf32>,
      %swap3A_437 = vector.shape_cast %swap3A_436 : vector<1x1x16xf32> to vector<16xf32>
      %swap3A_438 = vector.shape_cast %mul3A_431 : vector<16xf32> to vector<1x1x16xf32>
      tpu.vector_store %arg8[%swap3A_433, %swap3A_434, %swap3A_435], %swap3A_438 {add = true, strides = array<i32>} : memref<2x64x256xf32, #tpu.memory_space<vmem>>, vector<1x1x16xf32>,
      %get3A_439 = arith.constant 0 : i32
      %get3A_440 = arith.index_cast %get3A_439 : i32 to index
      %get3A_441 = arith.index_cast %add3A_328 : i32 to index
      %get3A_442 = arith.constant 112 : index
      %get3A_443 = tpu.vector_load %arg7[%get3A_440, %get3A_441, %get3A_442] {strides = array<i32>} : memref<2x64x256xf32, #tpu.memory_space<vmem>>, vector<1x1x16xf32>,
      %get3A_444 = vector.shape_cast %get3A_443 : vector<1x1x16xf32> to vector<16xf32>
      %mul3A_445 = arith.constant 2.000000e+00 : f32
      %mul3A_446 = vector.broadcast %mul3A_445 : f32 to vector<16xf32>
      %mul3A_447 = arith.mulf %mul3A_446, %get3A_444 : vector<16xf32>
      %swap3A_448 = arith.constant 0 : i32
      %swap3A_449 = arith.index_cast %swap3A_448 : i32 to index
      %swap3A_450 = arith.index_cast %add3A_328 : i32 to index
      %swap3A_451 = arith.constant 112 : index
      %swap3A_452 = tpu.vector_load %arg8[%swap3A_449, %swap3A_450, %swap3A_451] {strides = array<i32>} : memref<2x64x256xf32, #tpu.memory_space<vmem>>, vector<1x1x16xf32>,
      %swap3A_453 = vector.shape_cast %swap3A_452 : vector<1x1x16xf32> to vector<16xf32>
      %swap3A_454 = vector.shape_cast %mul3A_447 : vector<16xf32> to vector<1x1x16xf32>
      tpu.vector_store %arg8[%swap3A_449, %swap3A_450, %swap3A_451], %swap3A_454 {add = true, strides = array<i32>} : memref<2x64x256xf32, #tpu.memory_space<vmem>>, vector<1x1x16xf32>,
      %get3A_455 = arith.constant 0 : i32
      %get3A_456 = arith.index_cast %get3A_455 : i32 to index
      %get3A_457 = arith.index_cast %add3A_328 : i32 to index
      %get3A_458 = arith.constant 128 : index
      %get3A_459 = tpu.vector_load %arg7[%get3A_456, %get3A_457, %get3A_458] {strides = array<i32>} : memref<2x64x256xf32, #tpu.memory_space<vmem>>, vector<1x1x16xf32>,
      %get3A_460 = vector.shape_cast %get3A_459 : vector<1x1x16xf32> to vector<16xf32>
      %mul3A_461 = arith.constant 2.000000e+00 : f32
      %mul3A_462 = vector.broadcast %mul3A_461 : f32 to vector<16xf32>
      %mul3A_463 = arith.mulf %mul3A_462, %get3A_460 : vector<16xf32>
      %swap3A_464 = arith.constant 0 : i32
      %swap3A_465 = arith.index_cast %swap3A_464 : i32 to index
      %swap3A_466 = arith.index_cast %add3A_328 : i32 to index
      %swap3A_467 = arith.constant 128 : index
      %swap3A_468 = tpu.vector_load %arg8[%swap3A_465, %swap3A_466, %swap3A_467] {strides = array<i32>} : memref<2x64x256xf32, #tpu.memory_space<vmem>>, vector<1x1x16xf32>,
      %swap3A_469 = vector.shape_cast %swap3A_468 : vector<1x1x16xf32> to vector<16xf32>
      %swap3A_470 = vector.shape_cast %mul3A_463 : vector<16xf32> to vector<1x1x16xf32>
      tpu.vector_store %arg8[%swap3A_465, %swap3A_466, %swap3A_467], %swap3A_470 {add = true, strides = array<i32>} : memref<2x64x256xf32, #tpu.memory_space<vmem>>, vector<1x1x16xf32>,
      %get3A_471 = arith.constant 0 : i32
      %get3A_472 = arith.index_cast %get3A_471 : i32 to index
      %get3A_473 = arith.index_cast %add3A_328 : i32 to index
      %get3A_474 = arith.constant 144 : index
      %get3A_475 = tpu.vector_load %arg7[%get3A_472, %get3A_473, %get3A_474] {strides = array<i32>} : memref<2x64x256xf32, #tpu.memory_space<vmem>>, vector<1x1x16xf32>,
      %get3A_476 = vector.shape_cast %get3A_475 : vector<1x1x16xf32> to vector<16xf32>
      %mul3A_477 = arith.constant 2.000000e+00 : f32
      %mul3A_478 = vector.broadcast %mul3A_477 : f32 to vector<16xf32>
      %mul3A_479 = arith.mulf %mul3A_478, %get3A_476 : vector<16xf32>
      %swap3A_480 = arith.constant 0 : i32
      %swap3A_481 = arith.index_cast %swap3A_480 : i32 to index
      %swap3A_482 = arith.index_cast %add3A_328 : i32 to index
      %swap3A_483 = arith.constant 144 : index
      %swap3A_484 = tpu.vector_load %arg8[%swap3A_481, %swap3A_482, %swap3A_483] {strides = array<i32>} : memref<2x64x256xf32, #tpu.memory_space<vmem>>, vector<1x1x16xf32>,
      %swap3A_485 = vector.shape_cast %swap3A_484 : vector<1x1x16xf32> to vector<16xf32>
      %swap3A_486 = vector.shape_cast %mul3A_479 : vector<16xf32> to vector<1x1x16xf32>
      tpu.vector_store %arg8[%swap3A_481, %swap3A_482, %swap3A_483], %swap3A_486 {add = true, strides = array<i32>} : memref<2x64x256xf32, #tpu.memory_space<vmem>>, vector<1x1x16xf32>,
      %get3A_487 = arith.constant 0 : i32
      %get3A_488 = arith.index_cast %get3A_487 : i32 to index
      %get3A_489 = arith.index_cast %add3A_328 : i32 to index
      %get3A_490 = arith.constant 160 : index
      %get3A_491 = tpu.vector_load %arg7[%get3A_488, %get3A_489, %get3A_490] {strides = array<i32>} : memref<2x64x256xf32, #tpu.memory_space<vmem>>, vector<1x1x16xf32>,
      %get3A_492 = vector.shape_cast %get3A_491 : vector<1x1x16xf32> to vector<16xf32>
      %mul3A_493 = arith.constant 2.000000e+00 : f32
      %mul3A_494 = vector.broadcast %mul3A_493 : f32 to vector<16xf32>
      %mul3A_495 = arith.mulf %mul3A_494, %get3A_492 : vector<16xf32>
      %swap3A_496 = arith.constant 0 : i32
      %swap3A_497 = arith.index_cast %swap3A_496 : i32 to index
      %swap3A_498 = arith.index_cast %add3A_328 : i32 to index
      %swap3A_499 = arith.constant 160 : index
      %swap3A_500 = tpu.vector_load %arg8[%swap3A_497, %swap3A_498, %swap3A_499] {strides = array<i32>} : memref<2x64x256xf32, #tpu.memory_space<vmem>>, vector<1x1x16xf32>,
      %swap3A_501 = vector.shape_cast %swap3A_500 : vector<1x1x16xf32> to vector<16xf32>
      %swap3A_502 = vector.shape_cast %mul3A_495 : vector<16xf32> to vector<1x1x16xf32>
      tpu.vector_store %arg8[%swap3A_497, %swap3A_498, %swap3A_499], %swap3A_502 {add = true, strides = array<i32>} : memref<2x64x256xf32, #tpu.memory_space<vmem>>, vector<1x1x16xf32>,
      %get3A_503 = arith.constant 0 : i32
      %get3A_504 = arith.index_cast %get3A_503 : i32 to index
      %get3A_505 = arith.index_cast %add3A_328 : i32 to index
      %get3A_506 = arith.constant 176 : index
      %get3A_507 = tpu.vector_load %arg7[%get3A_504, %get3A_505, %get3A_506] {strides = array<i32>} : memref<2x64x256xf32, #tpu.memory_space<vmem>>, vector<1x1x16xf32>,
      %get3A_508 = vector.shape_cast %get3A_507 : vector<1x1x16xf32> to vector<16xf32>
      %mul3A_509 = arith.constant 2.000000e+00 : f32
      %mul3A_510 = vector.broadcast %mul3A_509 : f32 to vector<16xf32>
      %mul3A_511 = arith.mulf %mul3A_510, %get3A_508 : vector<16xf32>
      %swap3A_512 = arith.constant 0 : i32
      %swap3A_513 = arith.index_cast %swap3A_512 : i32 to index
      %swap3A_514 = arith.index_cast %add3A_328 : i32 to index
      %swap3A_515 = arith.constant 176 : index
      %swap3A_516 = tpu.vector_load %arg8[%swap3A_513, %swap3A_514, %swap3A_515] {strides = array<i32>} : memref<2x64x256xf32, #tpu.memory_space<vmem>>, vector<1x1x16xf32>,
      %swap3A_517 = vector.shape_cast %swap3A_516 : vector<1x1x16xf32> to vector<16xf32>
      %swap3A_518 = vector.shape_cast %mul3A_511 : vector<16xf32> to vector<1x1x16xf32>
      tpu.vector_store %arg8[%swap3A_513, %swap3A_514, %swap3A_515], %swap3A_518 {add = true, strides = array<i32>} : memref<2x64x256xf32, #tpu.memory_space<vmem>>, vector<1x1x16xf32>,
      %get3A_519 = arith.constant 0 : i32
      %get3A_520 = arith.index_cast %get3A_519 : i32 to index
      %get3A_521 = arith.index_cast %add3A_328 : i32 to index
      %get3A_522 = arith.constant 192 : index
      %get3A_523 = tpu.vector_load %arg7[%get3A_520, %get3A_521, %get3A_522] {strides = array<i32>} : memref<2x64x256xf32, #tpu.memory_space<vmem>>, vector<1x1x16xf32>,
      %get3A_524 = vector.shape_cast %get3A_523 : vector<1x1x16xf32> to vector<16xf32>
      %mul3A_525 = arith.constant 2.000000e+00 : f32
      %mul3A_526 = vector.broadcast %mul3A_525 : f32 to vector<16xf32>
      %mul3A_527 = arith.mulf %mul3A_526, %get3A_524 : vector<16xf32>
      %swap3A_528 = arith.constant 0 : i32
      %swap3A_529 = arith.index_cast %swap3A_528 : i32 to index
      %swap3A_530 = arith.index_cast %add3A_328 : i32 to index
      %swap3A_531 = arith.constant 192 : index
      %swap3A_532 = tpu.vector_load %arg8[%swap3A_529, %swap3A_530, %swap3A_531] {strides = array<i32>} : memref<2x64x256xf32, #tpu.memory_space<vmem>>, vector<1x1x16xf32>,
      %swap3A_533 = vector.shape_cast %swap3A_532 : vector<1x1x16xf32> to vector<16xf32>
      %swap3A_534 = vector.shape_cast %mul3A_527 : vector<16xf32> to vector<1x1x16xf32>
      tpu.vector_store %arg8[%swap3A_529, %swap3A_530, %swap3A_531], %swap3A_534 {add = true, strides = array<i32>} : memref<2x64x256xf32, #tpu.memory_space<vmem>>, vector<1x1x16xf32>,
      %get3A_535 = arith.constant 0 : i32
      %get3A_536 = arith.index_cast %get3A_535 : i32 to index
      %get3A_537 = arith.index_cast %add3A_328 : i32 to index
      %get3A_538 = arith.constant 208 : index
      %get3A_539 = tpu.vector_load %arg7[%get3A_536, %get3A_537, %get3A_538] {strides = array<i32>} : memref<2x64x256xf32, #tpu.memory_space<vmem>>, vector<1x1x16xf32>,
      %get3A_540 = vector.shape_cast %get3A_539 : vector<1x1x16xf32> to vector<16xf32>
      %mul3A_541 = arith.constant 2.000000e+00 : f32
      %mul3A_542 = vector.broadcast %mul3A_541 : f32 to vector<16xf32>
      %mul3A_543 = arith.mulf %mul3A_542, %get3A_540 : vector<16xf32>
      %swap3A_544 = arith.constant 0 : i32
      %swap3A_545 = arith.index_cast %swap3A_544 : i32 to index
      %swap3A_546 = arith.index_cast %add3A_328 : i32 to index
      %swap3A_547 = arith.constant 208 : index
      %swap3A_548 = tpu.vector_load %arg8[%swap3A_545, %swap3A_546, %swap3A_547] {strides = array<i32>} : memref<2x64x256xf32, #tpu.memory_space<vmem>>, vector<1x1x16xf32>,
      %swap3A_549 = vector.shape_cast %swap3A_548 : vector<1x1x16xf32> to vector<16xf32>
      %swap3A_550 = vector.shape_cast %mul3A_543 : vector<16xf32> to vector<1x1x16xf32>
      tpu.vector_store %arg8[%swap3A_545, %swap3A_546, %swap3A_547], %swap3A_550 {add = true, strides = array<i32>} : memref<2x64x256xf32, #tpu.memory_space<vmem>>, vector<1x1x16xf32>,
      %get3A_551 = arith.constant 0 : i32
      %get3A_552 = arith.index_cast %get3A_551 : i32 to index
      %get3A_553 = arith.index_cast %add3A_328 : i32 to index
      %get3A_554 = arith.constant 224 : index
      %get3A_555 = tpu.vector_load %arg7[%get3A_552, %get3A_553, %get3A_554] {strides = array<i32>} : memref<2x64x256xf32, #tpu.memory_space<vmem>>, vector<1x1x16xf32>,
      %get3A_556 = vector.shape_cast %get3A_555 : vector<1x1x16xf32> to vector<16xf32>
      %mul3A_557 = arith.constant 2.000000e+00 : f32
      %mul3A_558 = vector.broadcast %mul3A_557 : f32 to vector<16xf32>
      %mul3A_559 = arith.mulf %mul3A_558, %get3A_556 : vector<16xf32>
      %swap3A_560 = arith.constant 0 : i32
      %swap3A_561 = arith.index_cast %swap3A_560 : i32 to index
      %swap3A_562 = arith.index_cast %add3A_328 : i32 to index
      %swap3A_563 = arith.constant 224 : index
      %swap3A_564 = tpu.vector_load %arg8[%swap3A_561, %swap3A_562, %swap3A_563] {strides = array<i32>} : memref<2x64x256xf32, #tpu.memory_space<vmem>>, vector<1x1x16xf32>,
      %swap3A_565 = vector.shape_cast %swap3A_564 : vector<1x1x16xf32> to vector<16xf32>
      %swap3A_566 = vector.shape_cast %mul3A_559 : vector<16xf32> to vector<1x1x16xf32>
      tpu.vector_store %arg8[%swap3A_561, %swap3A_562, %swap3A_563], %swap3A_566 {add = true, strides = array<i32>} : memref<2x64x256xf32, #tpu.memory_space<vmem>>, vector<1x1x16xf32>,
      %get3A_567 = arith.constant 0 : i32
      %get3A_568 = arith.index_cast %get3A_567 : i32 to index
      %get3A_569 = arith.index_cast %add3A_328 : i32 to index
      %get3A_570 = arith.constant 240 : index
      %get3A_571 = tpu.vector_load %arg7[%get3A_568, %get3A_569, %get3A_570] {strides = array<i32>} : memref<2x64x256xf32, #tpu.memory_space<vmem>>, vector<1x1x16xf32>,
      %get3A_572 = vector.shape_cast %get3A_571 : vector<1x1x16xf32> to vector<16xf32>
      %mul3A_573 = arith.constant 2.000000e+00 : f32
      %mul3A_574 = vector.broadcast %mul3A_573 : f32 to vector<16xf32>
      %mul3A_575 = arith.mulf %mul3A_574, %get3A_572 : vector<16xf32>
      %swap3A_576 = arith.constant 0 : i32
      %swap3A_577 = arith.index_cast %swap3A_576 : i32 to index
      %swap3A_578 = arith.index_cast %add3A_328 : i32 to index
      %swap3A_579 = arith.constant 240 : index
      %swap3A_580 = tpu.vector_load %arg8[%swap3A_577, %swap3A_578, %swap3A_579] {strides = array<i32>} : memref<2x64x256xf32, #tpu.memory_space<vmem>>, vector<1x1x16xf32>,
      %swap3A_581 = vector.shape_cast %swap3A_580 : vector<1x1x16xf32> to vector<16xf32>
      %swap3A_582 = vector.shape_cast %mul3A_575 : vector<16xf32> to vector<1x1x16xf32>
      tpu.vector_store %arg8[%swap3A_577, %swap3A_578, %swap3A_579], %swap3A_582 {add = true, strides = array<i32>} : memref<2x64x256xf32, #tpu.memory_space<vmem>>, vector<1x1x16xf32>,
    }
    %scan3A_77 = arith.constant 64 : i32
    %add3A_78 = arith.constant 0 : i32
    %add3A_79 = arith.addi %mul3A_2, %add3A_78 : i32
    %dma_start3A_80 = arith.constant 0 : i32
    %dma_start3A_81 = arith.constant 0 : i32
    %dma_start3A_82 = arith.constant 0 : i32
    %dma_start3A_83 = tpu.memref_slice %arg8[%dma_start3A_80, %dma_start3A_81, %dma_start3A_82] : memref<2x64x256xf32, #tpu.memory_space<vmem>> -> memref<1x64x256xf32, #tpu.memory_space<vmem>>
    %dma_start3A_84 = tpu.memref_squeeze %dma_start3A_83 : memref<1x64x256xf32, #tpu.memory_space<vmem>> -> memref<64x256xf32, #tpu.memory_space<vmem>>
    %dma_start3A_85 = arith.constant 0 : i32
    %dma_start3A_86 = tpu.memref_slice %arg5[%add3A_79, %dma_start3A_85] : memref<8192x256xf32, #tpu.memory_space<hbm>> -> memref<64x256xf32, #tpu.memory_space<hbm>>
    %dma_start3A_87 = arith.constant 0 : i32
    %dma_start3A_88 = tpu.memref_slice %arg5[%add3A_79, %dma_start3A_87] : memref<8192x256xf32, #tpu.memory_space<hbm>> -> memref<64x256xf32, #tpu.memory_space<hbm>>
    %dma_start3A_89 = arith.constant 0 : i32
    %dma_start3A_90 = arith.constant 0 : i32
    %dma_start3A_91 = tpu.memref_slice %arg8[%dma_start3A_80, %dma_start3A_89, %dma_start3A_90] : memref<2x64x256xf32, #tpu.memory_space<vmem>> -> memref<1x64x256xf32, #tpu.memory_space<vmem>>
    %dma_start3A_92 = tpu.memref_squeeze %dma_start3A_91 : memref<1x64x256xf32, #tpu.memory_space<vmem>> -> memref<64x256xf32, #tpu.memory_space<vmem>>
    tpu.enqueue_dma source(%dma_start3A_92 : memref<64x256xf32, #tpu.memory_space<vmem>>) target(%dma_start3A_88 : memref<64x256xf32, #tpu.memory_space<hbm>>) target_semaphore(%arg11 : memref<!tpu.dma_semaphore, #tpu.memory_space<semaphore_mem>>)
    %dma_wait3A_93 = arith.constant 0 : i32
    %dma_wait3A_94 = arith.constant 0 : i32
    %dma_wait3A_95 = arith.constant 0 : i32
    %dma_wait3A_96 = tpu.memref_slice %arg8[%dma_wait3A_93, %dma_wait3A_94, %dma_wait3A_95] : memref<2x64x256xf32, #tpu.memory_space<vmem>> -> memref<1x64x256xf32, #tpu.memory_space<vmem>>
    %dma_wait3A_97 = tpu.memref_squeeze %dma_wait3A_96 : memref<1x64x256xf32, #tpu.memory_space<vmem>> -> memref<64x256xf32, #tpu.memory_space<vmem>>
    %dma_wait3A_98 = arith.constant 0 : i32
    %dma_wait3A_99 = tpu.memref_slice %arg5[%add3A_79, %dma_wait3A_98] : memref<8192x256xf32, #tpu.memory_space<hbm>> -> memref<64x256xf32, #tpu.memory_space<hbm>>
    %dma_wait3A_100 = arith.constant 0 : i32
    %dma_wait3A_101 = tpu.memref_slice %arg5[%add3A_79, %dma_wait3A_100] : memref<8192x256xf32, #tpu.memory_space<hbm>> -> memref<64x256xf32, #tpu.memory_space<hbm>>
    %dma_wait3A_102 = arith.constant 0 : i32
    %dma_wait3A_103 = arith.constant 0 : i32
    %dma_wait3A_104 = tpu.memref_slice %arg8[%dma_wait3A_93, %dma_wait3A_102, %dma_wait3A_103] : memref<2x64x256xf32, #tpu.memory_space<vmem>> -> memref<1x64x256xf32, #tpu.memory_space<vmem>>
    %dma_wait3A_105 = tpu.memref_squeeze %dma_wait3A_104 : memref<1x64x256xf32, #tpu.memory_space<vmem>> -> memref<64x256xf32, #tpu.memory_space<vmem>>
    tpu.wait_dma2 semaphore(%arg11 : memref<!tpu.dma_semaphore, #tpu.memory_space<semaphore_mem>>) src(%dma_wait3A_105 : memref<64x256xf32, #tpu.memory_space<vmem>>) dst(%dma_wait3A_101 : memref<64x256xf32, #tpu.memory_space<hbm>>)
    %dma_start3A_106 = arith.constant 0 : i32
    %dma_start3A_107 = arith.constant 0 : i32
    %dma_start3A_108 = arith.constant 0 : i32
    %dma_start3A_109 = tpu.memref_slice %arg7[%dma_start3A_106, %dma_start3A_107, %dma_start3A_108] : memref<2x64x256xf32, #tpu.memory_space<vmem>> -> memref<1x64x256xf32, #tpu.memory_space<vmem>>
    %dma_start3A_110 = tpu.memref_squeeze %dma_start3A_109 : memref<1x64x256xf32, #tpu.memory_space<vmem>> -> memref<64x256xf32, #tpu.memory_space<vmem>>
    %dma_start3A_111 = arith.constant 128 : i32
    %dma_start3A_112 = tpu.memref_slice %arg6[%dma_start3A_111] : memref<256xi32, #tpu.memory_space<vmem>> -> memref<64xi32, #tpu.memory_space<vmem>>
    %dma_start3A_113 = arith.constant 0 : i32
    %dma_start3A_114 = arith.constant 0 : i32
    %dma_start3A_115 = tpu.memref_slice %arg2[%dma_start3A_113, %dma_start3A_114] : memref<8192x256xf32, #tpu.memory_space<hbm>> -> memref<8192x256xf32, #tpu.memory_space<hbm>>
    tpu.enqueue_indirect_dma source(%dma_start3A_115 : memref<8192x256xf32, #tpu.memory_space<hbm>>) target(%dma_start3A_110 : memref<64x256xf32, #tpu.memory_space<vmem>>) offsets(%dma_start3A_112 : memref<64xi32, #tpu.memory_space<vmem>>) semaphore(%arg9 : memref<!tpu.dma_semaphore, #tpu.memory_space<semaphore_mem>>)
    %add3A_116 = arith.constant 128 : i32
    %add3A_117 = arith.addi %mul3A_2, %add3A_116 : i32
    %dma_start3A_118 = arith.constant 0 : i32
    %dma_start3A_119 = arith.constant 0 : i32
    %dma_start3A_120 = arith.constant 0 : i32
    %dma_start3A_121 = tpu.memref_slice %arg8[%dma_start3A_118, %dma_start3A_119, %dma_start3A_120] : memref<2x64x256xf32, #tpu.memory_space<vmem>> -> memref<1x64x256xf32, #tpu.memory_space<vmem>>
    %dma_start3A_122 = tpu.memref_squeeze %dma_start3A_121 : memref<1x64x256xf32, #tpu.memory_space<vmem>> -> memref<64x256xf32, #tpu.memory_space<vmem>>
    %dma_start3A_123 = arith.constant 0 : i32
    %dma_start3A_124 = tpu.memref_slice %arg4[%add3A_117, %dma_start3A_123] : memref<8192x256xf32, #tpu.memory_space<hbm>> -> memref<64x256xf32, #tpu.memory_space<hbm>>
    %dma_start3A_125 = arith.constant 0 : i32
    %dma_start3A_126 = arith.constant 0 : i32
    %dma_start3A_127 = tpu.memref_slice %arg8[%dma_start3A_118, %dma_start3A_125, %dma_start3A_126] : memref<2x64x256xf32, #tpu.memory_space<vmem>> -> memref<1x64x256xf32, #tpu.memory_space<vmem>>
    %dma_start3A_128 = tpu.memref_squeeze %dma_start3A_127 : memref<1x64x256xf32, #tpu.memory_space<vmem>> -> memref<64x256xf32, #tpu.memory_space<vmem>>
    %dma_start3A_129 = arith.constant 0 : i32
    %dma_start3A_130 = tpu.memref_slice %arg4[%add3A_117, %dma_start3A_129] : memref<8192x256xf32, #tpu.memory_space<hbm>> -> memref<64x256xf32, #tpu.memory_space<hbm>>
    tpu.enqueue_dma source(%dma_start3A_130 : memref<64x256xf32, #tpu.memory_space<hbm>>) target(%dma_start3A_128 : memref<64x256xf32, #tpu.memory_space<vmem>>) target_semaphore(%arg10 : memref<!tpu.dma_semaphore, #tpu.memory_space<semaphore_mem>>)
    %dma_wait3A_131 = arith.constant 1 : i32
    %dma_wait3A_132 = arith.constant 0 : i32
    %dma_wait3A_133 = arith.constant 0 : i32
    %dma_wait3A_134 = tpu.memref_slice %arg7[%dma_wait3A_131, %dma_wait3A_132, %dma_wait3A_133] : memref<2x64x256xf32, #tpu.memory_space<vmem>> -> memref<1x64x256xf32, #tpu.memory_space<vmem>>
    %dma_wait3A_135 = tpu.memref_squeeze %dma_wait3A_134 : memref<1x64x256xf32, #tpu.memory_space<vmem>> -> memref<64x256xf32, #tpu.memory_space<vmem>>
    %dma_wait3A_136 = arith.constant 64 : i32
    %dma_wait3A_137 = tpu.memref_slice %arg6[%dma_wait3A_136] : memref<256xi32, #tpu.memory_space<vmem>> -> memref<64xi32, #tpu.memory_space<vmem>>
    %dma_wait3A_138 = arith.constant 0 : i32
    %dma_wait3A_139 = arith.constant 0 : i32
    %dma_wait3A_140 = tpu.memref_slice %arg2[%dma_wait3A_138, %dma_wait3A_139] : memref<8192x256xf32, #tpu.memory_space<hbm>> -> memref<8192x256xf32, #tpu.memory_space<hbm>>
    tpu.wait_indirect_dma semaphore(%arg9 : memref<!tpu.dma_semaphore, #tpu.memory_space<semaphore_mem>>) src(%dma_wait3A_140 : memref<8192x256xf32, #tpu.memory_space<hbm>>) dst(%dma_wait3A_135 : memref<64x256xf32, #tpu.memory_space<vmem>>)
    %dma_wait3A_141 = arith.constant 1 : i32
    %dma_wait3A_142 = arith.constant 0 : i32
    %dma_wait3A_143 = arith.constant 0 : i32
    %dma_wait3A_144 = tpu.memref_slice %arg8[%dma_wait3A_141, %dma_wait3A_142, %dma_wait3A_143] : memref<2x64x256xf32, #tpu.memory_space<vmem>> -> memref<1x64x256xf32, #tpu.memory_space<vmem>>
    %dma_wait3A_145 = tpu.memref_squeeze %dma_wait3A_144 : memref<1x64x256xf32, #tpu.memory_space<vmem>> -> memref<64x256xf32, #tpu.memory_space<vmem>>
    %dma_wait3A_146 = arith.constant 0 : i32
    %dma_wait3A_147 = tpu.memref_slice %arg4[%add3A_38, %dma_wait3A_146] : memref<8192x256xf32, #tpu.memory_space<hbm>> -> memref<64x256xf32, #tpu.memory_space<hbm>>
    %dma_wait3A_148 = arith.constant 0 : i32
    %dma_wait3A_149 = arith.constant 0 : i32
    %dma_wait3A_150 = tpu.memref_slice %arg8[%dma_wait3A_141, %dma_wait3A_148, %dma_wait3A_149] : memref<2x64x256xf32, #tpu.memory_space<vmem>> -> memref<1x64x256xf32, #tpu.memory_space<vmem>>
    %dma_wait3A_151 = tpu.memref_squeeze %dma_wait3A_150 : memref<1x64x256xf32, #tpu.memory_space<vmem>> -> memref<64x256xf32, #tpu.memory_space<vmem>>
    %dma_wait3A_152 = arith.constant 0 : i32
    %dma_wait3A_153 = tpu.memref_slice %arg4[%add3A_38, %dma_wait3A_152] : memref<8192x256xf32, #tpu.memory_space<hbm>> -> memref<64x256xf32, #tpu.memory_space<hbm>>
    tpu.wait_dma2 semaphore(%arg10 : memref<!tpu.dma_semaphore, #tpu.memory_space<semaphore_mem>>) src(%dma_wait3A_153 : memref<64x256xf32, #tpu.memory_space<hbm>>) dst(%dma_wait3A_151 : memref<64x256xf32, #tpu.memory_space<vmem>>)
    %scan3A_154 = arith.constant 0 : i32
    %scan3A_155 = arith.constant 64 : i32
    %scan3A_156 = arith.addi %scan3A_154, %scan3A_155 : i32
    %scan3A_157 = arith.constant 1 : i32
    scf.for %scan3A_324 = %scan3A_154 to %scan3A_156 step %scan3A_157  : i32 {
      %mul3A_325 = arith.constant 1 : i32
      %mul3A_326 = arith.muli %scan3A_324, %mul3A_325 : i32
      %add3A_327 = arith.constant 0 : i32
      %add3A_328 = arith.addi %add3A_327, %mul3A_326 : i32
      %get3A = arith.constant 1 : i32
      %get3A_329 = arith.index_cast %get3A : i32 to index
      %get3A_330 = arith.index_cast %add3A_328 : i32 to index
      %get3A_331 = arith.constant 0 : index
      %get3A_332 = tpu.vector_load %arg7[%get3A_329, %get3A_330, %get3A_331] {strides = array<i32>} : memref<2x64x256xf32, #tpu.memory_space<vmem>>, vector<1x1x16xf32>,
      %get3A_333 = vector.shape_cast %get3A_332 : vector<1x1x16xf32> to vector<16xf32>
      %mul3A_334 = arith.constant 2.000000e+00 : f32
      %mul3A_335 = vector.broadcast %mul3A_334 : f32 to vector<16xf32>
      %mul3A_336 = arith.mulf %mul3A_335, %get3A_333 : vector<16xf32>
      %swap3A = arith.constant 1 : i32
      %swap3A_337 = arith.index_cast %swap3A : i32 to index
      %swap3A_338 = arith.index_cast %add3A_328 : i32 to index
      %swap3A_339 = arith.constant 0 : index
      %swap3A_340 = tpu.vector_load %arg8[%swap3A_337, %swap3A_338, %swap3A_339] {strides = array<i32>} : memref<2x64x256xf32, #tpu.memory_space<vmem>>, vector<1x1x16xf32>,
      %swap3A_341 = vector.shape_cast %swap3A_340 : vector<1x1x16xf32> to vector<16xf32>
      %swap3A_342 = vector.shape_cast %mul3A_336 : vector<16xf32> to vector<1x1x16xf32>
      tpu.vector_store %arg8[%swap3A_337, %swap3A_338, %swap3A_339], %swap3A_342 {add = true, strides = array<i32>} : memref<2x64x256xf32, #tpu.memory_space<vmem>>, vector<1x1x16xf32>,
      %get3A_343 = arith.constant 1 : i32
      %get3A_344 = arith.index_cast %get3A_343 : i32 to index
      %get3A_345 = arith.index_cast %add3A_328 : i32 to index
      %get3A_346 = arith.constant 16 : index
      %get3A_347 = tpu.vector_load %arg7[%get3A_344, %get3A_345, %get3A_346] {strides = array<i32>} : memref<2x64x256xf32, #tpu.memory_space<vmem>>, vector<1x1x16xf32>,
      %get3A_348 = vector.shape_cast %get3A_347 : vector<1x1x16xf32> to vector<16xf32>
      %mul3A_349 = arith.constant 2.000000e+00 : f32
      %mul3A_350 = vector.broadcast %mul3A_349 : f32 to vector<16xf32>
      %mul3A_351 = arith.mulf %mul3A_350, %get3A_348 : vector<16xf32>
      %swap3A_352 = arith.constant 1 : i32
      %swap3A_353 = arith.index_cast %swap3A_352 : i32 to index
      %swap3A_354 = arith.index_cast %add3A_328 : i32 to index
      %swap3A_355 = arith.constant 16 : index
      %swap3A_356 = tpu.vector_load %arg8[%swap3A_353, %swap3A_354, %swap3A_355] {strides = array<i32>} : memref<2x64x256xf32, #tpu.memory_space<vmem>>, vector<1x1x16xf32>,
      %swap3A_357 = vector.shape_cast %swap3A_356 : vector<1x1x16xf32> to vector<16xf32>
      %swap3A_358 = vector.shape_cast %mul3A_351 : vector<16xf32> to vector<1x1x16xf32>
      tpu.vector_store %arg8[%swap3A_353, %swap3A_354, %swap3A_355], %swap3A_358 {add = true, strides = array<i32>} : memref<2x64x256xf32, #tpu.memory_space<vmem>>, vector<1x1x16xf32>,
      %get3A_359 = arith.constant 1 : i32
      %get3A_360 = arith.index_cast %get3A_359 : i32 to index
      %get3A_361 = arith.index_cast %add3A_328 : i32 to index
      %get3A_362 = arith.constant 32 : index
      %get3A_363 = tpu.vector_load %arg7[%get3A_360, %get3A_361, %get3A_362] {strides = array<i32>} : memref<2x64x256xf32, #tpu.memory_space<vmem>>, vector<1x1x16xf32>,
      %get3A_364 = vector.shape_cast %get3A_363 : vector<1x1x16xf32> to vector<16xf32>
      %mul3A_365 = arith.constant 2.000000e+00 : f32
      %mul3A_366 = vector.broadcast %mul3A_365 : f32 to vector<16xf32>
      %mul3A_367 = arith.mulf %mul3A_366, %get3A_364 : vector<16xf32>
      %swap3A_368 = arith.constant 1 : i32
      %swap3A_369 = arith.index_cast %swap3A_368 : i32 to index
      %swap3A_370 = arith.index_cast %add3A_328 : i32 to index
      %swap3A_371 = arith.constant 32 : index
      %swap3A_372 = tpu.vector_load %arg8[%swap3A_369, %swap3A_370, %swap3A_371] {strides = array<i32>} : memref<2x64x256xf32, #tpu.memory_space<vmem>>, vector<1x1x16xf32>,
      %swap3A_373 = vector.shape_cast %swap3A_372 : vector<1x1x16xf32> to vector<16xf32>
      %swap3A_374 = vector.shape_cast %mul3A_367 : vector<16xf32> to vector<1x1x16xf32>
      tpu.vector_store %arg8[%swap3A_369, %swap3A_370, %swap3A_371], %swap3A_374 {add = true, strides = array<i32>} : memref<2x64x256xf32, #tpu.memory_space<vmem>>, vector<1x1x16xf32>,
      %get3A_375 = arith.constant 1 : i32
      %get3A_376 = arith.index_cast %get3A_375 : i32 to index
      %get3A_377 = arith.index_cast %add3A_328 : i32 to index
      %get3A_378 = arith.constant 48 : index
      %get3A_379 = tpu.vector_load %arg7[%get3A_376, %get3A_377, %get3A_378] {strides = array<i32>} : memref<2x64x256xf32, #tpu.memory_space<vmem>>, vector<1x1x16xf32>,
      %get3A_380 = vector.shape_cast %get3A_379 : vector<1x1x16xf32> to vector<16xf32>
      %mul3A_381 = arith.constant 2.000000e+00 : f32
      %mul3A_382 = vector.broadcast %mul3A_381 : f32 to vector<16xf32>
      %mul3A_383 = arith.mulf %mul3A_382, %get3A_380 : vector<16xf32>
      %swap3A_384 = arith.constant 1 : i32
      %swap3A_385 = arith.index_cast %swap3A_384 : i32 to index
      %swap3A_386 = arith.index_cast %add3A_328 : i32 to index
      %swap3A_387 = arith.constant 48 : index
      %swap3A_388 = tpu.vector_load %arg8[%swap3A_385, %swap3A_386, %swap3A_387] {strides = array<i32>} : memref<2x64x256xf32, #tpu.memory_space<vmem>>, vector<1x1x16xf32>,
      %swap3A_389 = vector.shape_cast %swap3A_388 : vector<1x1x16xf32> to vector<16xf32>
      %swap3A_390 = vector.shape_cast %mul3A_383 : vector<16xf32> to vector<1x1x16xf32>
      tpu.vector_store %arg8[%swap3A_385, %swap3A_386, %swap3A_387], %swap3A_390 {add = true, strides = array<i32>} : memref<2x64x256xf32, #tpu.memory_space<vmem>>, vector<1x1x16xf32>,
      %get3A_391 = arith.constant 1 : i32
      %get3A_392 = arith.index_cast %get3A_391 : i32 to index
      %get3A_393 = arith.index_cast %add3A_328 : i32 to index
      %get3A_394 = arith.constant 64 : index
      %get3A_395 = tpu.vector_load %arg7[%get3A_392, %get3A_393, %get3A_394] {strides = array<i32>} : memref<2x64x256xf32, #tpu.memory_space<vmem>>, vector<1x1x16xf32>,
      %get3A_396 = vector.shape_cast %get3A_395 : vector<1x1x16xf32> to vector<16xf32>
      %mul3A_397 = arith.constant 2.000000e+00 : f32
      %mul3A_398 = vector.broadcast %mul3A_397 : f32 to vector<16xf32>
      %mul3A_399 = arith.mulf %mul3A_398, %get3A_396 : vector<16xf32>
      %swap3A_400 = arith.constant 1 : i32
      %swap3A_401 = arith.index_cast %swap3A_400 : i32 to index
      %swap3A_402 = arith.index_cast %add3A_328 : i32 to index
      %swap3A_403 = arith.constant 64 : index
      %swap3A_404 = tpu.vector_load %arg8[%swap3A_401, %swap3A_402, %swap3A_403] {strides = array<i32>} : memref<2x64x256xf32, #tpu.memory_space<vmem>>, vector<1x1x16xf32>,
      %swap3A_405 = vector.shape_cast %swap3A_404 : vector<1x1x16xf32> to vector<16xf32>
      %swap3A_406 = vector.shape_cast %mul3A_399 : vector<16xf32> to vector<1x1x16xf32>
      tpu.vector_store %arg8[%swap3A_401, %swap3A_402, %swap3A_403], %swap3A_406 {add = true, strides = array<i32>} : memref<2x64x256xf32, #tpu.memory_space<vmem>>, vector<1x1x16xf32>,
      %get3A_407 = arith.constant 1 : i32
      %get3A_408 = arith.index_cast %get3A_407 : i32 to index
      %get3A_409 = arith.index_cast %add3A_328 : i32 to index
      %get3A_410 = arith.constant 80 : index
      %get3A_411 = tpu.vector_load %arg7[%get3A_408, %get3A_409, %get3A_410] {strides = array<i32>} : memref<2x64x256xf32, #tpu.memory_space<vmem>>, vector<1x1x16xf32>,
      %get3A_412 = vector.shape_cast %get3A_411 : vector<1x1x16xf32> to vector<16xf32>
      %mul3A_413 = arith.constant 2.000000e+00 : f32
      %mul3A_414 = vector.broadcast %mul3A_413 : f32 to vector<16xf32>
      %mul3A_415 = arith.mulf %mul3A_414, %get3A_412 : vector<16xf32>
      %swap3A_416 = arith.constant 1 : i32
      %swap3A_417 = arith.index_cast %swap3A_416 : i32 to index
      %swap3A_418 = arith.index_cast %add3A_328 : i32 to index
      %swap3A_419 = arith.constant 80 : index
      %swap3A_420 = tpu.vector_load %arg8[%swap3A_417, %swap3A_418, %swap3A_419] {strides = array<i32>} : memref<2x64x256xf32, #tpu.memory_space<vmem>>, vector<1x1x16xf32>,
      %swap3A_421 = vector.shape_cast %swap3A_420 : vector<1x1x16xf32> to vector<16xf32>
      %swap3A_422 = vector.shape_cast %mul3A_415 : vector<16xf32> to vector<1x1x16xf32>
      tpu.vector_store %arg8[%swap3A_417, %swap3A_418, %swap3A_419], %swap3A_422 {add = true, strides = array<i32>} : memref<2x64x256xf32, #tpu.memory_space<vmem>>, vector<1x1x16xf32>,
      %get3A_423 = arith.constant 1 : i32
      %get3A_424 = arith.index_cast %get3A_423 : i32 to index
      %get3A_425 = arith.index_cast %add3A_328 : i32 to index
      %get3A_426 = arith.constant 96 : index
      %get3A_427 = tpu.vector_load %arg7[%get3A_424, %get3A_425, %get3A_426] {strides = array<i32>} : memref<2x64x256xf32, #tpu.memory_space<vmem>>, vector<1x1x16xf32>,
      %get3A_428 = vector.shape_cast %get3A_427 : vector<1x1x16xf32> to vector<16xf32>
      %mul3A_429 = arith.constant 2.000000e+00 : f32
      %mul3A_430 = vector.broadcast %mul3A_429 : f32 to vector<16xf32>
      %mul3A_431 = arith.mulf %mul3A_430, %get3A_428 : vector<16xf32>
      %swap3A_432 = arith.constant 1 : i32
      %swap3A_433 = arith.index_cast %swap3A_432 : i32 to index
      %swap3A_434 = arith.index_cast %add3A_328 : i32 to index
      %swap3A_435 = arith.constant 96 : index
      %swap3A_436 = tpu.vector_load %arg8[%swap3A_433, %swap3A_434, %swap3A_435] {strides = array<i32>} : memref<2x64x256xf32, #tpu.memory_space<vmem>>, vector<1x1x16xf32>,
      %swap3A_437 = vector.shape_cast %swap3A_436 : vector<1x1x16xf32> to vector<16xf32>
      %swap3A_438 = vector.shape_cast %mul3A_431 : vector<16xf32> to vector<1x1x16xf32>
      tpu.vector_store %arg8[%swap3A_433, %swap3A_434, %swap3A_435], %swap3A_438 {add = true, strides = array<i32>} : memref<2x64x256xf32, #tpu.memory_space<vmem>>, vector<1x1x16xf32>,
      %get3A_439 = arith.constant 1 : i32
      %get3A_440 = arith.index_cast %get3A_439 : i32 to index
      %get3A_441 = arith.index_cast %add3A_328 : i32 to index
      %get3A_442 = arith.constant 112 : index
      %get3A_443 = tpu.vector_load %arg7[%get3A_440, %get3A_441, %get3A_442] {strides = array<i32>} : memref<2x64x256xf32, #tpu.memory_space<vmem>>, vector<1x1x16xf32>,
      %get3A_444 = vector.shape_cast %get3A_443 : vector<1x1x16xf32> to vector<16xf32>
      %mul3A_445 = arith.constant 2.000000e+00 : f32
      %mul3A_446 = vector.broadcast %mul3A_445 : f32 to vector<16xf32>
      %mul3A_447 = arith.mulf %mul3A_446, %get3A_444 : vector<16xf32>
      %swap3A_448 = arith.constant 1 : i32
      %swap3A_449 = arith.index_cast %swap3A_448 : i32 to index
      %swap3A_450 = arith.index_cast %add3A_328 : i32 to index
      %swap3A_451 = arith.constant 112 : index
      %swap3A_452 = tpu.vector_load %arg8[%swap3A_449, %swap3A_450, %swap3A_451] {strides = array<i32>} : memref<2x64x256xf32, #tpu.memory_space<vmem>>, vector<1x1x16xf32>,
      %swap3A_453 = vector.shape_cast %swap3A_452 : vector<1x1x16xf32> to vector<16xf32>
      %swap3A_454 = vector.shape_cast %mul3A_447 : vector<16xf32> to vector<1x1x16xf32>
      tpu.vector_store %arg8[%swap3A_449, %swap3A_450, %swap3A_451], %swap3A_454 {add = true, strides = array<i32>} : memref<2x64x256xf32, #tpu.memory_space<vmem>>, vector<1x1x16xf32>,
      %get3A_455 = arith.constant 1 : i32
      %get3A_456 = arith.index_cast %get3A_455 : i32 to index
      %get3A_457 = arith.index_cast %add3A_328 : i32 to index
      %get3A_458 = arith.constant 128 : index
      %get3A_459 = tpu.vector_load %arg7[%get3A_456, %get3A_457, %get3A_458] {strides = array<i32>} : memref<2x64x256xf32, #tpu.memory_space<vmem>>, vector<1x1x16xf32>,
      %get3A_460 = vector.shape_cast %get3A_459 : vector<1x1x16xf32> to vector<16xf32>
      %mul3A_461 = arith.constant 2.000000e+00 : f32
      %mul3A_462 = vector.broadcast %mul3A_461 : f32 to vector<16xf32>
      %mul3A_463 = arith.mulf %mul3A_462, %get3A_460 : vector<16xf32>
      %swap3A_464 = arith.constant 1 : i32
      %swap3A_465 = arith.index_cast %swap3A_464 : i32 to index
      %swap3A_466 = arith.index_cast %add3A_328 : i32 to index
      %swap3A_467 = arith.constant 128 : index
      %swap3A_468 = tpu.vector_load %arg8[%swap3A_465, %swap3A_466, %swap3A_467] {strides = array<i32>} : memref<2x64x256xf32, #tpu.memory_space<vmem>>, vector<1x1x16xf32>,
      %swap3A_469 = vector.shape_cast %swap3A_468 : vector<1x1x16xf32> to vector<16xf32>
      %swap3A_470 = vector.shape_cast %mul3A_463 : vector<16xf32> to vector<1x1x16xf32>
      tpu.vector_store %arg8[%swap3A_465, %swap3A_466, %swap3A_467], %swap3A_470 {add = true, strides = array<i32>} : memref<2x64x256xf32, #tpu.memory_space<vmem>>, vector<1x1x16xf32>,
      %get3A_471 = arith.constant 1 : i32
      %get3A_472 = arith.index_cast %get3A_471 : i32 to index
      %get3A_473 = arith.index_cast %add3A_328 : i32 to index
      %get3A_474 = arith.constant 144 : index
      %get3A_475 = tpu.vector_load %arg7[%get3A_472, %get3A_473, %get3A_474] {strides = array<i32>} : memref<2x64x256xf32, #tpu.memory_space<vmem>>, vector<1x1x16xf32>,
      %get3A_476 = vector.shape_cast %get3A_475 : vector<1x1x16xf32> to vector<16xf32>
      %mul3A_477 = arith.constant 2.000000e+00 : f32
      %mul3A_478 = vector.broadcast %mul3A_477 : f32 to vector<16xf32>
      %mul3A_479 = arith.mulf %mul3A_478, %get3A_476 : vector<16xf32>
      %swap3A_480 = arith.constant 1 : i32
      %swap3A_481 = arith.index_cast %swap3A_480 : i32 to index
      %swap3A_482 = arith.index_cast %add3A_328 : i32 to index
      %swap3A_483 = arith.constant 144 : index
      %swap3A_484 = tpu.vector_load %arg8[%swap3A_481, %swap3A_482, %swap3A_483] {strides = array<i32>} : memref<2x64x256xf32, #tpu.memory_space<vmem>>, vector<1x1x16xf32>,
      %swap3A_485 = vector.shape_cast %swap3A_484 : vector<1x1x16xf32> to vector<16xf32>
      %swap3A_486 = vector.shape_cast %mul3A_479 : vector<16xf32> to vector<1x1x16xf32>
      tpu.vector_store %arg8[%swap3A_481, %swap3A_482, %swap3A_483], %swap3A_486 {add = true, strides = array<i32>} : memref<2x64x256xf32, #tpu.memory_space<vmem>>, vector<1x1x16xf32>,
      %get3A_487 = arith.constant 1 : i32
      %get3A_488 = arith.index_cast %get3A_487 : i32 to index
      %get3A_489 = arith.index_cast %add3A_328 : i32 to index
      %get3A_490 = arith.constant 160 : index
      %get3A_491 = tpu.vector_load %arg7[%get3A_488, %get3A_489, %get3A_490] {strides = array<i32>} : memref<2x64x256xf32, #tpu.memory_space<vmem>>, vector<1x1x16xf32>,
      %get3A_492 = vector.shape_cast %get3A_491 : vector<1x1x16xf32> to vector<16xf32>
      %mul3A_493 = arith.constant 2.000000e+00 : f32
      %mul3A_494 = vector.broadcast %mul3A_493 : f32 to vector<16xf32>
      %mul3A_495 = arith.mulf %mul3A_494, %get3A_492 : vector<16xf32>
      %swap3A_496 = arith.constant 1 : i32
      %swap3A_497 = arith.index_cast %swap3A_496 : i32 to index
      %swap3A_498 = arith.index_cast %add3A_328 : i32 to index
      %swap3A_499 = arith.constant 160 : index
      %swap3A_500 = tpu.vector_load %arg8[%swap3A_497, %swap3A_498, %swap3A_499] {strides = array<i32>} : memref<2x64x256xf32, #tpu.memory_space<vmem>>, vector<1x1x16xf32>,
      %swap3A_501 = vector.shape_cast %swap3A_500 : vector<1x1x16xf32> to vector<16xf32>
      %swap3A_502 = vector.shape_cast %mul3A_495 : vector<16xf32> to vector<1x1x16xf32>
      tpu.vector_store %arg8[%swap3A_497, %swap3A_498, %swap3A_499], %swap3A_502 {add = true, strides = array<i32>} : memref<2x64x256xf32, #tpu.memory_space<vmem>>, vector<1x1x16xf32>,
      %get3A_503 = arith.constant 1 : i32
      %get3A_504 = arith.index_cast %get3A_503 : i32 to index
      %get3A_505 = arith.index_cast %add3A_328 : i32 to index
      %get3A_506 = arith.constant 176 : index
      %get3A_507 = tpu.vector_load %arg7[%get3A_504, %get3A_505, %get3A_506] {strides = array<i32>} : memref<2x64x256xf32, #tpu.memory_space<vmem>>, vector<1x1x16xf32>,
      %get3A_508 = vector.shape_cast %get3A_507 : vector<1x1x16xf32> to vector<16xf32>
      %mul3A_509 = arith.constant 2.000000e+00 : f32
      %mul3A_510 = vector.broadcast %mul3A_509 : f32 to vector<16xf32>
      %mul3A_511 = arith.mulf %mul3A_510, %get3A_508 : vector<16xf32>
      %swap3A_512 = arith.constant 1 : i32
      %swap3A_513 = arith.index_cast %swap3A_512 : i32 to index
      %swap3A_514 = arith.index_cast %add3A_328 : i32 to index
      %swap3A_515 = arith.constant 176 : index
      %swap3A_516 = tpu.vector_load %arg8[%swap3A_513, %swap3A_514, %swap3A_515] {strides = array<i32>} : memref<2x64x256xf32, #tpu.memory_space<vmem>>, vector<1x1x16xf32>,
      %swap3A_517 = vector.shape_cast %swap3A_516 : vector<1x1x16xf32> to vector<16xf32>
      %swap3A_518 = vector.shape_cast %mul3A_511 : vector<16xf32> to vector<1x1x16xf32>
      tpu.vector_store %arg8[%swap3A_513, %swap3A_514, %swap3A_515], %swap3A_518 {add = true, strides = array<i32>} : memref<2x64x256xf32, #tpu.memory_space<vmem>>, vector<1x1x16xf32>,
      %get3A_519 = arith.constant 1 : i32
      %get3A_520 = arith.index_cast %get3A_519 : i32 to index
      %get3A_521 = arith.index_cast %add3A_328 : i32 to index
      %get3A_522 = arith.constant 192 : index
      %get3A_523 = tpu.vector_load %arg7[%get3A_520, %get3A_521, %get3A_522] {strides = array<i32>} : memref<2x64x256xf32, #tpu.memory_space<vmem>>, vector<1x1x16xf32>,
      %get3A_524 = vector.shape_cast %get3A_523 : vector<1x1x16xf32> to vector<16xf32>
      %mul3A_525 = arith.constant 2.000000e+00 : f32
      %mul3A_526 = vector.broadcast %mul3A_525 : f32 to vector<16xf32>
      %mul3A_527 = arith.mulf %mul3A_526, %get3A_524 : vector<16xf32>
      %swap3A_528 = arith.constant 1 : i32
      %swap3A_529 = arith.index_cast %swap3A_528 : i32 to index
      %swap3A_530 = arith.index_cast %add3A_328 : i32 to index
      %swap3A_531 = arith.constant 192 : index
      %swap3A_532 = tpu.vector_load %arg8[%swap3A_529, %swap3A_530, %swap3A_531] {strides = array<i32>} : memref<2x64x256xf32, #tpu.memory_space<vmem>>, vector<1x1x16xf32>,
      %swap3A_533 = vector.shape_cast %swap3A_532 : vector<1x1x16xf32> to vector<16xf32>
      %swap3A_534 = vector.shape_cast %mul3A_527 : vector<16xf32> to vector<1x1x16xf32>
      tpu.vector_store %arg8[%swap3A_529, %swap3A_530, %swap3A_531], %swap3A_534 {add = true, strides = array<i32>} : memref<2x64x256xf32, #tpu.memory_space<vmem>>, vector<1x1x16xf32>,
      %get3A_535 = arith.constant 1 : i32
      %get3A_536 = arith.index_cast %get3A_535 : i32 to index
      %get3A_537 = arith.index_cast %add3A_328 : i32 to index
      %get3A_538 = arith.constant 208 : index
      %get3A_539 = tpu.vector_load %arg7[%get3A_536, %get3A_537, %get3A_538] {strides = array<i32>} : memref<2x64x256xf32, #tpu.memory_space<vmem>>, vector<1x1x16xf32>,
      %get3A_540 = vector.shape_cast %get3A_539 : vector<1x1x16xf32> to vector<16xf32>
      %mul3A_541 = arith.constant 2.000000e+00 : f32
      %mul3A_542 = vector.broadcast %mul3A_541 : f32 to vector<16xf32>
      %mul3A_543 = arith.mulf %mul3A_542, %get3A_540 : vector<16xf32>
      %swap3A_544 = arith.constant 1 : i32
      %swap3A_545 = arith.index_cast %swap3A_544 : i32 to index
      %swap3A_546 = arith.index_cast %add3A_328 : i32 to index
      %swap3A_547 = arith.constant 208 : index
      %swap3A_548 = tpu.vector_load %arg8[%swap3A_545, %swap3A_546, %swap3A_547] {strides = array<i32>} : memref<2x64x256xf32, #tpu.memory_space<vmem>>, vector<1x1x16xf32>,
      %swap3A_549 = vector.shape_cast %swap3A_548 : vector<1x1x16xf32> to vector<16xf32>
      %swap3A_550 = vector.shape_cast %mul3A_543 : vector<16xf32> to vector<1x1x16xf32>
      tpu.vector_store %arg8[%swap3A_545, %swap3A_546, %swap3A_547], %swap3A_550 {add = true, strides = array<i32>} : memref<2x64x256xf32, #tpu.memory_space<vmem>>, vector<1x1x16xf32>,
      %get3A_551 = arith.constant 1 : i32
      %get3A_552 = arith.index_cast %get3A_551 : i32 to index
      %get3A_553 = arith.index_cast %add3A_328 : i32 to index
      %get3A_554 = arith.constant 224 : index
      %get3A_555 = tpu.vector_load %arg7[%get3A_552, %get3A_553, %get3A_554] {strides = array<i32>} : memref<2x64x256xf32, #tpu.memory_space<vmem>>, vector<1x1x16xf32>,
      %get3A_556 = vector.shape_cast %get3A_555 : vector<1x1x16xf32> to vector<16xf32>
      %mul3A_557 = arith.constant 2.000000e+00 : f32
      %mul3A_558 = vector.broadcast %mul3A_557 : f32 to vector<16xf32>
      %mul3A_559 = arith.mulf %mul3A_558, %get3A_556 : vector<16xf32>
      %swap3A_560 = arith.constant 1 : i32
      %swap3A_561 = arith.index_cast %swap3A_560 : i32 to index
      %swap3A_562 = arith.index_cast %add3A_328 : i32 to index
      %swap3A_563 = arith.constant 224 : index
      %swap3A_564 = tpu.vector_load %arg8[%swap3A_561, %swap3A_562, %swap3A_563] {strides = array<i32>} : memref<2x64x256xf32, #tpu.memory_space<vmem>>, vector<1x1x16xf32>,
      %swap3A_565 = vector.shape_cast %swap3A_564 : vector<1x1x16xf32> to vector<16xf32>
      %swap3A_566 = vector.shape_cast %mul3A_559 : vector<16xf32> to vector<1x1x16xf32>
      tpu.vector_store %arg8[%swap3A_561, %swap3A_562, %swap3A_563], %swap3A_566 {add = true, strides = array<i32>} : memref<2x64x256xf32, #tpu.memory_space<vmem>>, vector<1x1x16xf32>,
      %get3A_567 = arith.constant 1 : i32
      %get3A_568 = arith.index_cast %get3A_567 : i32 to index
      %get3A_569 = arith.index_cast %add3A_328 : i32 to index
      %get3A_570 = arith.constant 240 : index
      %get3A_571 = tpu.vector_load %arg7[%get3A_568, %get3A_569, %get3A_570] {strides = array<i32>} : memref<2x64x256xf32, #tpu.memory_space<vmem>>, vector<1x1x16xf32>,
      %get3A_572 = vector.shape_cast %get3A_571 : vector<1x1x16xf32> to vector<16xf32>
      %mul3A_573 = arith.constant 2.000000e+00 : f32
      %mul3A_574 = vector.broadcast %mul3A_573 : f32 to vector<16xf32>
      %mul3A_575 = arith.mulf %mul3A_574, %get3A_572 : vector<16xf32>
      %swap3A_576 = arith.constant 1 : i32
      %swap3A_577 = arith.index_cast %swap3A_576 : i32 to index
      %swap3A_578 = arith.index_cast %add3A_328 : i32 to index
      %swap3A_579 = arith.constant 240 : index
      %swap3A_580 = tpu.vector_load %arg8[%swap3A_577, %swap3A_578, %swap3A_579] {strides = array<i32>} : memref<2x64x256xf32, #tpu.memory_space<vmem>>, vector<1x1x16xf32>,
      %swap3A_581 = vector.shape_cast %swap3A_580 : vector<1x1x16xf32> to vector<16xf32>
      %swap3A_582 = vector.shape_cast %mul3A_575 : vector<16xf32> to vector<1x1x16xf32>
      tpu.vector_store %arg8[%swap3A_577, %swap3A_578, %swap3A_579], %swap3A_582 {add = true, strides = array<i32>} : memref<2x64x256xf32, #tpu.memory_space<vmem>>, vector<1x1x16xf32>,
    }
    %scan3A_158 = arith.constant 64 : i32
    %add3A_159 = arith.constant 64 : i32
    %add3A_160 = arith.addi %mul3A_2, %add3A_159 : i32
    %dma_start3A_161 = arith.constant 1 : i32
    %dma_start3A_162 = arith.constant 0 : i32
    %dma_start3A_163 = arith.constant 0 : i32
    %dma_start3A_164 = tpu.memref_slice %arg8[%dma_start3A_161, %dma_start3A_162, %dma_start3A_163] : memref<2x64x256xf32, #tpu.memory_space<vmem>> -> memref<1x64x256xf32, #tpu.memory_space<vmem>>
    %dma_start3A_165 = tpu.memref_squeeze %dma_start3A_164 : memref<1x64x256xf32, #tpu.memory_space<vmem>> -> memref<64x256xf32, #tpu.memory_space<vmem>>
    %dma_start3A_166 = arith.constant 0 : i32
    %dma_start3A_167 = tpu.memref_slice %arg5[%add3A_160, %dma_start3A_166] : memref<8192x256xf32, #tpu.memory_space<hbm>> -> memref<64x256xf32, #tpu.memory_space<hbm>>
    %dma_start3A_168 = arith.constant 0 : i32
    %dma_start3A_169 = tpu.memref_slice %arg5[%add3A_160, %dma_start3A_168] : memref<8192x256xf32, #tpu.memory_space<hbm>> -> memref<64x256xf32, #tpu.memory_space<hbm>>
    %dma_start3A_170 = arith.constant 0 : i32
    %dma_start3A_171 = arith.constant 0 : i32
    %dma_start3A_172 = tpu.memref_slice %arg8[%dma_start3A_161, %dma_start3A_170, %dma_start3A_171] : memref<2x64x256xf32, #tpu.memory_space<vmem>> -> memref<1x64x256xf32, #tpu.memory_space<vmem>>
    %dma_start3A_173 = tpu.memref_squeeze %dma_start3A_172 : memref<1x64x256xf32, #tpu.memory_space<vmem>> -> memref<64x256xf32, #tpu.memory_space<vmem>>
    tpu.enqueue_dma source(%dma_start3A_173 : memref<64x256xf32, #tpu.memory_space<vmem>>) target(%dma_start3A_169 : memref<64x256xf32, #tpu.memory_space<hbm>>) target_semaphore(%arg11 : memref<!tpu.dma_semaphore, #tpu.memory_space<semaphore_mem>>)
    %dma_wait3A_174 = arith.constant 1 : i32
    %dma_wait3A_175 = arith.constant 0 : i32
    %dma_wait3A_176 = arith.constant 0 : i32
    %dma_wait3A_177 = tpu.memref_slice %arg8[%dma_wait3A_174, %dma_wait3A_175, %dma_wait3A_176] : memref<2x64x256xf32, #tpu.memory_space<vmem>> -> memref<1x64x256xf32, #tpu.memory_space<vmem>>
    %dma_wait3A_178 = tpu.memref_squeeze %dma_wait3A_177 : memref<1x64x256xf32, #tpu.memory_space<vmem>> -> memref<64x256xf32, #tpu.memory_space<vmem>>
    %dma_wait3A_179 = arith.constant 0 : i32
    %dma_wait3A_180 = tpu.memref_slice %arg5[%add3A_160, %dma_wait3A_179] : memref<8192x256xf32, #tpu.memory_space<hbm>> -> memref<64x256xf32, #tpu.memory_space<hbm>>
    %dma_wait3A_181 = arith.constant 0 : i32
    %dma_wait3A_182 = tpu.memref_slice %arg5[%add3A_160, %dma_wait3A_181] : memref<8192x256xf32, #tpu.memory_space<hbm>> -> memref<64x256xf32, #tpu.memory_space<hbm>>
    %dma_wait3A_183 = arith.constant 0 : i32
    %dma_wait3A_184 = arith.constant 0 : i32
    %dma_wait3A_185 = tpu.memref_slice %arg8[%dma_wait3A_174, %dma_wait3A_183, %dma_wait3A_184] : memref<2x64x256xf32, #tpu.memory_space<vmem>> -> memref<1x64x256xf32, #tpu.memory_space<vmem>>
    %dma_wait3A_186 = tpu.memref_squeeze %dma_wait3A_185 : memref<1x64x256xf32, #tpu.memory_space<vmem>> -> memref<64x256xf32, #tpu.memory_space<vmem>>
    tpu.wait_dma2 semaphore(%arg11 : memref<!tpu.dma_semaphore, #tpu.memory_space<semaphore_mem>>) src(%dma_wait3A_186 : memref<64x256xf32, #tpu.memory_space<vmem>>) dst(%dma_wait3A_182 : memref<64x256xf32, #tpu.memory_space<hbm>>)
    %dma_start3A_187 = arith.constant 1 : i32
    %dma_start3A_188 = arith.constant 0 : i32
    %dma_start3A_189 = arith.constant 0 : i32
    %dma_start3A_190 = tpu.memref_slice %arg7[%dma_start3A_187, %dma_start3A_188, %dma_start3A_189] : memref<2x64x256xf32, #tpu.memory_space<vmem>> -> memref<1x64x256xf32, #tpu.memory_space<vmem>>
    %dma_start3A_191 = tpu.memref_squeeze %dma_start3A_190 : memref<1x64x256xf32, #tpu.memory_space<vmem>> -> memref<64x256xf32, #tpu.memory_space<vmem>>
    %dma_start3A_192 = arith.constant 192 : i32
    %dma_start3A_193 = tpu.memref_slice %arg6[%dma_start3A_192] : memref<256xi32, #tpu.memory_space<vmem>> -> memref<64xi32, #tpu.memory_space<vmem>>
    %dma_start3A_194 = arith.constant 0 : i32
    %dma_start3A_195 = arith.constant 0 : i32
    %dma_start3A_196 = tpu.memref_slice %arg2[%dma_start3A_194, %dma_start3A_195] : memref<8192x256xf32, #tpu.memory_space<hbm>> -> memref<8192x256xf32, #tpu.memory_space<hbm>>
    tpu.enqueue_indirect_dma source(%dma_start3A_196 : memref<8192x256xf32, #tpu.memory_space<hbm>>) target(%dma_start3A_191 : memref<64x256xf32, #tpu.memory_space<vmem>>) offsets(%dma_start3A_193 : memref<64xi32, #tpu.memory_space<vmem>>) semaphore(%arg9 : memref<!tpu.dma_semaphore, #tpu.memory_space<semaphore_mem>>)
    %add3A_197 = arith.constant 192 : i32
    %add3A_198 = arith.addi %mul3A_2, %add3A_197 : i32
    %dma_start3A_199 = arith.constant 1 : i32
    %dma_start3A_200 = arith.constant 0 : i32
    %dma_start3A_201 = arith.constant 0 : i32
    %dma_start3A_202 = tpu.memref_slice %arg8[%dma_start3A_199, %dma_start3A_200, %dma_start3A_201] : memref<2x64x256xf32, #tpu.memory_space<vmem>> -> memref<1x64x256xf32, #tpu.memory_space<vmem>>
    %dma_start3A_203 = tpu.memref_squeeze %dma_start3A_202 : memref<1x64x256xf32, #tpu.memory_space<vmem>> -> memref<64x256xf32, #tpu.memory_space<vmem>>
    %dma_start3A_204 = arith.constant 0 : i32
    %dma_start3A_205 = tpu.memref_slice %arg4[%add3A_198, %dma_start3A_204] : memref<8192x256xf32, #tpu.memory_space<hbm>> -> memref<64x256xf32, #tpu.memory_space<hbm>>
    %dma_start3A_206 = arith.constant 0 : i32
    %dma_start3A_207 = arith.constant 0 : i32
    %dma_start3A_208 = tpu.memref_slice %arg8[%dma_start3A_199, %dma_start3A_206, %dma_start3A_207] : memref<2x64x256xf32, #tpu.memory_space<vmem>> -> memref<1x64x256xf32, #tpu.memory_space<vmem>>
    %dma_start3A_209 = tpu.memref_squeeze %dma_start3A_208 : memref<1x64x256xf32, #tpu.memory_space<vmem>> -> memref<64x256xf32, #tpu.memory_space<vmem>>
    %dma_start3A_210 = arith.constant 0 : i32
    %dma_start3A_211 = tpu.memref_slice %arg4[%add3A_198, %dma_start3A_210] : memref<8192x256xf32, #tpu.memory_space<hbm>> -> memref<64x256xf32, #tpu.memory_space<hbm>>
    tpu.enqueue_dma source(%dma_start3A_211 : memref<64x256xf32, #tpu.memory_space<hbm>>) target(%dma_start3A_209 : memref<64x256xf32, #tpu.memory_space<vmem>>) target_semaphore(%arg10 : memref<!tpu.dma_semaphore, #tpu.memory_space<semaphore_mem>>)
    %dma_wait3A_212 = arith.constant 0 : i32
    %dma_wait3A_213 = arith.constant 0 : i32
    %dma_wait3A_214 = arith.constant 0 : i32
    %dma_wait3A_215 = tpu.memref_slice %arg7[%dma_wait3A_212, %dma_wait3A_213, %dma_wait3A_214] : memref<2x64x256xf32, #tpu.memory_space<vmem>> -> memref<1x64x256xf32, #tpu.memory_space<vmem>>
    %dma_wait3A_216 = tpu.memref_squeeze %dma_wait3A_215 : memref<1x64x256xf32, #tpu.memory_space<vmem>> -> memref<64x256xf32, #tpu.memory_space<vmem>>
    %dma_wait3A_217 = arith.constant 128 : i32
    %dma_wait3A_218 = tpu.memref_slice %arg6[%dma_wait3A_217] : memref<256xi32, #tpu.memory_space<vmem>> -> memref<64xi32, #tpu.memory_space<vmem>>
    %dma_wait3A_219 = arith.constant 0 : i32
    %dma_wait3A_220 = arith.constant 0 : i32
    %dma_wait3A_221 = tpu.memref_slice %arg2[%dma_wait3A_219, %dma_wait3A_220] : memref<8192x256xf32, #tpu.memory_space<hbm>> -> memref<8192x256xf32, #tpu.memory_space<hbm>>
    tpu.wait_indirect_dma semaphore(%arg9 : memref<!tpu.dma_semaphore, #tpu.memory_space<semaphore_mem>>) src(%dma_wait3A_221 : memref<8192x256xf32, #tpu.memory_space<hbm>>) dst(%dma_wait3A_216 : memref<64x256xf32, #tpu.memory_space<vmem>>)
    %dma_wait3A_222 = arith.constant 0 : i32
    %dma_wait3A_223 = arith.constant 0 : i32
    %dma_wait3A_224 = arith.constant 0 : i32
    %dma_wait3A_225 = tpu.memref_slice %arg8[%dma_wait3A_222, %dma_wait3A_223, %dma_wait3A_224] : memref<2x64x256xf32, #tpu.memory_space<vmem>> -> memref<1x64x256xf32, #tpu.memory_space<vmem>>
    %dma_wait3A_226 = tpu.memref_squeeze %dma_wait3A_225 : memref<1x64x256xf32, #tpu.memory_space<vmem>> -> memref<64x256xf32, #tpu.memory_space<vmem>>
    %dma_wait3A_227 = arith.constant 0 : i32
    %dma_wait3A_228 = tpu.memref_slice %arg4[%add3A_117, %dma_wait3A_227] : memref<8192x256xf32, #tpu.memory_space<hbm>> -> memref<64x256xf32, #tpu.memory_space<hbm>>
    %dma_wait3A_229 = arith.constant 0 : i32
    %dma_wait3A_230 = arith.constant 0 : i32
    %dma_wait3A_231 = tpu.memref_slice %arg8[%dma_wait3A_222, %dma_wait3A_229, %dma_wait3A_230] : memref<2x64x256xf32, #tpu.memory_space<vmem>> -> memref<1x64x256xf32, #tpu.memory_space<vmem>>
    %dma_wait3A_232 = tpu.memref_squeeze %dma_wait3A_231 : memref<1x64x256xf32, #tpu.memory_space<vmem>> -> memref<64x256xf32, #tpu.memory_space<vmem>>
    %dma_wait3A_233 = arith.constant 0 : i32
    %dma_wait3A_234 = tpu.memref_slice %arg4[%add3A_117, %dma_wait3A_233] : memref<8192x256xf32, #tpu.memory_space<hbm>> -> memref<64x256xf32, #tpu.memory_space<hbm>>
    tpu.wait_dma2 semaphore(%arg10 : memref<!tpu.dma_semaphore, #tpu.memory_space<semaphore_mem>>) src(%dma_wait3A_234 : memref<64x256xf32, #tpu.memory_space<hbm>>) dst(%dma_wait3A_232 : memref<64x256xf32, #tpu.memory_space<vmem>>)
    %scan3A_235 = arith.constant 0 : i32
    %scan3A_236 = arith.constant 64 : i32
    %scan3A_237 = arith.addi %scan3A_235, %scan3A_236 : i32
    %scan3A_238 = arith.constant 1 : i32
    scf.for %scan3A_324 = %scan3A_235 to %scan3A_237 step %scan3A_238  : i32 {
      %mul3A_325 = arith.constant 1 : i32
      %mul3A_326 = arith.muli %scan3A_324, %mul3A_325 : i32
      %add3A_327 = arith.constant 0 : i32
      %add3A_328 = arith.addi %add3A_327, %mul3A_326 : i32
      %get3A = arith.constant 0 : i32
      %get3A_329 = arith.index_cast %get3A : i32 to index
      %get3A_330 = arith.index_cast %add3A_328 : i32 to index
      %get3A_331 = arith.constant 0 : index
      %get3A_332 = tpu.vector_load %arg7[%get3A_329, %get3A_330, %get3A_331] {strides = array<i32>} : memref<2x64x256xf32, #tpu.memory_space<vmem>>, vector<1x1x16xf32>,
      %get3A_333 = vector.shape_cast %get3A_332 : vector<1x1x16xf32> to vector<16xf32>
      %mul3A_334 = arith.constant 2.000000e+00 : f32
      %mul3A_335 = vector.broadcast %mul3A_334 : f32 to vector<16xf32>
      %mul3A_336 = arith.mulf %mul3A_335, %get3A_333 : vector<16xf32>
      %swap3A = arith.constant 0 : i32
      %swap3A_337 = arith.index_cast %swap3A : i32 to index
      %swap3A_338 = arith.index_cast %add3A_328 : i32 to index
      %swap3A_339 = arith.constant 0 : index
      %swap3A_340 = tpu.vector_load %arg8[%swap3A_337, %swap3A_338, %swap3A_339] {strides = array<i32>} : memref<2x64x256xf32, #tpu.memory_space<vmem>>, vector<1x1x16xf32>,
      %swap3A_341 = vector.shape_cast %swap3A_340 : vector<1x1x16xf32> to vector<16xf32>
      %swap3A_342 = vector.shape_cast %mul3A_336 : vector<16xf32> to vector<1x1x16xf32>
      tpu.vector_store %arg8[%swap3A_337, %swap3A_338, %swap3A_339], %swap3A_342 {add = true, strides = array<i32>} : memref<2x64x256xf32, #tpu.memory_space<vmem>>, vector<1x1x16xf32>,
      %get3A_343 = arith.constant 0 : i32
      %get3A_344 = arith.index_cast %get3A_343 : i32 to index
      %get3A_345 = arith.index_cast %add3A_328 : i32 to index
      %get3A_346 = arith.constant 16 : index
      %get3A_347 = tpu.vector_load %arg7[%get3A_344, %get3A_345, %get3A_346] {strides = array<i32>} : memref<2x64x256xf32, #tpu.memory_space<vmem>>, vector<1x1x16xf32>,
      %get3A_348 = vector.shape_cast %get3A_347 : vector<1x1x16xf32> to vector<16xf32>
      %mul3A_349 = arith.constant 2.000000e+00 : f32
      %mul3A_350 = vector.broadcast %mul3A_349 : f32 to vector<16xf32>
      %mul3A_351 = arith.mulf %mul3A_350, %get3A_348 : vector<16xf32>
      %swap3A_352 = arith.constant 0 : i32
      %swap3A_353 = arith.index_cast %swap3A_352 : i32 to index
      %swap3A_354 = arith.index_cast %add3A_328 : i32 to index
      %swap3A_355 = arith.constant 16 : index
      %swap3A_356 = tpu.vector_load %arg8[%swap3A_353, %swap3A_354, %swap3A_355] {strides = array<i32>} : memref<2x64x256xf32, #tpu.memory_space<vmem>>, vector<1x1x16xf32>,
      %swap3A_357 = vector.shape_cast %swap3A_356 : vector<1x1x16xf32> to vector<16xf32>
      %swap3A_358 = vector.shape_cast %mul3A_351 : vector<16xf32> to vector<1x1x16xf32>
      tpu.vector_store %arg8[%swap3A_353, %swap3A_354, %swap3A_355], %swap3A_358 {add = true, strides = array<i32>} : memref<2x64x256xf32, #tpu.memory_space<vmem>>, vector<1x1x16xf32>,
      %get3A_359 = arith.constant 0 : i32
      %get3A_360 = arith.index_cast %get3A_359 : i32 to index
      %get3A_361 = arith.index_cast %add3A_328 : i32 to index
      %get3A_362 = arith.constant 32 : index
      %get3A_363 = tpu.vector_load %arg7[%get3A_360, %get3A_361, %get3A_362] {strides = array<i32>} : memref<2x64x256xf32, #tpu.memory_space<vmem>>, vector<1x1x16xf32>,
      %get3A_364 = vector.shape_cast %get3A_363 : vector<1x1x16xf32> to vector<16xf32>
      %mul3A_365 = arith.constant 2.000000e+00 : f32
      %mul3A_366 = vector.broadcast %mul3A_365 : f32 to vector<16xf32>
      %mul3A_367 = arith.mulf %mul3A_366, %get3A_364 : vector<16xf32>
      %swap3A_368 = arith.constant 0 : i32
      %swap3A_369 = arith.index_cast %swap3A_368 : i32 to index
      %swap3A_370 = arith.index_cast %add3A_328 : i32 to index
      %swap3A_371 = arith.constant 32 : index
      %swap3A_372 = tpu.vector_load %arg8[%swap3A_369, %swap3A_370, %swap3A_371] {strides = array<i32>} : memref<2x64x256xf32, #tpu.memory_space<vmem>>, vector<1x1x16xf32>,
      %swap3A_373 = vector.shape_cast %swap3A_372 : vector<1x1x16xf32> to vector<16xf32>
      %swap3A_374 = vector.shape_cast %mul3A_367 : vector<16xf32> to vector<1x1x16xf32>
      tpu.vector_store %arg8[%swap3A_369, %swap3A_370, %swap3A_371], %swap3A_374 {add = true, strides = array<i32>} : memref<2x64x256xf32, #tpu.memory_space<vmem>>, vector<1x1x16xf32>,
      %get3A_375 = arith.constant 0 : i32
      %get3A_376 = arith.index_cast %get3A_375 : i32 to index
      %get3A_377 = arith.index_cast %add3A_328 : i32 to index
      %get3A_378 = arith.constant 48 : index
      %get3A_379 = tpu.vector_load %arg7[%get3A_376, %get3A_377, %get3A_378] {strides = array<i32>} : memref<2x64x256xf32, #tpu.memory_space<vmem>>, vector<1x1x16xf32>,
      %get3A_380 = vector.shape_cast %get3A_379 : vector<1x1x16xf32> to vector<16xf32>
      %mul3A_381 = arith.constant 2.000000e+00 : f32
      %mul3A_382 = vector.broadcast %mul3A_381 : f32 to vector<16xf32>
      %mul3A_383 = arith.mulf %mul3A_382, %get3A_380 : vector<16xf32>
      %swap3A_384 = arith.constant 0 : i32
      %swap3A_385 = arith.index_cast %swap3A_384 : i32 to index
      %swap3A_386 = arith.index_cast %add3A_328 : i32 to index
      %swap3A_387 = arith.constant 48 : index
      %swap3A_388 = tpu.vector_load %arg8[%swap3A_385, %swap3A_386, %swap3A_387] {strides = array<i32>} : memref<2x64x256xf32, #tpu.memory_space<vmem>>, vector<1x1x16xf32>,
      %swap3A_389 = vector.shape_cast %swap3A_388 : vector<1x1x16xf32> to vector<16xf32>
      %swap3A_390 = vector.shape_cast %mul3A_383 : vector<16xf32> to vector<1x1x16xf32>
      tpu.vector_store %arg8[%swap3A_385, %swap3A_386, %swap3A_387], %swap3A_390 {add = true, strides = array<i32>} : memref<2x64x256xf32, #tpu.memory_space<vmem>>, vector<1x1x16xf32>,
      %get3A_391 = arith.constant 0 : i32
      %get3A_392 = arith.index_cast %get3A_391 : i32 to index
      %get3A_393 = arith.index_cast %add3A_328 : i32 to index
      %get3A_394 = arith.constant 64 : index
      %get3A_395 = tpu.vector_load %arg7[%get3A_392, %get3A_393, %get3A_394] {strides = array<i32>} : memref<2x64x256xf32, #tpu.memory_space<vmem>>, vector<1x1x16xf32>,
      %get3A_396 = vector.shape_cast %get3A_395 : vector<1x1x16xf32> to vector<16xf32>
      %mul3A_397 = arith.constant 2.000000e+00 : f32
      %mul3A_398 = vector.broadcast %mul3A_397 : f32 to vector<16xf32>
      %mul3A_399 = arith.mulf %mul3A_398, %get3A_396 : vector<16xf32>
      %swap3A_400 = arith.constant 0 : i32
      %swap3A_401 = arith.index_cast %swap3A_400 : i32 to index
      %swap3A_402 = arith.index_cast %add3A_328 : i32 to index
      %swap3A_403 = arith.constant 64 : index
      %swap3A_404 = tpu.vector_load %arg8[%swap3A_401, %swap3A_402, %swap3A_403] {strides = array<i32>} : memref<2x64x256xf32, #tpu.memory_space<vmem>>, vector<1x1x16xf32>,
      %swap3A_405 = vector.shape_cast %swap3A_404 : vector<1x1x16xf32> to vector<16xf32>
      %swap3A_406 = vector.shape_cast %mul3A_399 : vector<16xf32> to vector<1x1x16xf32>
      tpu.vector_store %arg8[%swap3A_401, %swap3A_402, %swap3A_403], %swap3A_406 {add = true, strides = array<i32>} : memref<2x64x256xf32, #tpu.memory_space<vmem>>, vector<1x1x16xf32>,
      %get3A_407 = arith.constant 0 : i32
      %get3A_408 = arith.index_cast %get3A_407 : i32 to index
      %get3A_409 = arith.index_cast %add3A_328 : i32 to index
      %get3A_410 = arith.constant 80 : index
      %get3A_411 = tpu.vector_load %arg7[%get3A_408, %get3A_409, %get3A_410] {strides = array<i32>} : memref<2x64x256xf32, #tpu.memory_space<vmem>>, vector<1x1x16xf32>,
      %get3A_412 = vector.shape_cast %get3A_411 : vector<1x1x16xf32> to vector<16xf32>
      %mul3A_413 = arith.constant 2.000000e+00 : f32
      %mul3A_414 = vector.broadcast %mul3A_413 : f32 to vector<16xf32>
      %mul3A_415 = arith.mulf %mul3A_414, %get3A_412 : vector<16xf32>
      %swap3A_416 = arith.constant 0 : i32
      %swap3A_417 = arith.index_cast %swap3A_416 : i32 to index
      %swap3A_418 = arith.index_cast %add3A_328 : i32 to index
      %swap3A_419 = arith.constant 80 : index
      %swap3A_420 = tpu.vector_load %arg8[%swap3A_417, %swap3A_418, %swap3A_419] {strides = array<i32>} : memref<2x64x256xf32, #tpu.memory_space<vmem>>, vector<1x1x16xf32>,
      %swap3A_421 = vector.shape_cast %swap3A_420 : vector<1x1x16xf32> to vector<16xf32>
      %swap3A_422 = vector.shape_cast %mul3A_415 : vector<16xf32> to vector<1x1x16xf32>
      tpu.vector_store %arg8[%swap3A_417, %swap3A_418, %swap3A_419], %swap3A_422 {add = true, strides = array<i32>} : memref<2x64x256xf32, #tpu.memory_space<vmem>>, vector<1x1x16xf32>,
      %get3A_423 = arith.constant 0 : i32
      %get3A_424 = arith.index_cast %get3A_423 : i32 to index
      %get3A_425 = arith.index_cast %add3A_328 : i32 to index
      %get3A_426 = arith.constant 96 : index
      %get3A_427 = tpu.vector_load %arg7[%get3A_424, %get3A_425, %get3A_426] {strides = array<i32>} : memref<2x64x256xf32, #tpu.memory_space<vmem>>, vector<1x1x16xf32>,
      %get3A_428 = vector.shape_cast %get3A_427 : vector<1x1x16xf32> to vector<16xf32>
      %mul3A_429 = arith.constant 2.000000e+00 : f32
      %mul3A_430 = vector.broadcast %mul3A_429 : f32 to vector<16xf32>
      %mul3A_431 = arith.mulf %mul3A_430, %get3A_428 : vector<16xf32>
      %swap3A_432 = arith.constant 0 : i32
      %swap3A_433 = arith.index_cast %swap3A_432 : i32 to index
      %swap3A_434 = arith.index_cast %add3A_328 : i32 to index
      %swap3A_435 = arith.constant 96 : index
      %swap3A_436 = tpu.vector_load %arg8[%swap3A_433, %swap3A_434, %swap3A_435] {strides = array<i32>} : memref<2x64x256xf32, #tpu.memory_space<vmem>>, vector<1x1x16xf32>,
      %swap3A_437 = vector.shape_cast %swap3A_436 : vector<1x1x16xf32> to vector<16xf32>
      %swap3A_438 = vector.shape_cast %mul3A_431 : vector<16xf32> to vector<1x1x16xf32>
      tpu.vector_store %arg8[%swap3A_433, %swap3A_434, %swap3A_435], %swap3A_438 {add = true, strides = array<i32>} : memref<2x64x256xf32, #tpu.memory_space<vmem>>, vector<1x1x16xf32>,
      %get3A_439 = arith.constant 0 : i32
      %get3A_440 = arith.index_cast %get3A_439 : i32 to index
      %get3A_441 = arith.index_cast %add3A_328 : i32 to index
      %get3A_442 = arith.constant 112 : index
      %get3A_443 = tpu.vector_load %arg7[%get3A_440, %get3A_441, %get3A_442] {strides = array<i32>} : memref<2x64x256xf32, #tpu.memory_space<vmem>>, vector<1x1x16xf32>,
      %get3A_444 = vector.shape_cast %get3A_443 : vector<1x1x16xf32> to vector<16xf32>
      %mul3A_445 = arith.constant 2.000000e+00 : f32
      %mul3A_446 = vector.broadcast %mul3A_445 : f32 to vector<16xf32>
      %mul3A_447 = arith.mulf %mul3A_446, %get3A_444 : vector<16xf32>
      %swap3A_448 = arith.constant 0 : i32
      %swap3A_449 = arith.index_cast %swap3A_448 : i32 to index
      %swap3A_450 = arith.index_cast %add3A_328 : i32 to index
      %swap3A_451 = arith.constant 112 : index
      %swap3A_452 = tpu.vector_load %arg8[%swap3A_449, %swap3A_450, %swap3A_451] {strides = array<i32>} : memref<2x64x256xf32, #tpu.memory_space<vmem>>, vector<1x1x16xf32>,
      %swap3A_453 = vector.shape_cast %swap3A_452 : vector<1x1x16xf32> to vector<16xf32>
      %swap3A_454 = vector.shape_cast %mul3A_447 : vector<16xf32> to vector<1x1x16xf32>
      tpu.vector_store %arg8[%swap3A_449, %swap3A_450, %swap3A_451], %swap3A_454 {add = true, strides = array<i32>} : memref<2x64x256xf32, #tpu.memory_space<vmem>>, vector<1x1x16xf32>,
      %get3A_455 = arith.constant 0 : i32
      %get3A_456 = arith.index_cast %get3A_455 : i32 to index
      %get3A_457 = arith.index_cast %add3A_328 : i32 to index
      %get3A_458 = arith.constant 128 : index
      %get3A_459 = tpu.vector_load %arg7[%get3A_456, %get3A_457, %get3A_458] {strides = array<i32>} : memref<2x64x256xf32, #tpu.memory_space<vmem>>, vector<1x1x16xf32>,
      %get3A_460 = vector.shape_cast %get3A_459 : vector<1x1x16xf32> to vector<16xf32>
      %mul3A_461 = arith.constant 2.000000e+00 : f32
      %mul3A_462 = vector.broadcast %mul3A_461 : f32 to vector<16xf32>
      %mul3A_463 = arith.mulf %mul3A_462, %get3A_460 : vector<16xf32>
      %swap3A_464 = arith.constant 0 : i32
      %swap3A_465 = arith.index_cast %swap3A_464 : i32 to index
      %swap3A_466 = arith.index_cast %add3A_328 : i32 to index
      %swap3A_467 = arith.constant 128 : index
      %swap3A_468 = tpu.vector_load %arg8[%swap3A_465, %swap3A_466, %swap3A_467] {strides = array<i32>} : memref<2x64x256xf32, #tpu.memory_space<vmem>>, vector<1x1x16xf32>,
      %swap3A_469 = vector.shape_cast %swap3A_468 : vector<1x1x16xf32> to vector<16xf32>
      %swap3A_470 = vector.shape_cast %mul3A_463 : vector<16xf32> to vector<1x1x16xf32>
      tpu.vector_store %arg8[%swap3A_465, %swap3A_466, %swap3A_467], %swap3A_470 {add = true, strides = array<i32>} : memref<2x64x256xf32, #tpu.memory_space<vmem>>, vector<1x1x16xf32>,
      %get3A_471 = arith.constant 0 : i32
      %get3A_472 = arith.index_cast %get3A_471 : i32 to index
      %get3A_473 = arith.index_cast %add3A_328 : i32 to index
      %get3A_474 = arith.constant 144 : index
      %get3A_475 = tpu.vector_load %arg7[%get3A_472, %get3A_473, %get3A_474] {strides = array<i32>} : memref<2x64x256xf32, #tpu.memory_space<vmem>>, vector<1x1x16xf32>,
      %get3A_476 = vector.shape_cast %get3A_475 : vector<1x1x16xf32> to vector<16xf32>
      %mul3A_477 = arith.constant 2.000000e+00 : f32
      %mul3A_478 = vector.broadcast %mul3A_477 : f32 to vector<16xf32>
      %mul3A_479 = arith.mulf %mul3A_478, %get3A_476 : vector<16xf32>
      %swap3A_480 = arith.constant 0 : i32
      %swap3A_481 = arith.index_cast %swap3A_480 : i32 to index
      %swap3A_482 = arith.index_cast %add3A_328 : i32 to index
      %swap3A_483 = arith.constant 144 : index
      %swap3A_484 = tpu.vector_load %arg8[%swap3A_481, %swap3A_482, %swap3A_483] {strides = array<i32>} : memref<2x64x256xf32, #tpu.memory_space<vmem>>, vector<1x1x16xf32>,
      %swap3A_485 = vector.shape_cast %swap3A_484 : vector<1x1x16xf32> to vector<16xf32>
      %swap3A_486 = vector.shape_cast %mul3A_479 : vector<16xf32> to vector<1x1x16xf32>
      tpu.vector_store %arg8[%swap3A_481, %swap3A_482, %swap3A_483], %swap3A_486 {add = true, strides = array<i32>} : memref<2x64x256xf32, #tpu.memory_space<vmem>>, vector<1x1x16xf32>,
      %get3A_487 = arith.constant 0 : i32
      %get3A_488 = arith.index_cast %get3A_487 : i32 to index
      %get3A_489 = arith.index_cast %add3A_328 : i32 to index
      %get3A_490 = arith.constant 160 : index
      %get3A_491 = tpu.vector_load %arg7[%get3A_488, %get3A_489, %get3A_490] {strides = array<i32>} : memref<2x64x256xf32, #tpu.memory_space<vmem>>, vector<1x1x16xf32>,
      %get3A_492 = vector.shape_cast %get3A_491 : vector<1x1x16xf32> to vector<16xf32>
      %mul3A_493 = arith.constant 2.000000e+00 : f32
      %mul3A_494 = vector.broadcast %mul3A_493 : f32 to vector<16xf32>
      %mul3A_495 = arith.mulf %mul3A_494, %get3A_492 : vector<16xf32>
      %swap3A_496 = arith.constant 0 : i32
      %swap3A_497 = arith.index_cast %swap3A_496 : i32 to index
      %swap3A_498 = arith.index_cast %add3A_328 : i32 to index
      %swap3A_499 = arith.constant 160 : index
      %swap3A_500 = tpu.vector_load %arg8[%swap3A_497, %swap3A_498, %swap3A_499] {strides = array<i32>} : memref<2x64x256xf32, #tpu.memory_space<vmem>>, vector<1x1x16xf32>,
      %swap3A_501 = vector.shape_cast %swap3A_500 : vector<1x1x16xf32> to vector<16xf32>
      %swap3A_502 = vector.shape_cast %mul3A_495 : vector<16xf32> to vector<1x1x16xf32>
      tpu.vector_store %arg8[%swap3A_497, %swap3A_498, %swap3A_499], %swap3A_502 {add = true, strides = array<i32>} : memref<2x64x256xf32, #tpu.memory_space<vmem>>, vector<1x1x16xf32>,
      %get3A_503 = arith.constant 0 : i32
      %get3A_504 = arith.index_cast %get3A_503 : i32 to index
      %get3A_505 = arith.index_cast %add3A_328 : i32 to index
      %get3A_506 = arith.constant 176 : index
      %get3A_507 = tpu.vector_load %arg7[%get3A_504, %get3A_505, %get3A_506] {strides = array<i32>} : memref<2x64x256xf32, #tpu.memory_space<vmem>>, vector<1x1x16xf32>,
      %get3A_508 = vector.shape_cast %get3A_507 : vector<1x1x16xf32> to vector<16xf32>
      %mul3A_509 = arith.constant 2.000000e+00 : f32
      %mul3A_510 = vector.broadcast %mul3A_509 : f32 to vector<16xf32>
      %mul3A_511 = arith.mulf %mul3A_510, %get3A_508 : vector<16xf32>
      %swap3A_512 = arith.constant 0 : i32
      %swap3A_513 = arith.index_cast %swap3A_512 : i32 to index
      %swap3A_514 = arith.index_cast %add3A_328 : i32 to index
      %swap3A_515 = arith.constant 176 : index
      %swap3A_516 = tpu.vector_load %arg8[%swap3A_513, %swap3A_514, %swap3A_515] {strides = array<i32>} : memref<2x64x256xf32, #tpu.memory_space<vmem>>, vector<1x1x16xf32>,
      %swap3A_517 = vector.shape_cast %swap3A_516 : vector<1x1x16xf32> to vector<16xf32>
      %swap3A_518 = vector.shape_cast %mul3A_511 : vector<16xf32> to vector<1x1x16xf32>
      tpu.vector_store %arg8[%swap3A_513, %swap3A_514, %swap3A_515], %swap3A_518 {add = true, strides = array<i32>} : memref<2x64x256xf32, #tpu.memory_space<vmem>>, vector<1x1x16xf32>,
      %get3A_519 = arith.constant 0 : i32
      %get3A_520 = arith.index_cast %get3A_519 : i32 to index
      %get3A_521 = arith.index_cast %add3A_328 : i32 to index
      %get3A_522 = arith.constant 192 : index
      %get3A_523 = tpu.vector_load %arg7[%get3A_520, %get3A_521, %get3A_522] {strides = array<i32>} : memref<2x64x256xf32, #tpu.memory_space<vmem>>, vector<1x1x16xf32>,
      %get3A_524 = vector.shape_cast %get3A_523 : vector<1x1x16xf32> to vector<16xf32>
      %mul3A_525 = arith.constant 2.000000e+00 : f32
      %mul3A_526 = vector.broadcast %mul3A_525 : f32 to vector<16xf32>
      %mul3A_527 = arith.mulf %mul3A_526, %get3A_524 : vector<16xf32>
      %swap3A_528 = arith.constant 0 : i32
      %swap3A_529 = arith.index_cast %swap3A_528 : i32 to index
      %swap3A_530 = arith.index_cast %add3A_328 : i32 to index
      %swap3A_531 = arith.constant 192 : index
      %swap3A_532 = tpu.vector_load %arg8[%swap3A_529, %swap3A_530, %swap3A_531] {strides = array<i32>} : memref<2x64x256xf32, #tpu.memory_space<vmem>>, vector<1x1x16xf32>,
      %swap3A_533 = vector.shape_cast %swap3A_532 : vector<1x1x16xf32> to vector<16xf32>
      %swap3A_534 = vector.shape_cast %mul3A_527 : vector<16xf32> to vector<1x1x16xf32>
      tpu.vector_store %arg8[%swap3A_529, %swap3A_530, %swap3A_531], %swap3A_534 {add = true, strides = array<i32>} : memref<2x64x256xf32, #tpu.memory_space<vmem>>, vector<1x1x16xf32>,
      %get3A_535 = arith.constant 0 : i32
      %get3A_536 = arith.index_cast %get3A_535 : i32 to index
      %get3A_537 = arith.index_cast %add3A_328 : i32 to index
      %get3A_538 = arith.constant 208 : index
      %get3A_539 = tpu.vector_load %arg7[%get3A_536, %get3A_537, %get3A_538] {strides = array<i32>} : memref<2x64x256xf32, #tpu.memory_space<vmem>>, vector<1x1x16xf32>,
      %get3A_540 = vector.shape_cast %get3A_539 : vector<1x1x16xf32> to vector<16xf32>
      %mul3A_541 = arith.constant 2.000000e+00 : f32
      %mul3A_542 = vector.broadcast %mul3A_541 : f32 to vector<16xf32>
      %mul3A_543 = arith.mulf %mul3A_542, %get3A_540 : vector<16xf32>
      %swap3A_544 = arith.constant 0 : i32
      %swap3A_545 = arith.index_cast %swap3A_544 : i32 to index
      %swap3A_546 = arith.index_cast %add3A_328 : i32 to index
      %swap3A_547 = arith.constant 208 : index
      %swap3A_548 = tpu.vector_load %arg8[%swap3A_545, %swap3A_546, %swap3A_547] {strides = array<i32>} : memref<2x64x256xf32, #tpu.memory_space<vmem>>, vector<1x1x16xf32>,
      %swap3A_549 = vector.shape_cast %swap3A_548 : vector<1x1x16xf32> to vector<16xf32>
      %swap3A_550 = vector.shape_cast %mul3A_543 : vector<16xf32> to vector<1x1x16xf32>
      tpu.vector_store %arg8[%swap3A_545, %swap3A_546, %swap3A_547], %swap3A_550 {add = true, strides = array<i32>} : memref<2x64x256xf32, #tpu.memory_space<vmem>>, vector<1x1x16xf32>,
      %get3A_551 = arith.constant 0 : i32
      %get3A_552 = arith.index_cast %get3A_551 : i32 to index
      %get3A_553 = arith.index_cast %add3A_328 : i32 to index
      %get3A_554 = arith.constant 224 : index
      %get3A_555 = tpu.vector_load %arg7[%get3A_552, %get3A_553, %get3A_554] {strides = array<i32>} : memref<2x64x256xf32, #tpu.memory_space<vmem>>, vector<1x1x16xf32>,
      %get3A_556 = vector.shape_cast %get3A_555 : vector<1x1x16xf32> to vector<16xf32>
      %mul3A_557 = arith.constant 2.000000e+00 : f32
      %mul3A_558 = vector.broadcast %mul3A_557 : f32 to vector<16xf32>
      %mul3A_559 = arith.mulf %mul3A_558, %get3A_556 : vector<16xf32>
      %swap3A_560 = arith.constant 0 : i32
      %swap3A_561 = arith.index_cast %swap3A_560 : i32 to index
      %swap3A_562 = arith.index_cast %add3A_328 : i32 to index
      %swap3A_563 = arith.constant 224 : index
      %swap3A_564 = tpu.vector_load %arg8[%swap3A_561, %swap3A_562, %swap3A_563] {strides = array<i32>} : memref<2x64x256xf32, #tpu.memory_space<vmem>>, vector<1x1x16xf32>,
      %swap3A_565 = vector.shape_cast %swap3A_564 : vector<1x1x16xf32> to vector<16xf32>
      %swap3A_566 = vector.shape_cast %mul3A_559 : vector<16xf32> to vector<1x1x16xf32>
      tpu.vector_store %arg8[%swap3A_561, %swap3A_562, %swap3A_563], %swap3A_566 {add = true, strides = array<i32>} : memref<2x64x256xf32, #tpu.memory_space<vmem>>, vector<1x1x16xf32>,
      %get3A_567 = arith.constant 0 : i32
      %get3A_568 = arith.index_cast %get3A_567 : i32 to index
      %get3A_569 = arith.index_cast %add3A_328 : i32 to index
      %get3A_570 = arith.constant 240 : index
      %get3A_571 = tpu.vector_load %arg7[%get3A_568, %get3A_569, %get3A_570] {strides = array<i32>} : memref<2x64x256xf32, #tpu.memory_space<vmem>>, vector<1x1x16xf32>,
      %get3A_572 = vector.shape_cast %get3A_571 : vector<1x1x16xf32> to vector<16xf32>
      %mul3A_573 = arith.constant 2.000000e+00 : f32
      %mul3A_574 = vector.broadcast %mul3A_573 : f32 to vector<16xf32>
      %mul3A_575 = arith.mulf %mul3A_574, %get3A_572 : vector<16xf32>
      %swap3A_576 = arith.constant 0 : i32
      %swap3A_577 = arith.index_cast %swap3A_576 : i32 to index
      %swap3A_578 = arith.index_cast %add3A_328 : i32 to index
      %swap3A_579 = arith.constant 240 : index
      %swap3A_580 = tpu.vector_load %arg8[%swap3A_577, %swap3A_578, %swap3A_579] {strides = array<i32>} : memref<2x64x256xf32, #tpu.memory_space<vmem>>, vector<1x1x16xf32>,
      %swap3A_581 = vector.shape_cast %swap3A_580 : vector<1x1x16xf32> to vector<16xf32>
      %swap3A_582 = vector.shape_cast %mul3A_575 : vector<16xf32> to vector<1x1x16xf32>
      tpu.vector_store %arg8[%swap3A_577, %swap3A_578, %swap3A_579], %swap3A_582 {add = true, strides = array<i32>} : memref<2x64x256xf32, #tpu.memory_space<vmem>>, vector<1x1x16xf32>,
    }
    %scan3A_239 = arith.constant 64 : i32
    %add3A_240 = arith.constant 128 : i32
    %add3A_241 = arith.addi %mul3A_2, %add3A_240 : i32
    %dma_start3A_242 = arith.constant 0 : i32
    %dma_start3A_243 = arith.constant 0 : i32
    %dma_start3A_244 = arith.constant 0 : i32
    %dma_start3A_245 = tpu.memref_slice %arg8[%dma_start3A_242, %dma_start3A_243, %dma_start3A_244] : memref<2x64x256xf32, #tpu.memory_space<vmem>> -> memref<1x64x256xf32, #tpu.memory_space<vmem>>
    %dma_start3A_246 = tpu.memref_squeeze %dma_start3A_245 : memref<1x64x256xf32, #tpu.memory_space<vmem>> -> memref<64x256xf32, #tpu.memory_space<vmem>>
    %dma_start3A_247 = arith.constant 0 : i32
    %dma_start3A_248 = tpu.memref_slice %arg5[%add3A_241, %dma_start3A_247] : memref<8192x256xf32, #tpu.memory_space<hbm>> -> memref<64x256xf32, #tpu.memory_space<hbm>>
    %dma_start3A_249 = arith.constant 0 : i32
    %dma_start3A_250 = tpu.memref_slice %arg5[%add3A_241, %dma_start3A_249] : memref<8192x256xf32, #tpu.memory_space<hbm>> -> memref<64x256xf32, #tpu.memory_space<hbm>>
    %dma_start3A_251 = arith.constant 0 : i32
    %dma_start3A_252 = arith.constant 0 : i32
    %dma_start3A_253 = tpu.memref_slice %arg8[%dma_start3A_242, %dma_start3A_251, %dma_start3A_252] : memref<2x64x256xf32, #tpu.memory_space<vmem>> -> memref<1x64x256xf32, #tpu.memory_space<vmem>>
    %dma_start3A_254 = tpu.memref_squeeze %dma_start3A_253 : memref<1x64x256xf32, #tpu.memory_space<vmem>> -> memref<64x256xf32, #tpu.memory_space<vmem>>
    tpu.enqueue_dma source(%dma_start3A_254 : memref<64x256xf32, #tpu.memory_space<vmem>>) target(%dma_start3A_250 : memref<64x256xf32, #tpu.memory_space<hbm>>) target_semaphore(%arg11 : memref<!tpu.dma_semaphore, #tpu.memory_space<semaphore_mem>>)
    %dma_wait3A_255 = arith.constant 1 : i32
    %dma_wait3A_256 = arith.constant 0 : i32
    %dma_wait3A_257 = arith.constant 0 : i32
    %dma_wait3A_258 = tpu.memref_slice %arg7[%dma_wait3A_255, %dma_wait3A_256, %dma_wait3A_257] : memref<2x64x256xf32, #tpu.memory_space<vmem>> -> memref<1x64x256xf32, #tpu.memory_space<vmem>>
    %dma_wait3A_259 = tpu.memref_squeeze %dma_wait3A_258 : memref<1x64x256xf32, #tpu.memory_space<vmem>> -> memref<64x256xf32, #tpu.memory_space<vmem>>
    %dma_wait3A_260 = arith.constant 192 : i32
    %dma_wait3A_261 = tpu.memref_slice %arg6[%dma_wait3A_260] : memref<256xi32, #tpu.memory_space<vmem>> -> memref<64xi32, #tpu.memory_space<vmem>>
    %dma_wait3A_262 = arith.constant 0 : i32
    %dma_wait3A_263 = arith.constant 0 : i32
    %dma_wait3A_264 = tpu.memref_slice %arg2[%dma_wait3A_262, %dma_wait3A_263] : memref<8192x256xf32, #tpu.memory_space<hbm>> -> memref<8192x256xf32, #tpu.memory_space<hbm>>
    tpu.wait_indirect_dma semaphore(%arg9 : memref<!tpu.dma_semaphore, #tpu.memory_space<semaphore_mem>>) src(%dma_wait3A_264 : memref<8192x256xf32, #tpu.memory_space<hbm>>) dst(%dma_wait3A_259 : memref<64x256xf32, #tpu.memory_space<vmem>>)
    %dma_wait3A_265 = arith.constant 1 : i32
    %dma_wait3A_266 = arith.constant 0 : i32
    %dma_wait3A_267 = arith.constant 0 : i32
    %dma_wait3A_268 = tpu.memref_slice %arg8[%dma_wait3A_265, %dma_wait3A_266, %dma_wait3A_267] : memref<2x64x256xf32, #tpu.memory_space<vmem>> -> memref<1x64x256xf32, #tpu.memory_space<vmem>>
    %dma_wait3A_269 = tpu.memref_squeeze %dma_wait3A_268 : memref<1x64x256xf32, #tpu.memory_space<vmem>> -> memref<64x256xf32, #tpu.memory_space<vmem>>
    %dma_wait3A_270 = arith.constant 0 : i32
    %dma_wait3A_271 = tpu.memref_slice %arg4[%add3A_198, %dma_wait3A_270] : memref<8192x256xf32, #tpu.memory_space<hbm>> -> memref<64x256xf32, #tpu.memory_space<hbm>>
    %dma_wait3A_272 = arith.constant 0 : i32
    %dma_wait3A_273 = arith.constant 0 : i32
    %dma_wait3A_274 = tpu.memref_slice %arg8[%dma_wait3A_265, %dma_wait3A_272, %dma_wait3A_273] : memref<2x64x256xf32, #tpu.memory_space<vmem>> -> memref<1x64x256xf32, #tpu.memory_space<vmem>>
    %dma_wait3A_275 = tpu.memref_squeeze %dma_wait3A_274 : memref<1x64x256xf32, #tpu.memory_space<vmem>> -> memref<64x256xf32, #tpu.memory_space<vmem>>
    %dma_wait3A_276 = arith.constant 0 : i32
    %dma_wait3A_277 = tpu.memref_slice %arg4[%add3A_198, %dma_wait3A_276] : memref<8192x256xf32, #tpu.memory_space<hbm>> -> memref<64x256xf32, #tpu.memory_space<hbm>>
    tpu.wait_dma2 semaphore(%arg10 : memref<!tpu.dma_semaphore, #tpu.memory_space<semaphore_mem>>) src(%dma_wait3A_277 : memref<64x256xf32, #tpu.memory_space<hbm>>) dst(%dma_wait3A_275 : memref<64x256xf32, #tpu.memory_space<vmem>>)
    %scan3A_278 = arith.constant 0 : i32
    %scan3A_279 = arith.constant 64 : i32
    %scan3A_280 = arith.addi %scan3A_278, %scan3A_279 : i32
    %scan3A_281 = arith.constant 1 : i32
    scf.for %scan3A_324 = %scan3A_278 to %scan3A_280 step %scan3A_281  : i32 {
      %mul3A_325 = arith.constant 1 : i32
      %mul3A_326 = arith.muli %scan3A_324, %mul3A_325 : i32
      %add3A_327 = arith.constant 0 : i32
      %add3A_328 = arith.addi %add3A_327, %mul3A_326 : i32
      %get3A = arith.constant 1 : i32
      %get3A_329 = arith.index_cast %get3A : i32 to index
      %get3A_330 = arith.index_cast %add3A_328 : i32 to index
      %get3A_331 = arith.constant 0 : index
      %get3A_332 = tpu.vector_load %arg7[%get3A_329, %get3A_330, %get3A_331] {strides = array<i32>} : memref<2x64x256xf32, #tpu.memory_space<vmem>>, vector<1x1x16xf32>,
      %get3A_333 = vector.shape_cast %get3A_332 : vector<1x1x16xf32> to vector<16xf32>
      %mul3A_334 = arith.constant 2.000000e+00 : f32
      %mul3A_335 = vector.broadcast %mul3A_334 : f32 to vector<16xf32>
      %mul3A_336 = arith.mulf %mul3A_335, %get3A_333 : vector<16xf32>
      %swap3A = arith.constant 1 : i32
      %swap3A_337 = arith.index_cast %swap3A : i32 to index
      %swap3A_338 = arith.index_cast %add3A_328 : i32 to index
      %swap3A_339 = arith.constant 0 : index
      %swap3A_340 = tpu.vector_load %arg8[%swap3A_337, %swap3A_338, %swap3A_339] {strides = array<i32>} : memref<2x64x256xf32, #tpu.memory_space<vmem>>, vector<1x1x16xf32>,
      %swap3A_341 = vector.shape_cast %swap3A_340 : vector<1x1x16xf32> to vector<16xf32>
      %swap3A_342 = vector.shape_cast %mul3A_336 : vector<16xf32> to vector<1x1x16xf32>
      tpu.vector_store %arg8[%swap3A_337, %swap3A_338, %swap3A_339], %swap3A_342 {add = true, strides = array<i32>} : memref<2x64x256xf32, #tpu.memory_space<vmem>>, vector<1x1x16xf32>,
      %get3A_343 = arith.constant 1 : i32
      %get3A_344 = arith.index_cast %get3A_343 : i32 to index
      %get3A_345 = arith.index_cast %add3A_328 : i32 to index
      %get3A_346 = arith.constant 16 : index
      %get3A_347 = tpu.vector_load %arg7[%get3A_344, %get3A_345, %get3A_346] {strides = array<i32>} : memref<2x64x256xf32, #tpu.memory_space<vmem>>, vector<1x1x16xf32>,
      %get3A_348 = vector.shape_cast %get3A_347 : vector<1x1x16xf32> to vector<16xf32>
      %mul3A_349 = arith.constant 2.000000e+00 : f32
      %mul3A_350 = vector.broadcast %mul3A_349 : f32 to vector<16xf32>
      %mul3A_351 = arith.mulf %mul3A_350, %get3A_348 : vector<16xf32>
      %swap3A_352 = arith.constant 1 : i32
      %swap3A_353 = arith.index_cast %swap3A_352 : i32 to index
      %swap3A_354 = arith.index_cast %add3A_328 : i32 to index
      %swap3A_355 = arith.constant 16 : index
      %swap3A_356 = tpu.vector_load %arg8[%swap3A_353, %swap3A_354, %swap3A_355] {strides = array<i32>} : memref<2x64x256xf32, #tpu.memory_space<vmem>>, vector<1x1x16xf32>,
      %swap3A_357 = vector.shape_cast %swap3A_356 : vector<1x1x16xf32> to vector<16xf32>
      %swap3A_358 = vector.shape_cast %mul3A_351 : vector<16xf32> to vector<1x1x16xf32>
      tpu.vector_store %arg8[%swap3A_353, %swap3A_354, %swap3A_355], %swap3A_358 {add = true, strides = array<i32>} : memref<2x64x256xf32, #tpu.memory_space<vmem>>, vector<1x1x16xf32>,
      %get3A_359 = arith.constant 1 : i32
      %get3A_360 = arith.index_cast %get3A_359 : i32 to index
      %get3A_361 = arith.index_cast %add3A_328 : i32 to index
      %get3A_362 = arith.constant 32 : index
      %get3A_363 = tpu.vector_load %arg7[%get3A_360, %get3A_361, %get3A_362] {strides = array<i32>} : memref<2x64x256xf32, #tpu.memory_space<vmem>>, vector<1x1x16xf32>,
      %get3A_364 = vector.shape_cast %get3A_363 : vector<1x1x16xf32> to vector<16xf32>
      %mul3A_365 = arith.constant 2.000000e+00 : f32
      %mul3A_366 = vector.broadcast %mul3A_365 : f32 to vector<16xf32>
      %mul3A_367 = arith.mulf %mul3A_366, %get3A_364 : vector<16xf32>
      %swap3A_368 = arith.constant 1 : i32
      %swap3A_369 = arith.index_cast %swap3A_368 : i32 to index
      %swap3A_370 = arith.index_cast %add3A_328 : i32 to index
      %swap3A_371 = arith.constant 32 : index
      %swap3A_372 = tpu.vector_load %arg8[%swap3A_369, %swap3A_370, %swap3A_371] {strides = array<i32>} : memref<2x64x256xf32, #tpu.memory_space<vmem>>, vector<1x1x16xf32>,
      %swap3A_373 = vector.shape_cast %swap3A_372 : vector<1x1x16xf32> to vector<16xf32>
      %swap3A_374 = vector.shape_cast %mul3A_367 : vector<16xf32> to vector<1x1x16xf32>
      tpu.vector_store %arg8[%swap3A_369, %swap3A_370, %swap3A_371], %swap3A_374 {add = true, strides = array<i32>} : memref<2x64x256xf32, #tpu.memory_space<vmem>>, vector<1x1x16xf32>,
      %get3A_375 = arith.constant 1 : i32
      %get3A_376 = arith.index_cast %get3A_375 : i32 to index
      %get3A_377 = arith.index_cast %add3A_328 : i32 to index
      %get3A_378 = arith.constant 48 : index
      %get3A_379 = tpu.vector_load %arg7[%get3A_376, %get3A_377, %get3A_378] {strides = array<i32>} : memref<2x64x256xf32, #tpu.memory_space<vmem>>, vector<1x1x16xf32>,
      %get3A_380 = vector.shape_cast %get3A_379 : vector<1x1x16xf32> to vector<16xf32>
      %mul3A_381 = arith.constant 2.000000e+00 : f32
      %mul3A_382 = vector.broadcast %mul3A_381 : f32 to vector<16xf32>
      %mul3A_383 = arith.mulf %mul3A_382, %get3A_380 : vector<16xf32>
      %swap3A_384 = arith.constant 1 : i32
      %swap3A_385 = arith.index_cast %swap3A_384 : i32 to index
      %swap3A_386 = arith.index_cast %add3A_328 : i32 to index
      %swap3A_387 = arith.constant 48 : index
      %swap3A_388 = tpu.vector_load %arg8[%swap3A_385, %swap3A_386, %swap3A_387] {strides = array<i32>} : memref<2x64x256xf32, #tpu.memory_space<vmem>>, vector<1x1x16xf32>,
      %swap3A_389 = vector.shape_cast %swap3A_388 : vector<1x1x16xf32> to vector<16xf32>
      %swap3A_390 = vector.shape_cast %mul3A_383 : vector<16xf32> to vector<1x1x16xf32>
      tpu.vector_store %arg8[%swap3A_385, %swap3A_386, %swap3A_387], %swap3A_390 {add = true, strides = array<i32>} : memref<2x64x256xf32, #tpu.memory_space<vmem>>, vector<1x1x16xf32>,
      %get3A_391 = arith.constant 1 : i32
      %get3A_392 = arith.index_cast %get3A_391 : i32 to index
      %get3A_393 = arith.index_cast %add3A_328 : i32 to index
      %get3A_394 = arith.constant 64 : index
      %get3A_395 = tpu.vector_load %arg7[%get3A_392, %get3A_393, %get3A_394] {strides = array<i32>} : memref<2x64x256xf32, #tpu.memory_space<vmem>>, vector<1x1x16xf32>,
      %get3A_396 = vector.shape_cast %get3A_395 : vector<1x1x16xf32> to vector<16xf32>
      %mul3A_397 = arith.constant 2.000000e+00 : f32
      %mul3A_398 = vector.broadcast %mul3A_397 : f32 to vector<16xf32>
      %mul3A_399 = arith.mulf %mul3A_398, %get3A_396 : vector<16xf32>
      %swap3A_400 = arith.constant 1 : i32
      %swap3A_401 = arith.index_cast %swap3A_400 : i32 to index
      %swap3A_402 = arith.index_cast %add3A_328 : i32 to index
      %swap3A_403 = arith.constant 64 : index
      %swap3A_404 = tpu.vector_load %arg8[%swap3A_401, %swap3A_402, %swap3A_403] {strides = array<i32>} : memref<2x64x256xf32, #tpu.memory_space<vmem>>, vector<1x1x16xf32>,
      %swap3A_405 = vector.shape_cast %swap3A_404 : vector<1x1x16xf32> to vector<16xf32>
      %swap3A_406 = vector.shape_cast %mul3A_399 : vector<16xf32> to vector<1x1x16xf32>
      tpu.vector_store %arg8[%swap3A_401, %swap3A_402, %swap3A_403], %swap3A_406 {add = true, strides = array<i32>} : memref<2x64x256xf32, #tpu.memory_space<vmem>>, vector<1x1x16xf32>,
      %get3A_407 = arith.constant 1 : i32
      %get3A_408 = arith.index_cast %get3A_407 : i32 to index
      %get3A_409 = arith.index_cast %add3A_328 : i32 to index
      %get3A_410 = arith.constant 80 : index
      %get3A_411 = tpu.vector_load %arg7[%get3A_408, %get3A_409, %get3A_410] {strides = array<i32>} : memref<2x64x256xf32, #tpu.memory_space<vmem>>, vector<1x1x16xf32>,
      %get3A_412 = vector.shape_cast %get3A_411 : vector<1x1x16xf32> to vector<16xf32>
      %mul3A_413 = arith.constant 2.000000e+00 : f32
      %mul3A_414 = vector.broadcast %mul3A_413 : f32 to vector<16xf32>
      %mul3A_415 = arith.mulf %mul3A_414, %get3A_412 : vector<16xf32>
      %swap3A_416 = arith.constant 1 : i32
      %swap3A_417 = arith.index_cast %swap3A_416 : i32 to index
      %swap3A_418 = arith.index_cast %add3A_328 : i32 to index
      %swap3A_419 = arith.constant 80 : index
      %swap3A_420 = tpu.vector_load %arg8[%swap3A_417, %swap3A_418, %swap3A_419] {strides = array<i32>} : memref<2x64x256xf32, #tpu.memory_space<vmem>>, vector<1x1x16xf32>,
      %swap3A_421 = vector.shape_cast %swap3A_420 : vector<1x1x16xf32> to vector<16xf32>
      %swap3A_422 = vector.shape_cast %mul3A_415 : vector<16xf32> to vector<1x1x16xf32>
      tpu.vector_store %arg8[%swap3A_417, %swap3A_418, %swap3A_419], %swap3A_422 {add = true, strides = array<i32>} : memref<2x64x256xf32, #tpu.memory_space<vmem>>, vector<1x1x16xf32>,
      %get3A_423 = arith.constant 1 : i32
      %get3A_424 = arith.index_cast %get3A_423 : i32 to index
      %get3A_425 = arith.index_cast %add3A_328 : i32 to index
      %get3A_426 = arith.constant 96 : index
      %get3A_427 = tpu.vector_load %arg7[%get3A_424, %get3A_425, %get3A_426] {strides = array<i32>} : memref<2x64x256xf32, #tpu.memory_space<vmem>>, vector<1x1x16xf32>,
      %get3A_428 = vector.shape_cast %get3A_427 : vector<1x1x16xf32> to vector<16xf32>
      %mul3A_429 = arith.constant 2.000000e+00 : f32
      %mul3A_430 = vector.broadcast %mul3A_429 : f32 to vector<16xf32>
      %mul3A_431 = arith.mulf %mul3A_430, %get3A_428 : vector<16xf32>
      %swap3A_432 = arith.constant 1 : i32
      %swap3A_433 = arith.index_cast %swap3A_432 : i32 to index
      %swap3A_434 = arith.index_cast %add3A_328 : i32 to index
      %swap3A_435 = arith.constant 96 : index
      %swap3A_436 = tpu.vector_load %arg8[%swap3A_433, %swap3A_434, %swap3A_435] {strides = array<i32>} : memref<2x64x256xf32, #tpu.memory_space<vmem>>, vector<1x1x16xf32>,
      %swap3A_437 = vector.shape_cast %swap3A_436 : vector<1x1x16xf32> to vector<16xf32>
      %swap3A_438 = vector.shape_cast %mul3A_431 : vector<16xf32> to vector<1x1x16xf32>
      tpu.vector_store %arg8[%swap3A_433, %swap3A_434, %swap3A_435], %swap3A_438 {add = true, strides = array<i32>} : memref<2x64x256xf32, #tpu.memory_space<vmem>>, vector<1x1x16xf32>,
      %get3A_439 = arith.constant 1 : i32
      %get3A_440 = arith.index_cast %get3A_439 : i32 to index
      %get3A_441 = arith.index_cast %add3A_328 : i32 to index
      %get3A_442 = arith.constant 112 : index
      %get3A_443 = tpu.vector_load %arg7[%get3A_440, %get3A_441, %get3A_442] {strides = array<i32>} : memref<2x64x256xf32, #tpu.memory_space<vmem>>, vector<1x1x16xf32>,
      %get3A_444 = vector.shape_cast %get3A_443 : vector<1x1x16xf32> to vector<16xf32>
      %mul3A_445 = arith.constant 2.000000e+00 : f32
      %mul3A_446 = vector.broadcast %mul3A_445 : f32 to vector<16xf32>
      %mul3A_447 = arith.mulf %mul3A_446, %get3A_444 : vector<16xf32>
      %swap3A_448 = arith.constant 1 : i32
      %swap3A_449 = arith.index_cast %swap3A_448 : i32 to index
      %swap3A_450 = arith.index_cast %add3A_328 : i32 to index
      %swap3A_451 = arith.constant 112 : index
      %swap3A_452 = tpu.vector_load %arg8[%swap3A_449, %swap3A_450, %swap3A_451] {strides = array<i32>} : memref<2x64x256xf32, #tpu.memory_space<vmem>>, vector<1x1x16xf32>,
      %swap3A_453 = vector.shape_cast %swap3A_452 : vector<1x1x16xf32> to vector<16xf32>
      %swap3A_454 = vector.shape_cast %mul3A_447 : vector<16xf32> to vector<1x1x16xf32>
      tpu.vector_store %arg8[%swap3A_449, %swap3A_450, %swap3A_451], %swap3A_454 {add = true, strides = array<i32>} : memref<2x64x256xf32, #tpu.memory_space<vmem>>, vector<1x1x16xf32>,
      %get3A_455 = arith.constant 1 : i32
      %get3A_456 = arith.index_cast %get3A_455 : i32 to index
      %get3A_457 = arith.index_cast %add3A_328 : i32 to index
      %get3A_458 = arith.constant 128 : index
      %get3A_459 = tpu.vector_load %arg7[%get3A_456, %get3A_457, %get3A_458] {strides = array<i32>} : memref<2x64x256xf32, #tpu.memory_space<vmem>>, vector<1x1x16xf32>,
      %get3A_460 = vector.shape_cast %get3A_459 : vector<1x1x16xf32> to vector<16xf32>
      %mul3A_461 = arith.constant 2.000000e+00 : f32
      %mul3A_462 = vector.broadcast %mul3A_461 : f32 to vector<16xf32>
      %mul3A_463 = arith.mulf %mul3A_462, %get3A_460 : vector<16xf32>
      %swap3A_464 = arith.constant 1 : i32
      %swap3A_465 = arith.index_cast %swap3A_464 : i32 to index
      %swap3A_466 = arith.index_cast %add3A_328 : i32 to index
      %swap3A_467 = arith.constant 128 : index
      %swap3A_468 = tpu.vector_load %arg8[%swap3A_465, %swap3A_466, %swap3A_467] {strides = array<i32>} : memref<2x64x256xf32, #tpu.memory_space<vmem>>, vector<1x1x16xf32>,
      %swap3A_469 = vector.shape_cast %swap3A_468 : vector<1x1x16xf32> to vector<16xf32>
      %swap3A_470 = vector.shape_cast %mul3A_463 : vector<16xf32> to vector<1x1x16xf32>
      tpu.vector_store %arg8[%swap3A_465, %swap3A_466, %swap3A_467], %swap3A_470 {add = true, strides = array<i32>} : memref<2x64x256xf32, #tpu.memory_space<vmem>>, vector<1x1x16xf32>,
      %get3A_471 = arith.constant 1 : i32
      %get3A_472 = arith.index_cast %get3A_471 : i32 to index
      %get3A_473 = arith.index_cast %add3A_328 : i32 to index
      %get3A_474 = arith.constant 144 : index
      %get3A_475 = tpu.vector_load %arg7[%get3A_472, %get3A_473, %get3A_474] {strides = array<i32>} : memref<2x64x256xf32, #tpu.memory_space<vmem>>, vector<1x1x16xf32>,
      %get3A_476 = vector.shape_cast %get3A_475 : vector<1x1x16xf32> to vector<16xf32>
      %mul3A_477 = arith.constant 2.000000e+00 : f32
      %mul3A_478 = vector.broadcast %mul3A_477 : f32 to vector<16xf32>
      %mul3A_479 = arith.mulf %mul3A_478, %get3A_476 : vector<16xf32>
      %swap3A_480 = arith.constant 1 : i32
      %swap3A_481 = arith.index_cast %swap3A_480 : i32 to index
      %swap3A_482 = arith.index_cast %add3A_328 : i32 to index
      %swap3A_483 = arith.constant 144 : index
      %swap3A_484 = tpu.vector_load %arg8[%swap3A_481, %swap3A_482, %swap3A_483] {strides = array<i32>} : memref<2x64x256xf32, #tpu.memory_space<vmem>>, vector<1x1x16xf32>,
      %swap3A_485 = vector.shape_cast %swap3A_484 : vector<1x1x16xf32> to vector<16xf32>
      %swap3A_486 = vector.shape_cast %mul3A_479 : vector<16xf32> to vector<1x1x16xf32>
      tpu.vector_store %arg8[%swap3A_481, %swap3A_482, %swap3A_483], %swap3A_486 {add = true, strides = array<i32>} : memref<2x64x256xf32, #tpu.memory_space<vmem>>, vector<1x1x16xf32>,
      %get3A_487 = arith.constant 1 : i32
      %get3A_488 = arith.index_cast %get3A_487 : i32 to index
      %get3A_489 = arith.index_cast %add3A_328 : i32 to index
      %get3A_490 = arith.constant 160 : index
      %get3A_491 = tpu.vector_load %arg7[%get3A_488, %get3A_489, %get3A_490] {strides = array<i32>} : memref<2x64x256xf32, #tpu.memory_space<vmem>>, vector<1x1x16xf32>,
      %get3A_492 = vector.shape_cast %get3A_491 : vector<1x1x16xf32> to vector<16xf32>
      %mul3A_493 = arith.constant 2.000000e+00 : f32
      %mul3A_494 = vector.broadcast %mul3A_493 : f32 to vector<16xf32>
      %mul3A_495 = arith.mulf %mul3A_494, %get3A_492 : vector<16xf32>
      %swap3A_496 = arith.constant 1 : i32
      %swap3A_497 = arith.index_cast %swap3A_496 : i32 to index
      %swap3A_498 = arith.index_cast %add3A_328 : i32 to index
      %swap3A_499 = arith.constant 160 : index
      %swap3A_500 = tpu.vector_load %arg8[%swap3A_497, %swap3A_498, %swap3A_499] {strides = array<i32>} : memref<2x64x256xf32, #tpu.memory_space<vmem>>, vector<1x1x16xf32>,
      %swap3A_501 = vector.shape_cast %swap3A_500 : vector<1x1x16xf32> to vector<16xf32>
      %swap3A_502 = vector.shape_cast %mul3A_495 : vector<16xf32> to vector<1x1x16xf32>
      tpu.vector_store %arg8[%swap3A_497, %swap3A_498, %swap3A_499], %swap3A_502 {add = true, strides = array<i32>} : memref<2x64x256xf32, #tpu.memory_space<vmem>>, vector<1x1x16xf32>,
      %get3A_503 = arith.constant 1 : i32
      %get3A_504 = arith.index_cast %get3A_503 : i32 to index
      %get3A_505 = arith.index_cast %add3A_328 : i32 to index
      %get3A_506 = arith.constant 176 : index
      %get3A_507 = tpu.vector_load %arg7[%get3A_504, %get3A_505, %get3A_506] {strides = array<i32>} : memref<2x64x256xf32, #tpu.memory_space<vmem>>, vector<1x1x16xf32>,
      %get3A_508 = vector.shape_cast %get3A_507 : vector<1x1x16xf32> to vector<16xf32>
      %mul3A_509 = arith.constant 2.000000e+00 : f32
      %mul3A_510 = vector.broadcast %mul3A_509 : f32 to vector<16xf32>
      %mul3A_511 = arith.mulf %mul3A_510, %get3A_508 : vector<16xf32>
      %swap3A_512 = arith.constant 1 : i32
      %swap3A_513 = arith.index_cast %swap3A_512 : i32 to index
      %swap3A_514 = arith.index_cast %add3A_328 : i32 to index
      %swap3A_515 = arith.constant 176 : index
      %swap3A_516 = tpu.vector_load %arg8[%swap3A_513, %swap3A_514, %swap3A_515] {strides = array<i32>} : memref<2x64x256xf32, #tpu.memory_space<vmem>>, vector<1x1x16xf32>,
      %swap3A_517 = vector.shape_cast %swap3A_516 : vector<1x1x16xf32> to vector<16xf32>
      %swap3A_518 = vector.shape_cast %mul3A_511 : vector<16xf32> to vector<1x1x16xf32>
      tpu.vector_store %arg8[%swap3A_513, %swap3A_514, %swap3A_515], %swap3A_518 {add = true, strides = array<i32>} : memref<2x64x256xf32, #tpu.memory_space<vmem>>, vector<1x1x16xf32>,
      %get3A_519 = arith.constant 1 : i32
      %get3A_520 = arith.index_cast %get3A_519 : i32 to index
      %get3A_521 = arith.index_cast %add3A_328 : i32 to index
      %get3A_522 = arith.constant 192 : index
      %get3A_523 = tpu.vector_load %arg7[%get3A_520, %get3A_521, %get3A_522] {strides = array<i32>} : memref<2x64x256xf32, #tpu.memory_space<vmem>>, vector<1x1x16xf32>,
      %get3A_524 = vector.shape_cast %get3A_523 : vector<1x1x16xf32> to vector<16xf32>
      %mul3A_525 = arith.constant 2.000000e+00 : f32
      %mul3A_526 = vector.broadcast %mul3A_525 : f32 to vector<16xf32>
      %mul3A_527 = arith.mulf %mul3A_526, %get3A_524 : vector<16xf32>
      %swap3A_528 = arith.constant 1 : i32
      %swap3A_529 = arith.index_cast %swap3A_528 : i32 to index
      %swap3A_530 = arith.index_cast %add3A_328 : i32 to index
      %swap3A_531 = arith.constant 192 : index
      %swap3A_532 = tpu.vector_load %arg8[%swap3A_529, %swap3A_530, %swap3A_531] {strides = array<i32>} : memref<2x64x256xf32, #tpu.memory_space<vmem>>, vector<1x1x16xf32>,
      %swap3A_533 = vector.shape_cast %swap3A_532 : vector<1x1x16xf32> to vector<16xf32>
      %swap3A_534 = vector.shape_cast %mul3A_527 : vector<16xf32> to vector<1x1x16xf32>
      tpu.vector_store %arg8[%swap3A_529, %swap3A_530, %swap3A_531], %swap3A_534 {add = true, strides = array<i32>} : memref<2x64x256xf32, #tpu.memory_space<vmem>>, vector<1x1x16xf32>,
      %get3A_535 = arith.constant 1 : i32
      %get3A_536 = arith.index_cast %get3A_535 : i32 to index
      %get3A_537 = arith.index_cast %add3A_328 : i32 to index
      %get3A_538 = arith.constant 208 : index
      %get3A_539 = tpu.vector_load %arg7[%get3A_536, %get3A_537, %get3A_538] {strides = array<i32>} : memref<2x64x256xf32, #tpu.memory_space<vmem>>, vector<1x1x16xf32>,
      %get3A_540 = vector.shape_cast %get3A_539 : vector<1x1x16xf32> to vector<16xf32>
      %mul3A_541 = arith.constant 2.000000e+00 : f32
      %mul3A_542 = vector.broadcast %mul3A_541 : f32 to vector<16xf32>
      %mul3A_543 = arith.mulf %mul3A_542, %get3A_540 : vector<16xf32>
      %swap3A_544 = arith.constant 1 : i32
      %swap3A_545 = arith.index_cast %swap3A_544 : i32 to index
      %swap3A_546 = arith.index_cast %add3A_328 : i32 to index
      %swap3A_547 = arith.constant 208 : index
      %swap3A_548 = tpu.vector_load %arg8[%swap3A_545, %swap3A_546, %swap3A_547] {strides = array<i32>} : memref<2x64x256xf32, #tpu.memory_space<vmem>>, vector<1x1x16xf32>,
      %swap3A_549 = vector.shape_cast %swap3A_548 : vector<1x1x16xf32> to vector<16xf32>
      %swap3A_550 = vector.shape_cast %mul3A_543 : vector<16xf32> to vector<1x1x16xf32>
      tpu.vector_store %arg8[%swap3A_545, %swap3A_546, %swap3A_547], %swap3A_550 {add = true, strides = array<i32>} : memref<2x64x256xf32, #tpu.memory_space<vmem>>, vector<1x1x16xf32>,
      %get3A_551 = arith.constant 1 : i32
      %get3A_552 = arith.index_cast %get3A_551 : i32 to index
      %get3A_553 = arith.index_cast %add3A_328 : i32 to index
      %get3A_554 = arith.constant 224 : index
      %get3A_555 = tpu.vector_load %arg7[%get3A_552, %get3A_553, %get3A_554] {strides = array<i32>} : memref<2x64x256xf32, #tpu.memory_space<vmem>>, vector<1x1x16xf32>,
      %get3A_556 = vector.shape_cast %get3A_555 : vector<1x1x16xf32> to vector<16xf32>
      %mul3A_557 = arith.constant 2.000000e+00 : f32
      %mul3A_558 = vector.broadcast %mul3A_557 : f32 to vector<16xf32>
      %mul3A_559 = arith.mulf %mul3A_558, %get3A_556 : vector<16xf32>
      %swap3A_560 = arith.constant 1 : i32
      %swap3A_561 = arith.index_cast %swap3A_560 : i32 to index
      %swap3A_562 = arith.index_cast %add3A_328 : i32 to index
      %swap3A_563 = arith.constant 224 : index
      %swap3A_564 = tpu.vector_load %arg8[%swap3A_561, %swap3A_562, %swap3A_563] {strides = array<i32>} : memref<2x64x256xf32, #tpu.memory_space<vmem>>, vector<1x1x16xf32>,
      %swap3A_565 = vector.shape_cast %swap3A_564 : vector<1x1x16xf32> to vector<16xf32>
      %swap3A_566 = vector.shape_cast %mul3A_559 : vector<16xf32> to vector<1x1x16xf32>
      tpu.vector_store %arg8[%swap3A_561, %swap3A_562, %swap3A_563], %swap3A_566 {add = true, strides = array<i32>} : memref<2x64x256xf32, #tpu.memory_space<vmem>>, vector<1x1x16xf32>,
      %get3A_567 = arith.constant 1 : i32
      %get3A_568 = arith.index_cast %get3A_567 : i32 to index
      %get3A_569 = arith.index_cast %add3A_328 : i32 to index
      %get3A_570 = arith.constant 240 : index
      %get3A_571 = tpu.vector_load %arg7[%get3A_568, %get3A_569, %get3A_570] {strides = array<i32>} : memref<2x64x256xf32, #tpu.memory_space<vmem>>, vector<1x1x16xf32>,
      %get3A_572 = vector.shape_cast %get3A_571 : vector<1x1x16xf32> to vector<16xf32>
      %mul3A_573 = arith.constant 2.000000e+00 : f32
      %mul3A_574 = vector.broadcast %mul3A_573 : f32 to vector<16xf32>
      %mul3A_575 = arith.mulf %mul3A_574, %get3A_572 : vector<16xf32>
      %swap3A_576 = arith.constant 1 : i32
      %swap3A_577 = arith.index_cast %swap3A_576 : i32 to index
      %swap3A_578 = arith.index_cast %add3A_328 : i32 to index
      %swap3A_579 = arith.constant 240 : index
      %swap3A_580 = tpu.vector_load %arg8[%swap3A_577, %swap3A_578, %swap3A_579] {strides = array<i32>} : memref<2x64x256xf32, #tpu.memory_space<vmem>>, vector<1x1x16xf32>,
      %swap3A_581 = vector.shape_cast %swap3A_580 : vector<1x1x16xf32> to vector<16xf32>
      %swap3A_582 = vector.shape_cast %mul3A_575 : vector<16xf32> to vector<1x1x16xf32>
      tpu.vector_store %arg8[%swap3A_577, %swap3A_578, %swap3A_579], %swap3A_582 {add = true, strides = array<i32>} : memref<2x64x256xf32, #tpu.memory_space<vmem>>, vector<1x1x16xf32>,
    }
    %scan3A_282 = arith.constant 64 : i32
    %add3A_283 = arith.constant 192 : i32
    %add3A_284 = arith.addi %mul3A_2, %add3A_283 : i32
    %dma_start3A_285 = arith.constant 1 : i32
    %dma_start3A_286 = arith.constant 0 : i32
    %dma_start3A_287 = arith.constant 0 : i32
    %dma_start3A_288 = tpu.memref_slice %arg8[%dma_start3A_285, %dma_start3A_286, %dma_start3A_287] : memref<2x64x256xf32, #tpu.memory_space<vmem>> -> memref<1x64x256xf32, #tpu.memory_space<vmem>>
    %dma_start3A_289 = tpu.memref_squeeze %dma_start3A_288 : memref<1x64x256xf32, #tpu.memory_space<vmem>> -> memref<64x256xf32, #tpu.memory_space<vmem>>
    %dma_start3A_290 = arith.constant 0 : i32
    %dma_start3A_291 = tpu.memref_slice %arg5[%add3A_284, %dma_start3A_290] : memref<8192x256xf32, #tpu.memory_space<hbm>> -> memref<64x256xf32, #tpu.memory_space<hbm>>
    %dma_start3A_292 = arith.constant 0 : i32
    %dma_start3A_293 = tpu.memref_slice %arg5[%add3A_284, %dma_start3A_292] : memref<8192x256xf32, #tpu.memory_space<hbm>> -> memref<64x256xf32, #tpu.memory_space<hbm>>
    %dma_start3A_294 = arith.constant 0 : i32
    %dma_start3A_295 = arith.constant 0 : i32
    %dma_start3A_296 = tpu.memref_slice %arg8[%dma_start3A_285, %dma_start3A_294, %dma_start3A_295] : memref<2x64x256xf32, #tpu.memory_space<vmem>> -> memref<1x64x256xf32, #tpu.memory_space<vmem>>
    %dma_start3A_297 = tpu.memref_squeeze %dma_start3A_296 : memref<1x64x256xf32, #tpu.memory_space<vmem>> -> memref<64x256xf32, #tpu.memory_space<vmem>>
    tpu.enqueue_dma source(%dma_start3A_297 : memref<64x256xf32, #tpu.memory_space<vmem>>) target(%dma_start3A_293 : memref<64x256xf32, #tpu.memory_space<hbm>>) target_semaphore(%arg11 : memref<!tpu.dma_semaphore, #tpu.memory_space<semaphore_mem>>)
    %dma_wait3A_298 = arith.constant 0 : i32
    %dma_wait3A_299 = arith.constant 0 : i32
    %dma_wait3A_300 = arith.constant 0 : i32
    %dma_wait3A_301 = tpu.memref_slice %arg8[%dma_wait3A_298, %dma_wait3A_299, %dma_wait3A_300] : memref<2x64x256xf32, #tpu.memory_space<vmem>> -> memref<1x64x256xf32, #tpu.memory_space<vmem>>
    %dma_wait3A_302 = tpu.memref_squeeze %dma_wait3A_301 : memref<1x64x256xf32, #tpu.memory_space<vmem>> -> memref<64x256xf32, #tpu.memory_space<vmem>>
    %dma_wait3A_303 = arith.constant 0 : i32
    %dma_wait3A_304 = tpu.memref_slice %arg5[%add3A_241, %dma_wait3A_303] : memref<8192x256xf32, #tpu.memory_space<hbm>> -> memref<64x256xf32, #tpu.memory_space<hbm>>
    %dma_wait3A_305 = arith.constant 0 : i32
    %dma_wait3A_306 = tpu.memref_slice %arg5[%add3A_241, %dma_wait3A_305] : memref<8192x256xf32, #tpu.memory_space<hbm>> -> memref<64x256xf32, #tpu.memory_space<hbm>>
    %dma_wait3A_307 = arith.constant 0 : i32
    %dma_wait3A_308 = arith.constant 0 : i32
    %dma_wait3A_309 = tpu.memref_slice %arg8[%dma_wait3A_298, %dma_wait3A_307, %dma_wait3A_308] : memref<2x64x256xf32, #tpu.memory_space<vmem>> -> memref<1x64x256xf32, #tpu.memory_space<vmem>>
    %dma_wait3A_310 = tpu.memref_squeeze %dma_wait3A_309 : memref<1x64x256xf32, #tpu.memory_space<vmem>> -> memref<64x256xf32, #tpu.memory_space<vmem>>
    tpu.wait_dma2 semaphore(%arg11 : memref<!tpu.dma_semaphore, #tpu.memory_space<semaphore_mem>>) src(%dma_wait3A_310 : memref<64x256xf32, #tpu.memory_space<vmem>>) dst(%dma_wait3A_306 : memref<64x256xf32, #tpu.memory_space<hbm>>)
    %dma_wait3A_311 = arith.constant 1 : i32
    %dma_wait3A_312 = arith.constant 0 : i32
    %dma_wait3A_313 = arith.constant 0 : i32
    %dma_wait3A_314 = tpu.memref_slice %arg8[%dma_wait3A_311, %dma_wait3A_312, %dma_wait3A_313] : memref<2x64x256xf32, #tpu.memory_space<vmem>> -> memref<1x64x256xf32, #tpu.memory_space<vmem>>
    %dma_wait3A_315 = tpu.memref_squeeze %dma_wait3A_314 : memref<1x64x256xf32, #tpu.memory_space<vmem>> -> memref<64x256xf32, #tpu.memory_space<vmem>>
    %dma_wait3A_316 = arith.constant 0 : i32
    %dma_wait3A_317 = tpu.memref_slice %arg5[%add3A_284, %dma_wait3A_316] : memref<8192x256xf32, #tpu.memory_space<hbm>> -> memref<64x256xf32, #tpu.memory_space<hbm>>
    %dma_wait3A_318 = arith.constant 0 : i32
    %dma_wait3A_319 = tpu.memref_slice %arg5[%add3A_284, %dma_wait3A_318] : memref<8192x256xf32, #tpu.memory_space<hbm>> -> memref<64x256xf32, #tpu.memory_space<hbm>>
    %dma_wait3A_320 = arith.constant 0 : i32
    %dma_wait3A_321 = arith.constant 0 : i32
    %dma_wait3A_322 = tpu.memref_slice %arg8[%dma_wait3A_311, %dma_wait3A_320, %dma_wait3A_321] : memref<2x64x256xf32, #tpu.memory_space<vmem>> -> memref<1x64x256xf32, #tpu.memory_space<vmem>>
    %dma_wait3A_323 = tpu.memref_squeeze %dma_wait3A_322 : memref<1x64x256xf32, #tpu.memory_space<vmem>> -> memref<64x256xf32, #tpu.memory_space<vmem>>
    tpu.wait_dma2 semaphore(%arg11 : memref<!tpu.dma_semaphore, #tpu.memory_space<semaphore_mem>>) src(%dma_wait3A_323 : memref<64x256xf32, #tpu.memory_space<vmem>>) dst(%dma_wait3A_319 : memref<64x256xf32, #tpu.memory_space<hbm>>)
    return
  }
}

module attributes {stable_mosaic.version = 14 : i64} {
  func.func @_argmin_body(%arg0: i32, %arg1: i32, %arg2: memref<4096x256xf32, #tpu.memory_space<vmem>>, %arg3: memref<4096x256xf32, #tpu.memory_space<vmem>>, %arg4: memref<4096xi32, #tpu.memory_space<vmem>>, %arg5: memref<4096x256xf32, #tpu.memory_space<vmem>>, %arg6: memref<2x32x128xf32, #tpu.memory_space<vmem>>, %arg7: memref<4096x128xf32, #tpu.memory_space<vmem>>, %arg8: memref<4096x256xbf16, #tpu.memory_space<vmem>>, %arg9: memref<2x4096x256xbf16, #tpu.memory_space<vmem>>) attributes {dimension_semantics = [#tpu.dimension_semantics<arbitrary>, #tpu.dimension_semantics<arbitrary>], iteration_bounds = array<i64: 2, 2>, scalar_prefetch = 0 : i64, scratch_operands = 4 : i64, tpu.core_type = #tpu.core_type<tc>, window_params = [{transform_indices = @transform_0, window_bounds = array<i64: 4096, 256>}, {transform_indices = @transform_1, window_bounds = array<i64: 4096, 256>}, {transform_indices = @transform_2, window_bounds = array<i64: 4096>}, {transform_indices = @transform_3, window_bounds = array<i64: 4096, 256>}]} {
    %eq3A = arith.constant 0 : i32
    %eq3A_0 = arith.cmpi eq, %arg1, %eq3A : i32
    %convert_element_type3A = arith.extui %eq3A_0 : i1 to i32
    %cond3A = arith.constant 0 : i32
    %cond3A_1 = arith.cmpi ne, %convert_element_type3A, %cond3A : i32
    scf.if %cond3A_1 {
      %get3A_582 = arith.constant 0 : index
      %get3A_583 = arith.constant 0 : index
      %get3A_584 = vector.load %arg2[%get3A_582, %get3A_583] : memref<4096x256xf32, #tpu.memory_space<vmem>>, vector<4096x256xf32>
      %convert_element_type3A_585 = arith.truncf %get3A_584 : vector<4096x256xf32> to vector<4096x256xbf16>
      %swap3A = arith.constant 0 : index
      %swap3A_586 = arith.constant 0 : index
      %swap3A_587 = vector.load %arg8[%swap3A, %swap3A_586] : memref<4096x256xbf16, #tpu.memory_space<vmem>>, vector<4096x256xbf16>
      tpu.vector_store %arg8[%swap3A, %swap3A_586], %convert_element_type3A_585 {strides = array<i32>} : memref<4096x256xbf16, #tpu.memory_space<vmem>>, vector<4096x256xbf16>,
      %neg3A = arith.constant 0.000000e+00 : f32
      %neg3A_588 = vector.broadcast %neg3A : f32 to vector<4096x256xf32>
      %neg3A_589 = arith.subf %neg3A_588, %get3A_584 : vector<4096x256xf32>
      %swap3A_590 = arith.constant 0 : index
      %swap3A_591 = arith.constant 0 : index
      %swap3A_592 = vector.load %arg5[%swap3A_590, %swap3A_591] : memref<4096x256xf32, #tpu.memory_space<vmem>>, vector<4096x256xf32>
      tpu.vector_store %arg5[%swap3A_590, %swap3A_591], %neg3A_589 {strides = array<i32>} : memref<4096x256xf32, #tpu.memory_space<vmem>>, vector<4096x256xf32>,
    } else {
    }
    %eq3A_2 = arith.constant 0 : i32
    %eq3A_3 = arith.cmpi eq, %arg0, %eq3A_2 : i32
    %convert_element_type3A_4 = arith.extui %eq3A_3 : i1 to i32
    %cond3A_5 = arith.constant 0 : i32
    %cond3A_6 = arith.cmpi ne, %convert_element_type3A_4, %cond3A_5 : i32
    scf.if %cond3A_6 {
      %get3A_582 = arith.constant 0 : index
      %get3A_583 = arith.constant 0 : index
      %get3A_584 = vector.load %arg3[%get3A_582, %get3A_583] : memref<4096x256xf32, #tpu.memory_space<vmem>>, vector<4096x256xf32>
      %convert_element_type3A_585 = arith.truncf %get3A_584 : vector<4096x256xf32> to vector<4096x256xbf16>
      %swap3A = arith.index_cast %arg1 : i32 to index
      %swap3A_586 = arith.constant 0 : index
      %swap3A_587 = arith.constant 0 : index
      %swap3A_588 = vector.load %arg9[%swap3A, %swap3A_586, %swap3A_587] : memref<2x4096x256xbf16, #tpu.memory_space<vmem>>, vector<1x4096x256xbf16>
      %swap3A_589 = vector.shape_cast %swap3A_588 : vector<1x4096x256xbf16> to vector<4096x256xbf16>
      %swap3A_590 = vector.shape_cast %convert_element_type3A_585 : vector<4096x256xbf16> to vector<1x4096x256xbf16>
      tpu.vector_store %arg9[%swap3A, %swap3A_586, %swap3A_587], %swap3A_590 {strides = array<i32>} : memref<2x4096x256xbf16, #tpu.memory_space<vmem>>, vector<1x4096x256xbf16>,
      %mul3A = arith.mulf %get3A_584, %get3A_584 : vector<4096x256xf32>
      %reduce_sum3A = arith.constant dense<0.000000e+00> : vector<4096xf32>
      %reduce_sum3A_591 = vector.multi_reduction <add>, %mul3A, %reduce_sum3A [1] : vector<4096x256xf32> to vector<4096xf32>
      %mul3A_592 = arith.constant 5.000000e-01 : f32
      %mul3A_593 = vector.broadcast %mul3A_592 : f32 to vector<4096xf32>
      %mul3A_594 = arith.mulf %mul3A_593, %reduce_sum3A_591 : vector<4096xf32>
      %sub3A_595 = arith.constant 1.000000e+00 : f32
      %sub3A_596 = vector.broadcast %sub3A_595 : f32 to vector<4096xf32>
      %sub3A_597 = arith.subf %sub3A_596, %mul3A_594 : vector<4096xf32>
      %reshape3A = vector.shape_cast %sub3A_597 : vector<4096xf32> to vector<32x128xf32>
      %swap3A_598 = arith.index_cast %arg1 : i32 to index
      %swap3A_599 = arith.constant 0 : index
      %swap3A_600 = arith.constant 0 : index
      %swap3A_601 = vector.load %arg6[%swap3A_598, %swap3A_599, %swap3A_600] : memref<2x32x128xf32, #tpu.memory_space<vmem>>, vector<1x32x128xf32>
      %swap3A_602 = vector.shape_cast %swap3A_601 : vector<1x32x128xf32> to vector<32x128xf32>
      %swap3A_603 = vector.shape_cast %reshape3A : vector<32x128xf32> to vector<1x32x128xf32>
      tpu.vector_store %arg6[%swap3A_598, %swap3A_599, %swap3A_600], %swap3A_603 {strides = array<i32>} : memref<2x32x128xf32, #tpu.memory_space<vmem>>, vector<1x32x128xf32>,
    } else {
    }
    %sub3A = arith.constant 1 : i32
    %sub3A_7 = arith.subi %sub3A, %arg1 : i32
    %shift_left3A = arith.constant 5 : i32
    %shift_left3A_8 = arith.shli %sub3A_7, %shift_left3A : i32
    %get3A = arith.index_cast %arg1 : i32 to index
    %get3A_9 = arith.constant 0 : index
    %get3A_10 = arith.constant 0 : index
    %get3A_11 = vector.load %arg6[%get3A, %get3A_9, %get3A_10] : memref<2x32x128xf32, #tpu.memory_space<vmem>>, vector<1x32x128xf32>
    %get3A_12 = vector.shape_cast %get3A_11 : vector<1x32x128xf32> to vector<32x128xf32>
    %get3A_13 = arith.constant 0 : index
    %get3A_14 = arith.constant 0 : index
    %get3A_15 = vector.load %arg8[%get3A_13, %get3A_14] : memref<4096x256xbf16, #tpu.memory_space<vmem>>, vector<4096x256xbf16>
    %get3A_16 = arith.index_cast %arg1 : i32 to index
    %get3A_17 = arith.constant 0 : index
    %get3A_18 = arith.constant 0 : index
    %get3A_19 = vector.load %arg9[%get3A_16, %get3A_17, %get3A_18] : memref<2x4096x256xbf16, #tpu.memory_space<vmem>>, vector<1x256x256xbf16>
    %get3A_20 = vector.shape_cast %get3A_19 : vector<1x256x256xbf16> to vector<256x256xbf16>
    %dot_general3A = arith.constant dense<0.000000e+00> : vector<4096x256xf32>
    %dot_general3A_21 = tpu.matmul %get3A_15, %get3A_20, %dot_general3A {dimension_numbers = #tpu.dot_dimension_numbers<[1], [1], [0], [0], [0, 0, 1, 0], [], []>, transpose_lhs_hint = false} : vector<4096x256xbf16>, vector<256x256xbf16>, vector<4096x256xf32> -> vector<4096x256xf32>
    %slice3A = vector.extract_strided_slice %dot_general3A_21 {offsets = [0, 0], sizes = [4096, 128], strides = [1, 1]} : vector<4096x256xf32> to vector<4096x128xf32>
    %slice3A_22 = vector.extract_strided_slice %get3A_12 {offsets = [0, 0], sizes = [1, 128], strides = [1, 1]} : vector<32x128xf32> to vector<1x128xf32>
    %add3A = vector.broadcast %slice3A_22 : vector<1x128xf32> to vector<4096x128xf32>
    %add3A_23 = arith.addf %slice3A, %add3A : vector<4096x128xf32>
    %bitcast_convert_type3A = tpu.bitcast %add3A_23 : vector<4096x128xf32> -> vector<4096x128xi32>
    %and3A = arith.constant -64 : i32
    %and3A_24 = vector.broadcast %and3A : i32 to vector<4096x128xi32>
    %and3A_25 = arith.andi %bitcast_convert_type3A, %and3A_24 : vector<4096x128xi32>
    %or3A = arith.constant 31 : i32
    %or3A_26 = arith.ori %shift_left3A_8, %or3A : i32
    %or3A_27 = vector.broadcast %or3A_26 : i32 to vector<4096x128xi32>
    %or3A_28 = arith.ori %and3A_25, %or3A_27 : vector<4096x128xi32>
    %bitcast_convert_type3A_29 = tpu.bitcast %or3A_28 : vector<4096x128xi32> -> vector<4096x128xf32>
    %slice3A_30 = vector.extract_strided_slice %dot_general3A_21 {offsets = [0, 128], sizes = [4096, 128], strides = [1, 1]} : vector<4096x256xf32> to vector<4096x128xf32>
    %slice3A_31 = vector.extract_strided_slice %get3A_12 {offsets = [1, 0], sizes = [1, 128], strides = [1, 1]} : vector<32x128xf32> to vector<1x128xf32>
    %add3A_32 = vector.broadcast %slice3A_31 : vector<1x128xf32> to vector<4096x128xf32>
    %add3A_33 = arith.addf %slice3A_30, %add3A_32 : vector<4096x128xf32>
    %bitcast_convert_type3A_34 = tpu.bitcast %add3A_33 : vector<4096x128xf32> -> vector<4096x128xi32>
    %and3A_35 = arith.constant -64 : i32
    %and3A_36 = vector.broadcast %and3A_35 : i32 to vector<4096x128xi32>
    %and3A_37 = arith.andi %bitcast_convert_type3A_34, %and3A_36 : vector<4096x128xi32>
    %or3A_38 = arith.constant 30 : i32
    %or3A_39 = arith.ori %shift_left3A_8, %or3A_38 : i32
    %or3A_40 = vector.broadcast %or3A_39 : i32 to vector<4096x128xi32>
    %or3A_41 = arith.ori %and3A_37, %or3A_40 : vector<4096x128xi32>
    %bitcast_convert_type3A_42 = tpu.bitcast %or3A_41 : vector<4096x128xi32> -> vector<4096x128xf32>
    %max3A = arith.maximumf %bitcast_convert_type3A_29, %bitcast_convert_type3A_42 : vector<4096x128xf32>
    %get3A_43 = arith.index_cast %arg1 : i32 to index
    %get3A_44 = arith.constant 256 : index
    %get3A_45 = arith.constant 0 : index
    %get3A_46 = vector.load %arg9[%get3A_43, %get3A_44, %get3A_45] : memref<2x4096x256xbf16, #tpu.memory_space<vmem>>, vector<1x256x256xbf16>
    %get3A_47 = vector.shape_cast %get3A_46 : vector<1x256x256xbf16> to vector<256x256xbf16>
    %dot_general3A_48 = arith.constant dense<0.000000e+00> : vector<4096x256xf32>
    %dot_general3A_49 = tpu.matmul %get3A_15, %get3A_47, %dot_general3A_48 {dimension_numbers = #tpu.dot_dimension_numbers<[1], [1], [0], [0], [0, 0, 1, 0], [], []>, transpose_lhs_hint = false} : vector<4096x256xbf16>, vector<256x256xbf16>, vector<4096x256xf32> -> vector<4096x256xf32>
    %slice3A_50 = vector.extract_strided_slice %dot_general3A_49 {offsets = [0, 0], sizes = [4096, 128], strides = [1, 1]} : vector<4096x256xf32> to vector<4096x128xf32>
    %slice3A_51 = vector.extract_strided_slice %get3A_12 {offsets = [2, 0], sizes = [1, 128], strides = [1, 1]} : vector<32x128xf32> to vector<1x128xf32>
    %add3A_52 = vector.broadcast %slice3A_51 : vector<1x128xf32> to vector<4096x128xf32>
    %add3A_53 = arith.addf %slice3A_50, %add3A_52 : vector<4096x128xf32>
    %bitcast_convert_type3A_54 = tpu.bitcast %add3A_53 : vector<4096x128xf32> -> vector<4096x128xi32>
    %and3A_55 = arith.constant -64 : i32
    %and3A_56 = vector.broadcast %and3A_55 : i32 to vector<4096x128xi32>
    %and3A_57 = arith.andi %bitcast_convert_type3A_54, %and3A_56 : vector<4096x128xi32>
    %or3A_58 = arith.constant 29 : i32
    %or3A_59 = arith.ori %shift_left3A_8, %or3A_58 : i32
    %or3A_60 = vector.broadcast %or3A_59 : i32 to vector<4096x128xi32>
    %or3A_61 = arith.ori %and3A_57, %or3A_60 : vector<4096x128xi32>
    %bitcast_convert_type3A_62 = tpu.bitcast %or3A_61 : vector<4096x128xi32> -> vector<4096x128xf32>
    %max3A_63 = arith.maximumf %max3A, %bitcast_convert_type3A_62 : vector<4096x128xf32>
    %slice3A_64 = vector.extract_strided_slice %dot_general3A_49 {offsets = [0, 128], sizes = [4096, 128], strides = [1, 1]} : vector<4096x256xf32> to vector<4096x128xf32>
    %slice3A_65 = vector.extract_strided_slice %get3A_12 {offsets = [3, 0], sizes = [1, 128], strides = [1, 1]} : vector<32x128xf32> to vector<1x128xf32>
    %add3A_66 = vector.broadcast %slice3A_65 : vector<1x128xf32> to vector<4096x128xf32>
    %add3A_67 = arith.addf %slice3A_64, %add3A_66 : vector<4096x128xf32>
    %bitcast_convert_type3A_68 = tpu.bitcast %add3A_67 : vector<4096x128xf32> -> vector<4096x128xi32>
    %and3A_69 = arith.constant -64 : i32
    %and3A_70 = vector.broadcast %and3A_69 : i32 to vector<4096x128xi32>
    %and3A_71 = arith.andi %bitcast_convert_type3A_68, %and3A_70 : vector<4096x128xi32>
    %or3A_72 = arith.constant 28 : i32
    %or3A_73 = arith.ori %shift_left3A_8, %or3A_72 : i32
    %or3A_74 = vector.broadcast %or3A_73 : i32 to vector<4096x128xi32>
    %or3A_75 = arith.ori %and3A_71, %or3A_74 : vector<4096x128xi32>
    %bitcast_convert_type3A_76 = tpu.bitcast %or3A_75 : vector<4096x128xi32> -> vector<4096x128xf32>
    %max3A_77 = arith.maximumf %max3A_63, %bitcast_convert_type3A_76 : vector<4096x128xf32>
    %get3A_78 = arith.index_cast %arg1 : i32 to index
    %get3A_79 = arith.constant 512 : index
    %get3A_80 = arith.constant 0 : index
    %get3A_81 = vector.load %arg9[%get3A_78, %get3A_79, %get3A_80] : memref<2x4096x256xbf16, #tpu.memory_space<vmem>>, vector<1x256x256xbf16>
    %get3A_82 = vector.shape_cast %get3A_81 : vector<1x256x256xbf16> to vector<256x256xbf16>
    %dot_general3A_83 = arith.constant dense<0.000000e+00> : vector<4096x256xf32>
    %dot_general3A_84 = tpu.matmul %get3A_15, %get3A_82, %dot_general3A_83 {dimension_numbers = #tpu.dot_dimension_numbers<[1], [1], [0], [0], [0, 0, 1, 0], [], []>, transpose_lhs_hint = false} : vector<4096x256xbf16>, vector<256x256xbf16>, vector<4096x256xf32> -> vector<4096x256xf32>
    %slice3A_85 = vector.extract_strided_slice %dot_general3A_84 {offsets = [0, 0], sizes = [4096, 128], strides = [1, 1]} : vector<4096x256xf32> to vector<4096x128xf32>
    %slice3A_86 = vector.extract_strided_slice %get3A_12 {offsets = [4, 0], sizes = [1, 128], strides = [1, 1]} : vector<32x128xf32> to vector<1x128xf32>
    %add3A_87 = vector.broadcast %slice3A_86 : vector<1x128xf32> to vector<4096x128xf32>
    %add3A_88 = arith.addf %slice3A_85, %add3A_87 : vector<4096x128xf32>
    %bitcast_convert_type3A_89 = tpu.bitcast %add3A_88 : vector<4096x128xf32> -> vector<4096x128xi32>
    %and3A_90 = arith.constant -64 : i32
    %and3A_91 = vector.broadcast %and3A_90 : i32 to vector<4096x128xi32>
    %and3A_92 = arith.andi %bitcast_convert_type3A_89, %and3A_91 : vector<4096x128xi32>
    %or3A_93 = arith.constant 27 : i32
    %or3A_94 = arith.ori %shift_left3A_8, %or3A_93 : i32
    %or3A_95 = vector.broadcast %or3A_94 : i32 to vector<4096x128xi32>
    %or3A_96 = arith.ori %and3A_92, %or3A_95 : vector<4096x128xi32>
    %bitcast_convert_type3A_97 = tpu.bitcast %or3A_96 : vector<4096x128xi32> -> vector<4096x128xf32>
    %max3A_98 = arith.maximumf %max3A_77, %bitcast_convert_type3A_97 : vector<4096x128xf32>
    %slice3A_99 = vector.extract_strided_slice %dot_general3A_84 {offsets = [0, 128], sizes = [4096, 128], strides = [1, 1]} : vector<4096x256xf32> to vector<4096x128xf32>
    %slice3A_100 = vector.extract_strided_slice %get3A_12 {offsets = [5, 0], sizes = [1, 128], strides = [1, 1]} : vector<32x128xf32> to vector<1x128xf32>
    %add3A_101 = vector.broadcast %slice3A_100 : vector<1x128xf32> to vector<4096x128xf32>
    %add3A_102 = arith.addf %slice3A_99, %add3A_101 : vector<4096x128xf32>
    %bitcast_convert_type3A_103 = tpu.bitcast %add3A_102 : vector<4096x128xf32> -> vector<4096x128xi32>
    %and3A_104 = arith.constant -64 : i32
    %and3A_105 = vector.broadcast %and3A_104 : i32 to vector<4096x128xi32>
    %and3A_106 = arith.andi %bitcast_convert_type3A_103, %and3A_105 : vector<4096x128xi32>
    %or3A_107 = arith.constant 26 : i32
    %or3A_108 = arith.ori %shift_left3A_8, %or3A_107 : i32
    %or3A_109 = vector.broadcast %or3A_108 : i32 to vector<4096x128xi32>
    %or3A_110 = arith.ori %and3A_106, %or3A_109 : vector<4096x128xi32>
    %bitcast_convert_type3A_111 = tpu.bitcast %or3A_110 : vector<4096x128xi32> -> vector<4096x128xf32>
    %max3A_112 = arith.maximumf %max3A_98, %bitcast_convert_type3A_111 : vector<4096x128xf32>
    %get3A_113 = arith.index_cast %arg1 : i32 to index
    %get3A_114 = arith.constant 768 : index
    %get3A_115 = arith.constant 0 : index
    %get3A_116 = vector.load %arg9[%get3A_113, %get3A_114, %get3A_115] : memref<2x4096x256xbf16, #tpu.memory_space<vmem>>, vector<1x256x256xbf16>
    %get3A_117 = vector.shape_cast %get3A_116 : vector<1x256x256xbf16> to vector<256x256xbf16>
    %dot_general3A_118 = arith.constant dense<0.000000e+00> : vector<4096x256xf32>
    %dot_general3A_119 = tpu.matmul %get3A_15, %get3A_117, %dot_general3A_118 {dimension_numbers = #tpu.dot_dimension_numbers<[1], [1], [0], [0], [0, 0, 1, 0], [], []>, transpose_lhs_hint = false} : vector<4096x256xbf16>, vector<256x256xbf16>, vector<4096x256xf32> -> vector<4096x256xf32>
    %slice3A_120 = vector.extract_strided_slice %dot_general3A_119 {offsets = [0, 0], sizes = [4096, 128], strides = [1, 1]} : vector<4096x256xf32> to vector<4096x128xf32>
    %slice3A_121 = vector.extract_strided_slice %get3A_12 {offsets = [6, 0], sizes = [1, 128], strides = [1, 1]} : vector<32x128xf32> to vector<1x128xf32>
    %add3A_122 = vector.broadcast %slice3A_121 : vector<1x128xf32> to vector<4096x128xf32>
    %add3A_123 = arith.addf %slice3A_120, %add3A_122 : vector<4096x128xf32>
    %bitcast_convert_type3A_124 = tpu.bitcast %add3A_123 : vector<4096x128xf32> -> vector<4096x128xi32>
    %and3A_125 = arith.constant -64 : i32
    %and3A_126 = vector.broadcast %and3A_125 : i32 to vector<4096x128xi32>
    %and3A_127 = arith.andi %bitcast_convert_type3A_124, %and3A_126 : vector<4096x128xi32>
    %or3A_128 = arith.constant 25 : i32
    %or3A_129 = arith.ori %shift_left3A_8, %or3A_128 : i32
    %or3A_130 = vector.broadcast %or3A_129 : i32 to vector<4096x128xi32>
    %or3A_131 = arith.ori %and3A_127, %or3A_130 : vector<4096x128xi32>
    %bitcast_convert_type3A_132 = tpu.bitcast %or3A_131 : vector<4096x128xi32> -> vector<4096x128xf32>
    %max3A_133 = arith.maximumf %max3A_112, %bitcast_convert_type3A_132 : vector<4096x128xf32>
    %slice3A_134 = vector.extract_strided_slice %dot_general3A_119 {offsets = [0, 128], sizes = [4096, 128], strides = [1, 1]} : vector<4096x256xf32> to vector<4096x128xf32>
    %slice3A_135 = vector.extract_strided_slice %get3A_12 {offsets = [7, 0], sizes = [1, 128], strides = [1, 1]} : vector<32x128xf32> to vector<1x128xf32>
    %add3A_136 = vector.broadcast %slice3A_135 : vector<1x128xf32> to vector<4096x128xf32>
    %add3A_137 = arith.addf %slice3A_134, %add3A_136 : vector<4096x128xf32>
    %bitcast_convert_type3A_138 = tpu.bitcast %add3A_137 : vector<4096x128xf32> -> vector<4096x128xi32>
    %and3A_139 = arith.constant -64 : i32
    %and3A_140 = vector.broadcast %and3A_139 : i32 to vector<4096x128xi32>
    %and3A_141 = arith.andi %bitcast_convert_type3A_138, %and3A_140 : vector<4096x128xi32>
    %or3A_142 = arith.constant 24 : i32
    %or3A_143 = arith.ori %shift_left3A_8, %or3A_142 : i32
    %or3A_144 = vector.broadcast %or3A_143 : i32 to vector<4096x128xi32>
    %or3A_145 = arith.ori %and3A_141, %or3A_144 : vector<4096x128xi32>
    %bitcast_convert_type3A_146 = tpu.bitcast %or3A_145 : vector<4096x128xi32> -> vector<4096x128xf32>
    %max3A_147 = arith.maximumf %max3A_133, %bitcast_convert_type3A_146 : vector<4096x128xf32>
    %get3A_148 = arith.index_cast %arg1 : i32 to index
    %get3A_149 = arith.constant 1024 : index
    %get3A_150 = arith.constant 0 : index
    %get3A_151 = vector.load %arg9[%get3A_148, %get3A_149, %get3A_150] : memref<2x4096x256xbf16, #tpu.memory_space<vmem>>, vector<1x256x256xbf16>
    %get3A_152 = vector.shape_cast %get3A_151 : vector<1x256x256xbf16> to vector<256x256xbf16>
    %dot_general3A_153 = arith.constant dense<0.000000e+00> : vector<4096x256xf32>
    %dot_general3A_154 = tpu.matmul %get3A_15, %get3A_152, %dot_general3A_153 {dimension_numbers = #tpu.dot_dimension_numbers<[1], [1], [0], [0], [0, 0, 1, 0], [], []>, transpose_lhs_hint = false} : vector<4096x256xbf16>, vector<256x256xbf16>, vector<4096x256xf32> -> vector<4096x256xf32>
    %slice3A_155 = vector.extract_strided_slice %dot_general3A_154 {offsets = [0, 0], sizes = [4096, 128], strides = [1, 1]} : vector<4096x256xf32> to vector<4096x128xf32>
    %slice3A_156 = vector.extract_strided_slice %get3A_12 {offsets = [8, 0], sizes = [1, 128], strides = [1, 1]} : vector<32x128xf32> to vector<1x128xf32>
    %add3A_157 = vector.broadcast %slice3A_156 : vector<1x128xf32> to vector<4096x128xf32>
    %add3A_158 = arith.addf %slice3A_155, %add3A_157 : vector<4096x128xf32>
    %bitcast_convert_type3A_159 = tpu.bitcast %add3A_158 : vector<4096x128xf32> -> vector<4096x128xi32>
    %and3A_160 = arith.constant -64 : i32
    %and3A_161 = vector.broadcast %and3A_160 : i32 to vector<4096x128xi32>
    %and3A_162 = arith.andi %bitcast_convert_type3A_159, %and3A_161 : vector<4096x128xi32>
    %or3A_163 = arith.constant 23 : i32
    %or3A_164 = arith.ori %shift_left3A_8, %or3A_163 : i32
    %or3A_165 = vector.broadcast %or3A_164 : i32 to vector<4096x128xi32>
    %or3A_166 = arith.ori %and3A_162, %or3A_165 : vector<4096x128xi32>
    %bitcast_convert_type3A_167 = tpu.bitcast %or3A_166 : vector<4096x128xi32> -> vector<4096x128xf32>
    %max3A_168 = arith.maximumf %max3A_147, %bitcast_convert_type3A_167 : vector<4096x128xf32>
    %slice3A_169 = vector.extract_strided_slice %dot_general3A_154 {offsets = [0, 128], sizes = [4096, 128], strides = [1, 1]} : vector<4096x256xf32> to vector<4096x128xf32>
    %slice3A_170 = vector.extract_strided_slice %get3A_12 {offsets = [9, 0], sizes = [1, 128], strides = [1, 1]} : vector<32x128xf32> to vector<1x128xf32>
    %add3A_171 = vector.broadcast %slice3A_170 : vector<1x128xf32> to vector<4096x128xf32>
    %add3A_172 = arith.addf %slice3A_169, %add3A_171 : vector<4096x128xf32>
    %bitcast_convert_type3A_173 = tpu.bitcast %add3A_172 : vector<4096x128xf32> -> vector<4096x128xi32>
    %and3A_174 = arith.constant -64 : i32
    %and3A_175 = vector.broadcast %and3A_174 : i32 to vector<4096x128xi32>
    %and3A_176 = arith.andi %bitcast_convert_type3A_173, %and3A_175 : vector<4096x128xi32>
    %or3A_177 = arith.constant 22 : i32
    %or3A_178 = arith.ori %shift_left3A_8, %or3A_177 : i32
    %or3A_179 = vector.broadcast %or3A_178 : i32 to vector<4096x128xi32>
    %or3A_180 = arith.ori %and3A_176, %or3A_179 : vector<4096x128xi32>
    %bitcast_convert_type3A_181 = tpu.bitcast %or3A_180 : vector<4096x128xi32> -> vector<4096x128xf32>
    %max3A_182 = arith.maximumf %max3A_168, %bitcast_convert_type3A_181 : vector<4096x128xf32>
    %get3A_183 = arith.index_cast %arg1 : i32 to index
    %get3A_184 = arith.constant 1280 : index
    %get3A_185 = arith.constant 0 : index
    %get3A_186 = vector.load %arg9[%get3A_183, %get3A_184, %get3A_185] : memref<2x4096x256xbf16, #tpu.memory_space<vmem>>, vector<1x256x256xbf16>
    %get3A_187 = vector.shape_cast %get3A_186 : vector<1x256x256xbf16> to vector<256x256xbf16>
    %dot_general3A_188 = arith.constant dense<0.000000e+00> : vector<4096x256xf32>
    %dot_general3A_189 = tpu.matmul %get3A_15, %get3A_187, %dot_general3A_188 {dimension_numbers = #tpu.dot_dimension_numbers<[1], [1], [0], [0], [0, 0, 1, 0], [], []>, transpose_lhs_hint = false} : vector<4096x256xbf16>, vector<256x256xbf16>, vector<4096x256xf32> -> vector<4096x256xf32>
    %slice3A_190 = vector.extract_strided_slice %dot_general3A_189 {offsets = [0, 0], sizes = [4096, 128], strides = [1, 1]} : vector<4096x256xf32> to vector<4096x128xf32>
    %slice3A_191 = vector.extract_strided_slice %get3A_12 {offsets = [10, 0], sizes = [1, 128], strides = [1, 1]} : vector<32x128xf32> to vector<1x128xf32>
    %add3A_192 = vector.broadcast %slice3A_191 : vector<1x128xf32> to vector<4096x128xf32>
    %add3A_193 = arith.addf %slice3A_190, %add3A_192 : vector<4096x128xf32>
    %bitcast_convert_type3A_194 = tpu.bitcast %add3A_193 : vector<4096x128xf32> -> vector<4096x128xi32>
    %and3A_195 = arith.constant -64 : i32
    %and3A_196 = vector.broadcast %and3A_195 : i32 to vector<4096x128xi32>
    %and3A_197 = arith.andi %bitcast_convert_type3A_194, %and3A_196 : vector<4096x128xi32>
    %or3A_198 = arith.constant 21 : i32
    %or3A_199 = arith.ori %shift_left3A_8, %or3A_198 : i32
    %or3A_200 = vector.broadcast %or3A_199 : i32 to vector<4096x128xi32>
    %or3A_201 = arith.ori %and3A_197, %or3A_200 : vector<4096x128xi32>
    %bitcast_convert_type3A_202 = tpu.bitcast %or3A_201 : vector<4096x128xi32> -> vector<4096x128xf32>
    %max3A_203 = arith.maximumf %max3A_182, %bitcast_convert_type3A_202 : vector<4096x128xf32>
    %slice3A_204 = vector.extract_strided_slice %dot_general3A_189 {offsets = [0, 128], sizes = [4096, 128], strides = [1, 1]} : vector<4096x256xf32> to vector<4096x128xf32>
    %slice3A_205 = vector.extract_strided_slice %get3A_12 {offsets = [11, 0], sizes = [1, 128], strides = [1, 1]} : vector<32x128xf32> to vector<1x128xf32>
    %add3A_206 = vector.broadcast %slice3A_205 : vector<1x128xf32> to vector<4096x128xf32>
    %add3A_207 = arith.addf %slice3A_204, %add3A_206 : vector<4096x128xf32>
    %bitcast_convert_type3A_208 = tpu.bitcast %add3A_207 : vector<4096x128xf32> -> vector<4096x128xi32>
    %and3A_209 = arith.constant -64 : i32
    %and3A_210 = vector.broadcast %and3A_209 : i32 to vector<4096x128xi32>
    %and3A_211 = arith.andi %bitcast_convert_type3A_208, %and3A_210 : vector<4096x128xi32>
    %or3A_212 = arith.constant 20 : i32
    %or3A_213 = arith.ori %shift_left3A_8, %or3A_212 : i32
    %or3A_214 = vector.broadcast %or3A_213 : i32 to vector<4096x128xi32>
    %or3A_215 = arith.ori %and3A_211, %or3A_214 : vector<4096x128xi32>
    %bitcast_convert_type3A_216 = tpu.bitcast %or3A_215 : vector<4096x128xi32> -> vector<4096x128xf32>
    %max3A_217 = arith.maximumf %max3A_203, %bitcast_convert_type3A_216 : vector<4096x128xf32>
    %get3A_218 = arith.index_cast %arg1 : i32 to index
    %get3A_219 = arith.constant 1536 : index
    %get3A_220 = arith.constant 0 : index
    %get3A_221 = vector.load %arg9[%get3A_218, %get3A_219, %get3A_220] : memref<2x4096x256xbf16, #tpu.memory_space<vmem>>, vector<1x256x256xbf16>
    %get3A_222 = vector.shape_cast %get3A_221 : vector<1x256x256xbf16> to vector<256x256xbf16>
    %dot_general3A_223 = arith.constant dense<0.000000e+00> : vector<4096x256xf32>
    %dot_general3A_224 = tpu.matmul %get3A_15, %get3A_222, %dot_general3A_223 {dimension_numbers = #tpu.dot_dimension_numbers<[1], [1], [0], [0], [0, 0, 1, 0], [], []>, transpose_lhs_hint = false} : vector<4096x256xbf16>, vector<256x256xbf16>, vector<4096x256xf32> -> vector<4096x256xf32>
    %slice3A_225 = vector.extract_strided_slice %dot_general3A_224 {offsets = [0, 0], sizes = [4096, 128], strides = [1, 1]} : vector<4096x256xf32> to vector<4096x128xf32>
    %slice3A_226 = vector.extract_strided_slice %get3A_12 {offsets = [12, 0], sizes = [1, 128], strides = [1, 1]} : vector<32x128xf32> to vector<1x128xf32>
    %add3A_227 = vector.broadcast %slice3A_226 : vector<1x128xf32> to vector<4096x128xf32>
    %add3A_228 = arith.addf %slice3A_225, %add3A_227 : vector<4096x128xf32>
    %bitcast_convert_type3A_229 = tpu.bitcast %add3A_228 : vector<4096x128xf32> -> vector<4096x128xi32>
    %and3A_230 = arith.constant -64 : i32
    %and3A_231 = vector.broadcast %and3A_230 : i32 to vector<4096x128xi32>
    %and3A_232 = arith.andi %bitcast_convert_type3A_229, %and3A_231 : vector<4096x128xi32>
    %or3A_233 = arith.constant 19 : i32
    %or3A_234 = arith.ori %shift_left3A_8, %or3A_233 : i32
    %or3A_235 = vector.broadcast %or3A_234 : i32 to vector<4096x128xi32>
    %or3A_236 = arith.ori %and3A_232, %or3A_235 : vector<4096x128xi32>
    %bitcast_convert_type3A_237 = tpu.bitcast %or3A_236 : vector<4096x128xi32> -> vector<4096x128xf32>
    %max3A_238 = arith.maximumf %max3A_217, %bitcast_convert_type3A_237 : vector<4096x128xf32>
    %slice3A_239 = vector.extract_strided_slice %dot_general3A_224 {offsets = [0, 128], sizes = [4096, 128], strides = [1, 1]} : vector<4096x256xf32> to vector<4096x128xf32>
    %slice3A_240 = vector.extract_strided_slice %get3A_12 {offsets = [13, 0], sizes = [1, 128], strides = [1, 1]} : vector<32x128xf32> to vector<1x128xf32>
    %add3A_241 = vector.broadcast %slice3A_240 : vector<1x128xf32> to vector<4096x128xf32>
    %add3A_242 = arith.addf %slice3A_239, %add3A_241 : vector<4096x128xf32>
    %bitcast_convert_type3A_243 = tpu.bitcast %add3A_242 : vector<4096x128xf32> -> vector<4096x128xi32>
    %and3A_244 = arith.constant -64 : i32
    %and3A_245 = vector.broadcast %and3A_244 : i32 to vector<4096x128xi32>
    %and3A_246 = arith.andi %bitcast_convert_type3A_243, %and3A_245 : vector<4096x128xi32>
    %or3A_247 = arith.constant 18 : i32
    %or3A_248 = arith.ori %shift_left3A_8, %or3A_247 : i32
    %or3A_249 = vector.broadcast %or3A_248 : i32 to vector<4096x128xi32>
    %or3A_250 = arith.ori %and3A_246, %or3A_249 : vector<4096x128xi32>
    %bitcast_convert_type3A_251 = tpu.bitcast %or3A_250 : vector<4096x128xi32> -> vector<4096x128xf32>
    %max3A_252 = arith.maximumf %max3A_238, %bitcast_convert_type3A_251 : vector<4096x128xf32>
    %get3A_253 = arith.index_cast %arg1 : i32 to index
    %get3A_254 = arith.constant 1792 : index
    %get3A_255 = arith.constant 0 : index
    %get3A_256 = vector.load %arg9[%get3A_253, %get3A_254, %get3A_255] : memref<2x4096x256xbf16, #tpu.memory_space<vmem>>, vector<1x256x256xbf16>
    %get3A_257 = vector.shape_cast %get3A_256 : vector<1x256x256xbf16> to vector<256x256xbf16>
    %dot_general3A_258 = arith.constant dense<0.000000e+00> : vector<4096x256xf32>
    %dot_general3A_259 = tpu.matmul %get3A_15, %get3A_257, %dot_general3A_258 {dimension_numbers = #tpu.dot_dimension_numbers<[1], [1], [0], [0], [0, 0, 1, 0], [], []>, transpose_lhs_hint = false} : vector<4096x256xbf16>, vector<256x256xbf16>, vector<4096x256xf32> -> vector<4096x256xf32>
    %slice3A_260 = vector.extract_strided_slice %dot_general3A_259 {offsets = [0, 0], sizes = [4096, 128], strides = [1, 1]} : vector<4096x256xf32> to vector<4096x128xf32>
    %slice3A_261 = vector.extract_strided_slice %get3A_12 {offsets = [14, 0], sizes = [1, 128], strides = [1, 1]} : vector<32x128xf32> to vector<1x128xf32>
    %add3A_262 = vector.broadcast %slice3A_261 : vector<1x128xf32> to vector<4096x128xf32>
    %add3A_263 = arith.addf %slice3A_260, %add3A_262 : vector<4096x128xf32>
    %bitcast_convert_type3A_264 = tpu.bitcast %add3A_263 : vector<4096x128xf32> -> vector<4096x128xi32>
    %and3A_265 = arith.constant -64 : i32
    %and3A_266 = vector.broadcast %and3A_265 : i32 to vector<4096x128xi32>
    %and3A_267 = arith.andi %bitcast_convert_type3A_264, %and3A_266 : vector<4096x128xi32>
    %or3A_268 = arith.constant 17 : i32
    %or3A_269 = arith.ori %shift_left3A_8, %or3A_268 : i32
    %or3A_270 = vector.broadcast %or3A_269 : i32 to vector<4096x128xi32>
    %or3A_271 = arith.ori %and3A_267, %or3A_270 : vector<4096x128xi32>
    %bitcast_convert_type3A_272 = tpu.bitcast %or3A_271 : vector<4096x128xi32> -> vector<4096x128xf32>
    %max3A_273 = arith.maximumf %max3A_252, %bitcast_convert_type3A_272 : vector<4096x128xf32>
    %slice3A_274 = vector.extract_strided_slice %dot_general3A_259 {offsets = [0, 128], sizes = [4096, 128], strides = [1, 1]} : vector<4096x256xf32> to vector<4096x128xf32>
    %slice3A_275 = vector.extract_strided_slice %get3A_12 {offsets = [15, 0], sizes = [1, 128], strides = [1, 1]} : vector<32x128xf32> to vector<1x128xf32>
    %add3A_276 = vector.broadcast %slice3A_275 : vector<1x128xf32> to vector<4096x128xf32>
    %add3A_277 = arith.addf %slice3A_274, %add3A_276 : vector<4096x128xf32>
    %bitcast_convert_type3A_278 = tpu.bitcast %add3A_277 : vector<4096x128xf32> -> vector<4096x128xi32>
    %and3A_279 = arith.constant -64 : i32
    %and3A_280 = vector.broadcast %and3A_279 : i32 to vector<4096x128xi32>
    %and3A_281 = arith.andi %bitcast_convert_type3A_278, %and3A_280 : vector<4096x128xi32>
    %or3A_282 = arith.constant 16 : i32
    %or3A_283 = arith.ori %shift_left3A_8, %or3A_282 : i32
    %or3A_284 = vector.broadcast %or3A_283 : i32 to vector<4096x128xi32>
    %or3A_285 = arith.ori %and3A_281, %or3A_284 : vector<4096x128xi32>
    %bitcast_convert_type3A_286 = tpu.bitcast %or3A_285 : vector<4096x128xi32> -> vector<4096x128xf32>
    %max3A_287 = arith.maximumf %max3A_273, %bitcast_convert_type3A_286 : vector<4096x128xf32>
    %get3A_288 = arith.index_cast %arg1 : i32 to index
    %get3A_289 = arith.constant 2048 : index
    %get3A_290 = arith.constant 0 : index
    %get3A_291 = vector.load %arg9[%get3A_288, %get3A_289, %get3A_290] : memref<2x4096x256xbf16, #tpu.memory_space<vmem>>, vector<1x256x256xbf16>
    %get3A_292 = vector.shape_cast %get3A_291 : vector<1x256x256xbf16> to vector<256x256xbf16>
    %dot_general3A_293 = arith.constant dense<0.000000e+00> : vector<4096x256xf32>
    %dot_general3A_294 = tpu.matmul %get3A_15, %get3A_292, %dot_general3A_293 {dimension_numbers = #tpu.dot_dimension_numbers<[1], [1], [0], [0], [0, 0, 1, 0], [], []>, transpose_lhs_hint = false} : vector<4096x256xbf16>, vector<256x256xbf16>, vector<4096x256xf32> -> vector<4096x256xf32>
    %slice3A_295 = vector.extract_strided_slice %dot_general3A_294 {offsets = [0, 0], sizes = [4096, 128], strides = [1, 1]} : vector<4096x256xf32> to vector<4096x128xf32>
    %slice3A_296 = vector.extract_strided_slice %get3A_12 {offsets = [16, 0], sizes = [1, 128], strides = [1, 1]} : vector<32x128xf32> to vector<1x128xf32>
    %add3A_297 = vector.broadcast %slice3A_296 : vector<1x128xf32> to vector<4096x128xf32>
    %add3A_298 = arith.addf %slice3A_295, %add3A_297 : vector<4096x128xf32>
    %bitcast_convert_type3A_299 = tpu.bitcast %add3A_298 : vector<4096x128xf32> -> vector<4096x128xi32>
    %and3A_300 = arith.constant -64 : i32
    %and3A_301 = vector.broadcast %and3A_300 : i32 to vector<4096x128xi32>
    %and3A_302 = arith.andi %bitcast_convert_type3A_299, %and3A_301 : vector<4096x128xi32>
    %or3A_303 = arith.constant 15 : i32
    %or3A_304 = arith.ori %shift_left3A_8, %or3A_303 : i32
    %or3A_305 = vector.broadcast %or3A_304 : i32 to vector<4096x128xi32>
    %or3A_306 = arith.ori %and3A_302, %or3A_305 : vector<4096x128xi32>
    %bitcast_convert_type3A_307 = tpu.bitcast %or3A_306 : vector<4096x128xi32> -> vector<4096x128xf32>
    %max3A_308 = arith.maximumf %max3A_287, %bitcast_convert_type3A_307 : vector<4096x128xf32>
    %slice3A_309 = vector.extract_strided_slice %dot_general3A_294 {offsets = [0, 128], sizes = [4096, 128], strides = [1, 1]} : vector<4096x256xf32> to vector<4096x128xf32>
    %slice3A_310 = vector.extract_strided_slice %get3A_12 {offsets = [17, 0], sizes = [1, 128], strides = [1, 1]} : vector<32x128xf32> to vector<1x128xf32>
    %add3A_311 = vector.broadcast %slice3A_310 : vector<1x128xf32> to vector<4096x128xf32>
    %add3A_312 = arith.addf %slice3A_309, %add3A_311 : vector<4096x128xf32>
    %bitcast_convert_type3A_313 = tpu.bitcast %add3A_312 : vector<4096x128xf32> -> vector<4096x128xi32>
    %and3A_314 = arith.constant -64 : i32
    %and3A_315 = vector.broadcast %and3A_314 : i32 to vector<4096x128xi32>
    %and3A_316 = arith.andi %bitcast_convert_type3A_313, %and3A_315 : vector<4096x128xi32>
    %or3A_317 = arith.constant 14 : i32
    %or3A_318 = arith.ori %shift_left3A_8, %or3A_317 : i32
    %or3A_319 = vector.broadcast %or3A_318 : i32 to vector<4096x128xi32>
    %or3A_320 = arith.ori %and3A_316, %or3A_319 : vector<4096x128xi32>
    %bitcast_convert_type3A_321 = tpu.bitcast %or3A_320 : vector<4096x128xi32> -> vector<4096x128xf32>
    %max3A_322 = arith.maximumf %max3A_308, %bitcast_convert_type3A_321 : vector<4096x128xf32>
    %get3A_323 = arith.index_cast %arg1 : i32 to index
    %get3A_324 = arith.constant 2304 : index
    %get3A_325 = arith.constant 0 : index
    %get3A_326 = vector.load %arg9[%get3A_323, %get3A_324, %get3A_325] : memref<2x4096x256xbf16, #tpu.memory_space<vmem>>, vector<1x256x256xbf16>
    %get3A_327 = vector.shape_cast %get3A_326 : vector<1x256x256xbf16> to vector<256x256xbf16>
    %dot_general3A_328 = arith.constant dense<0.000000e+00> : vector<4096x256xf32>
    %dot_general3A_329 = tpu.matmul %get3A_15, %get3A_327, %dot_general3A_328 {dimension_numbers = #tpu.dot_dimension_numbers<[1], [1], [0], [0], [0, 0, 1, 0], [], []>, transpose_lhs_hint = false} : vector<4096x256xbf16>, vector<256x256xbf16>, vector<4096x256xf32> -> vector<4096x256xf32>
    %slice3A_330 = vector.extract_strided_slice %dot_general3A_329 {offsets = [0, 0], sizes = [4096, 128], strides = [1, 1]} : vector<4096x256xf32> to vector<4096x128xf32>
    %slice3A_331 = vector.extract_strided_slice %get3A_12 {offsets = [18, 0], sizes = [1, 128], strides = [1, 1]} : vector<32x128xf32> to vector<1x128xf32>
    %add3A_332 = vector.broadcast %slice3A_331 : vector<1x128xf32> to vector<4096x128xf32>
    %add3A_333 = arith.addf %slice3A_330, %add3A_332 : vector<4096x128xf32>
    %bitcast_convert_type3A_334 = tpu.bitcast %add3A_333 : vector<4096x128xf32> -> vector<4096x128xi32>
    %and3A_335 = arith.constant -64 : i32
    %and3A_336 = vector.broadcast %and3A_335 : i32 to vector<4096x128xi32>
    %and3A_337 = arith.andi %bitcast_convert_type3A_334, %and3A_336 : vector<4096x128xi32>
    %or3A_338 = arith.constant 13 : i32
    %or3A_339 = arith.ori %shift_left3A_8, %or3A_338 : i32
    %or3A_340 = vector.broadcast %or3A_339 : i32 to vector<4096x128xi32>
    %or3A_341 = arith.ori %and3A_337, %or3A_340 : vector<4096x128xi32>
    %bitcast_convert_type3A_342 = tpu.bitcast %or3A_341 : vector<4096x128xi32> -> vector<4096x128xf32>
    %max3A_343 = arith.maximumf %max3A_322, %bitcast_convert_type3A_342 : vector<4096x128xf32>
    %slice3A_344 = vector.extract_strided_slice %dot_general3A_329 {offsets = [0, 128], sizes = [4096, 128], strides = [1, 1]} : vector<4096x256xf32> to vector<4096x128xf32>
    %slice3A_345 = vector.extract_strided_slice %get3A_12 {offsets = [19, 0], sizes = [1, 128], strides = [1, 1]} : vector<32x128xf32> to vector<1x128xf32>
    %add3A_346 = vector.broadcast %slice3A_345 : vector<1x128xf32> to vector<4096x128xf32>
    %add3A_347 = arith.addf %slice3A_344, %add3A_346 : vector<4096x128xf32>
    %bitcast_convert_type3A_348 = tpu.bitcast %add3A_347 : vector<4096x128xf32> -> vector<4096x128xi32>
    %and3A_349 = arith.constant -64 : i32
    %and3A_350 = vector.broadcast %and3A_349 : i32 to vector<4096x128xi32>
    %and3A_351 = arith.andi %bitcast_convert_type3A_348, %and3A_350 : vector<4096x128xi32>
    %or3A_352 = arith.constant 12 : i32
    %or3A_353 = arith.ori %shift_left3A_8, %or3A_352 : i32
    %or3A_354 = vector.broadcast %or3A_353 : i32 to vector<4096x128xi32>
    %or3A_355 = arith.ori %and3A_351, %or3A_354 : vector<4096x128xi32>
    %bitcast_convert_type3A_356 = tpu.bitcast %or3A_355 : vector<4096x128xi32> -> vector<4096x128xf32>
    %max3A_357 = arith.maximumf %max3A_343, %bitcast_convert_type3A_356 : vector<4096x128xf32>
    %get3A_358 = arith.index_cast %arg1 : i32 to index
    %get3A_359 = arith.constant 2560 : index
    %get3A_360 = arith.constant 0 : index
    %get3A_361 = vector.load %arg9[%get3A_358, %get3A_359, %get3A_360] : memref<2x4096x256xbf16, #tpu.memory_space<vmem>>, vector<1x256x256xbf16>
    %get3A_362 = vector.shape_cast %get3A_361 : vector<1x256x256xbf16> to vector<256x256xbf16>
    %dot_general3A_363 = arith.constant dense<0.000000e+00> : vector<4096x256xf32>
    %dot_general3A_364 = tpu.matmul %get3A_15, %get3A_362, %dot_general3A_363 {dimension_numbers = #tpu.dot_dimension_numbers<[1], [1], [0], [0], [0, 0, 1, 0], [], []>, transpose_lhs_hint = false} : vector<4096x256xbf16>, vector<256x256xbf16>, vector<4096x256xf32> -> vector<4096x256xf32>
    %slice3A_365 = vector.extract_strided_slice %dot_general3A_364 {offsets = [0, 0], sizes = [4096, 128], strides = [1, 1]} : vector<4096x256xf32> to vector<4096x128xf32>
    %slice3A_366 = vector.extract_strided_slice %get3A_12 {offsets = [20, 0], sizes = [1, 128], strides = [1, 1]} : vector<32x128xf32> to vector<1x128xf32>
    %add3A_367 = vector.broadcast %slice3A_366 : vector<1x128xf32> to vector<4096x128xf32>
    %add3A_368 = arith.addf %slice3A_365, %add3A_367 : vector<4096x128xf32>
    %bitcast_convert_type3A_369 = tpu.bitcast %add3A_368 : vector<4096x128xf32> -> vector<4096x128xi32>
    %and3A_370 = arith.constant -64 : i32
    %and3A_371 = vector.broadcast %and3A_370 : i32 to vector<4096x128xi32>
    %and3A_372 = arith.andi %bitcast_convert_type3A_369, %and3A_371 : vector<4096x128xi32>
    %or3A_373 = arith.constant 11 : i32
    %or3A_374 = arith.ori %shift_left3A_8, %or3A_373 : i32
    %or3A_375 = vector.broadcast %or3A_374 : i32 to vector<4096x128xi32>
    %or3A_376 = arith.ori %and3A_372, %or3A_375 : vector<4096x128xi32>
    %bitcast_convert_type3A_377 = tpu.bitcast %or3A_376 : vector<4096x128xi32> -> vector<4096x128xf32>
    %max3A_378 = arith.maximumf %max3A_357, %bitcast_convert_type3A_377 : vector<4096x128xf32>
    %slice3A_379 = vector.extract_strided_slice %dot_general3A_364 {offsets = [0, 128], sizes = [4096, 128], strides = [1, 1]} : vector<4096x256xf32> to vector<4096x128xf32>
    %slice3A_380 = vector.extract_strided_slice %get3A_12 {offsets = [21, 0], sizes = [1, 128], strides = [1, 1]} : vector<32x128xf32> to vector<1x128xf32>
    %add3A_381 = vector.broadcast %slice3A_380 : vector<1x128xf32> to vector<4096x128xf32>
    %add3A_382 = arith.addf %slice3A_379, %add3A_381 : vector<4096x128xf32>
    %bitcast_convert_type3A_383 = tpu.bitcast %add3A_382 : vector<4096x128xf32> -> vector<4096x128xi32>
    %and3A_384 = arith.constant -64 : i32
    %and3A_385 = vector.broadcast %and3A_384 : i32 to vector<4096x128xi32>
    %and3A_386 = arith.andi %bitcast_convert_type3A_383, %and3A_385 : vector<4096x128xi32>
    %or3A_387 = arith.constant 10 : i32
    %or3A_388 = arith.ori %shift_left3A_8, %or3A_387 : i32
    %or3A_389 = vector.broadcast %or3A_388 : i32 to vector<4096x128xi32>
    %or3A_390 = arith.ori %and3A_386, %or3A_389 : vector<4096x128xi32>
    %bitcast_convert_type3A_391 = tpu.bitcast %or3A_390 : vector<4096x128xi32> -> vector<4096x128xf32>
    %max3A_392 = arith.maximumf %max3A_378, %bitcast_convert_type3A_391 : vector<4096x128xf32>
    %get3A_393 = arith.index_cast %arg1 : i32 to index
    %get3A_394 = arith.constant 2816 : index
    %get3A_395 = arith.constant 0 : index
    %get3A_396 = vector.load %arg9[%get3A_393, %get3A_394, %get3A_395] : memref<2x4096x256xbf16, #tpu.memory_space<vmem>>, vector<1x256x256xbf16>
    %get3A_397 = vector.shape_cast %get3A_396 : vector<1x256x256xbf16> to vector<256x256xbf16>
    %dot_general3A_398 = arith.constant dense<0.000000e+00> : vector<4096x256xf32>
    %dot_general3A_399 = tpu.matmul %get3A_15, %get3A_397, %dot_general3A_398 {dimension_numbers = #tpu.dot_dimension_numbers<[1], [1], [0], [0], [0, 0, 1, 0], [], []>, transpose_lhs_hint = false} : vector<4096x256xbf16>, vector<256x256xbf16>, vector<4096x256xf32> -> vector<4096x256xf32>
    %slice3A_400 = vector.extract_strided_slice %dot_general3A_399 {offsets = [0, 0], sizes = [4096, 128], strides = [1, 1]} : vector<4096x256xf32> to vector<4096x128xf32>
    %slice3A_401 = vector.extract_strided_slice %get3A_12 {offsets = [22, 0], sizes = [1, 128], strides = [1, 1]} : vector<32x128xf32> to vector<1x128xf32>
    %add3A_402 = vector.broadcast %slice3A_401 : vector<1x128xf32> to vector<4096x128xf32>
    %add3A_403 = arith.addf %slice3A_400, %add3A_402 : vector<4096x128xf32>
    %bitcast_convert_type3A_404 = tpu.bitcast %add3A_403 : vector<4096x128xf32> -> vector<4096x128xi32>
    %and3A_405 = arith.constant -64 : i32
    %and3A_406 = vector.broadcast %and3A_405 : i32 to vector<4096x128xi32>
    %and3A_407 = arith.andi %bitcast_convert_type3A_404, %and3A_406 : vector<4096x128xi32>
    %or3A_408 = arith.constant 9 : i32
    %or3A_409 = arith.ori %shift_left3A_8, %or3A_408 : i32
    %or3A_410 = vector.broadcast %or3A_409 : i32 to vector<4096x128xi32>
    %or3A_411 = arith.ori %and3A_407, %or3A_410 : vector<4096x128xi32>
    %bitcast_convert_type3A_412 = tpu.bitcast %or3A_411 : vector<4096x128xi32> -> vector<4096x128xf32>
    %max3A_413 = arith.maximumf %max3A_392, %bitcast_convert_type3A_412 : vector<4096x128xf32>
    %slice3A_414 = vector.extract_strided_slice %dot_general3A_399 {offsets = [0, 128], sizes = [4096, 128], strides = [1, 1]} : vector<4096x256xf32> to vector<4096x128xf32>
    %slice3A_415 = vector.extract_strided_slice %get3A_12 {offsets = [23, 0], sizes = [1, 128], strides = [1, 1]} : vector<32x128xf32> to vector<1x128xf32>
    %add3A_416 = vector.broadcast %slice3A_415 : vector<1x128xf32> to vector<4096x128xf32>
    %add3A_417 = arith.addf %slice3A_414, %add3A_416 : vector<4096x128xf32>
    %bitcast_convert_type3A_418 = tpu.bitcast %add3A_417 : vector<4096x128xf32> -> vector<4096x128xi32>
    %and3A_419 = arith.constant -64 : i32
    %and3A_420 = vector.broadcast %and3A_419 : i32 to vector<4096x128xi32>
    %and3A_421 = arith.andi %bitcast_convert_type3A_418, %and3A_420 : vector<4096x128xi32>
    %or3A_422 = arith.constant 8 : i32
    %or3A_423 = arith.ori %shift_left3A_8, %or3A_422 : i32
    %or3A_424 = vector.broadcast %or3A_423 : i32 to vector<4096x128xi32>
    %or3A_425 = arith.ori %and3A_421, %or3A_424 : vector<4096x128xi32>
    %bitcast_convert_type3A_426 = tpu.bitcast %or3A_425 : vector<4096x128xi32> -> vector<4096x128xf32>
    %max3A_427 = arith.maximumf %max3A_413, %bitcast_convert_type3A_426 : vector<4096x128xf32>
    %get3A_428 = arith.index_cast %arg1 : i32 to index
    %get3A_429 = arith.constant 3072 : index
    %get3A_430 = arith.constant 0 : index
    %get3A_431 = vector.load %arg9[%get3A_428, %get3A_429, %get3A_430] : memref<2x4096x256xbf16, #tpu.memory_space<vmem>>, vector<1x256x256xbf16>
    %get3A_432 = vector.shape_cast %get3A_431 : vector<1x256x256xbf16> to vector<256x256xbf16>
    %dot_general3A_433 = arith.constant dense<0.000000e+00> : vector<4096x256xf32>
    %dot_general3A_434 = tpu.matmul %get3A_15, %get3A_432, %dot_general3A_433 {dimension_numbers = #tpu.dot_dimension_numbers<[1], [1], [0], [0], [0, 0, 1, 0], [], []>, transpose_lhs_hint = false} : vector<4096x256xbf16>, vector<256x256xbf16>, vector<4096x256xf32> -> vector<4096x256xf32>
    %slice3A_435 = vector.extract_strided_slice %dot_general3A_434 {offsets = [0, 0], sizes = [4096, 128], strides = [1, 1]} : vector<4096x256xf32> to vector<4096x128xf32>
    %slice3A_436 = vector.extract_strided_slice %get3A_12 {offsets = [24, 0], sizes = [1, 128], strides = [1, 1]} : vector<32x128xf32> to vector<1x128xf32>
    %add3A_437 = vector.broadcast %slice3A_436 : vector<1x128xf32> to vector<4096x128xf32>
    %add3A_438 = arith.addf %slice3A_435, %add3A_437 : vector<4096x128xf32>
    %bitcast_convert_type3A_439 = tpu.bitcast %add3A_438 : vector<4096x128xf32> -> vector<4096x128xi32>
    %and3A_440 = arith.constant -64 : i32
    %and3A_441 = vector.broadcast %and3A_440 : i32 to vector<4096x128xi32>
    %and3A_442 = arith.andi %bitcast_convert_type3A_439, %and3A_441 : vector<4096x128xi32>
    %or3A_443 = arith.constant 7 : i32
    %or3A_444 = arith.ori %shift_left3A_8, %or3A_443 : i32
    %or3A_445 = vector.broadcast %or3A_444 : i32 to vector<4096x128xi32>
    %or3A_446 = arith.ori %and3A_442, %or3A_445 : vector<4096x128xi32>
    %bitcast_convert_type3A_447 = tpu.bitcast %or3A_446 : vector<4096x128xi32> -> vector<4096x128xf32>
    %max3A_448 = arith.maximumf %max3A_427, %bitcast_convert_type3A_447 : vector<4096x128xf32>
    %slice3A_449 = vector.extract_strided_slice %dot_general3A_434 {offsets = [0, 128], sizes = [4096, 128], strides = [1, 1]} : vector<4096x256xf32> to vector<4096x128xf32>
    %slice3A_450 = vector.extract_strided_slice %get3A_12 {offsets = [25, 0], sizes = [1, 128], strides = [1, 1]} : vector<32x128xf32> to vector<1x128xf32>
    %add3A_451 = vector.broadcast %slice3A_450 : vector<1x128xf32> to vector<4096x128xf32>
    %add3A_452 = arith.addf %slice3A_449, %add3A_451 : vector<4096x128xf32>
    %bitcast_convert_type3A_453 = tpu.bitcast %add3A_452 : vector<4096x128xf32> -> vector<4096x128xi32>
    %and3A_454 = arith.constant -64 : i32
    %and3A_455 = vector.broadcast %and3A_454 : i32 to vector<4096x128xi32>
    %and3A_456 = arith.andi %bitcast_convert_type3A_453, %and3A_455 : vector<4096x128xi32>
    %or3A_457 = arith.constant 6 : i32
    %or3A_458 = arith.ori %shift_left3A_8, %or3A_457 : i32
    %or3A_459 = vector.broadcast %or3A_458 : i32 to vector<4096x128xi32>
    %or3A_460 = arith.ori %and3A_456, %or3A_459 : vector<4096x128xi32>
    %bitcast_convert_type3A_461 = tpu.bitcast %or3A_460 : vector<4096x128xi32> -> vector<4096x128xf32>
    %max3A_462 = arith.maximumf %max3A_448, %bitcast_convert_type3A_461 : vector<4096x128xf32>
    %get3A_463 = arith.index_cast %arg1 : i32 to index
    %get3A_464 = arith.constant 3328 : index
    %get3A_465 = arith.constant 0 : index
    %get3A_466 = vector.load %arg9[%get3A_463, %get3A_464, %get3A_465] : memref<2x4096x256xbf16, #tpu.memory_space<vmem>>, vector<1x256x256xbf16>
    %get3A_467 = vector.shape_cast %get3A_466 : vector<1x256x256xbf16> to vector<256x256xbf16>
    %dot_general3A_468 = arith.constant dense<0.000000e+00> : vector<4096x256xf32>
    %dot_general3A_469 = tpu.matmul %get3A_15, %get3A_467, %dot_general3A_468 {dimension_numbers = #tpu.dot_dimension_numbers<[1], [1], [0], [0], [0, 0, 1, 0], [], []>, transpose_lhs_hint = false} : vector<4096x256xbf16>, vector<256x256xbf16>, vector<4096x256xf32> -> vector<4096x256xf32>
    %slice3A_470 = vector.extract_strided_slice %dot_general3A_469 {offsets = [0, 0], sizes = [4096, 128], strides = [1, 1]} : vector<4096x256xf32> to vector<4096x128xf32>
    %slice3A_471 = vector.extract_strided_slice %get3A_12 {offsets = [26, 0], sizes = [1, 128], strides = [1, 1]} : vector<32x128xf32> to vector<1x128xf32>
    %add3A_472 = vector.broadcast %slice3A_471 : vector<1x128xf32> to vector<4096x128xf32>
    %add3A_473 = arith.addf %slice3A_470, %add3A_472 : vector<4096x128xf32>
    %bitcast_convert_type3A_474 = tpu.bitcast %add3A_473 : vector<4096x128xf32> -> vector<4096x128xi32>
    %and3A_475 = arith.constant -64 : i32
    %and3A_476 = vector.broadcast %and3A_475 : i32 to vector<4096x128xi32>
    %and3A_477 = arith.andi %bitcast_convert_type3A_474, %and3A_476 : vector<4096x128xi32>
    %or3A_478 = arith.constant 5 : i32
    %or3A_479 = arith.ori %shift_left3A_8, %or3A_478 : i32
    %or3A_480 = vector.broadcast %or3A_479 : i32 to vector<4096x128xi32>
    %or3A_481 = arith.ori %and3A_477, %or3A_480 : vector<4096x128xi32>
    %bitcast_convert_type3A_482 = tpu.bitcast %or3A_481 : vector<4096x128xi32> -> vector<4096x128xf32>
    %max3A_483 = arith.maximumf %max3A_462, %bitcast_convert_type3A_482 : vector<4096x128xf32>
    %slice3A_484 = vector.extract_strided_slice %dot_general3A_469 {offsets = [0, 128], sizes = [4096, 128], strides = [1, 1]} : vector<4096x256xf32> to vector<4096x128xf32>
    %slice3A_485 = vector.extract_strided_slice %get3A_12 {offsets = [27, 0], sizes = [1, 128], strides = [1, 1]} : vector<32x128xf32> to vector<1x128xf32>
    %add3A_486 = vector.broadcast %slice3A_485 : vector<1x128xf32> to vector<4096x128xf32>
    %add3A_487 = arith.addf %slice3A_484, %add3A_486 : vector<4096x128xf32>
    %bitcast_convert_type3A_488 = tpu.bitcast %add3A_487 : vector<4096x128xf32> -> vector<4096x128xi32>
    %and3A_489 = arith.constant -64 : i32
    %and3A_490 = vector.broadcast %and3A_489 : i32 to vector<4096x128xi32>
    %and3A_491 = arith.andi %bitcast_convert_type3A_488, %and3A_490 : vector<4096x128xi32>
    %or3A_492 = arith.constant 4 : i32
    %or3A_493 = arith.ori %shift_left3A_8, %or3A_492 : i32
    %or3A_494 = vector.broadcast %or3A_493 : i32 to vector<4096x128xi32>
    %or3A_495 = arith.ori %and3A_491, %or3A_494 : vector<4096x128xi32>
    %bitcast_convert_type3A_496 = tpu.bitcast %or3A_495 : vector<4096x128xi32> -> vector<4096x128xf32>
    %max3A_497 = arith.maximumf %max3A_483, %bitcast_convert_type3A_496 : vector<4096x128xf32>
    %get3A_498 = arith.index_cast %arg1 : i32 to index
    %get3A_499 = arith.constant 3584 : index
    %get3A_500 = arith.constant 0 : index
    %get3A_501 = vector.load %arg9[%get3A_498, %get3A_499, %get3A_500] : memref<2x4096x256xbf16, #tpu.memory_space<vmem>>, vector<1x256x256xbf16>
    %get3A_502 = vector.shape_cast %get3A_501 : vector<1x256x256xbf16> to vector<256x256xbf16>
    %dot_general3A_503 = arith.constant dense<0.000000e+00> : vector<4096x256xf32>
    %dot_general3A_504 = tpu.matmul %get3A_15, %get3A_502, %dot_general3A_503 {dimension_numbers = #tpu.dot_dimension_numbers<[1], [1], [0], [0], [0, 0, 1, 0], [], []>, transpose_lhs_hint = false} : vector<4096x256xbf16>, vector<256x256xbf16>, vector<4096x256xf32> -> vector<4096x256xf32>
    %slice3A_505 = vector.extract_strided_slice %dot_general3A_504 {offsets = [0, 0], sizes = [4096, 128], strides = [1, 1]} : vector<4096x256xf32> to vector<4096x128xf32>
    %slice3A_506 = vector.extract_strided_slice %get3A_12 {offsets = [28, 0], sizes = [1, 128], strides = [1, 1]} : vector<32x128xf32> to vector<1x128xf32>
    %add3A_507 = vector.broadcast %slice3A_506 : vector<1x128xf32> to vector<4096x128xf32>
    %add3A_508 = arith.addf %slice3A_505, %add3A_507 : vector<4096x128xf32>
    %bitcast_convert_type3A_509 = tpu.bitcast %add3A_508 : vector<4096x128xf32> -> vector<4096x128xi32>
    %and3A_510 = arith.constant -64 : i32
    %and3A_511 = vector.broadcast %and3A_510 : i32 to vector<4096x128xi32>
    %and3A_512 = arith.andi %bitcast_convert_type3A_509, %and3A_511 : vector<4096x128xi32>
    %or3A_513 = arith.constant 3 : i32
    %or3A_514 = arith.ori %shift_left3A_8, %or3A_513 : i32
    %or3A_515 = vector.broadcast %or3A_514 : i32 to vector<4096x128xi32>
    %or3A_516 = arith.ori %and3A_512, %or3A_515 : vector<4096x128xi32>
    %bitcast_convert_type3A_517 = tpu.bitcast %or3A_516 : vector<4096x128xi32> -> vector<4096x128xf32>
    %max3A_518 = arith.maximumf %max3A_497, %bitcast_convert_type3A_517 : vector<4096x128xf32>
    %slice3A_519 = vector.extract_strided_slice %dot_general3A_504 {offsets = [0, 128], sizes = [4096, 128], strides = [1, 1]} : vector<4096x256xf32> to vector<4096x128xf32>
    %slice3A_520 = vector.extract_strided_slice %get3A_12 {offsets = [29, 0], sizes = [1, 128], strides = [1, 1]} : vector<32x128xf32> to vector<1x128xf32>
    %add3A_521 = vector.broadcast %slice3A_520 : vector<1x128xf32> to vector<4096x128xf32>
    %add3A_522 = arith.addf %slice3A_519, %add3A_521 : vector<4096x128xf32>
    %bitcast_convert_type3A_523 = tpu.bitcast %add3A_522 : vector<4096x128xf32> -> vector<4096x128xi32>
    %and3A_524 = arith.constant -64 : i32
    %and3A_525 = vector.broadcast %and3A_524 : i32 to vector<4096x128xi32>
    %and3A_526 = arith.andi %bitcast_convert_type3A_523, %and3A_525 : vector<4096x128xi32>
    %or3A_527 = arith.constant 2 : i32
    %or3A_528 = arith.ori %shift_left3A_8, %or3A_527 : i32
    %or3A_529 = vector.broadcast %or3A_528 : i32 to vector<4096x128xi32>
    %or3A_530 = arith.ori %and3A_526, %or3A_529 : vector<4096x128xi32>
    %bitcast_convert_type3A_531 = tpu.bitcast %or3A_530 : vector<4096x128xi32> -> vector<4096x128xf32>
    %max3A_532 = arith.maximumf %max3A_518, %bitcast_convert_type3A_531 : vector<4096x128xf32>
    %get3A_533 = arith.index_cast %arg1 : i32 to index
    %get3A_534 = arith.constant 3840 : index
    %get3A_535 = arith.constant 0 : index
    %get3A_536 = vector.load %arg9[%get3A_533, %get3A_534, %get3A_535] : memref<2x4096x256xbf16, #tpu.memory_space<vmem>>, vector<1x256x256xbf16>
    %get3A_537 = vector.shape_cast %get3A_536 : vector<1x256x256xbf16> to vector<256x256xbf16>
    %dot_general3A_538 = arith.constant dense<0.000000e+00> : vector<4096x256xf32>
    %dot_general3A_539 = tpu.matmul %get3A_15, %get3A_537, %dot_general3A_538 {dimension_numbers = #tpu.dot_dimension_numbers<[1], [1], [0], [0], [0, 0, 1, 0], [], []>, transpose_lhs_hint = false} : vector<4096x256xbf16>, vector<256x256xbf16>, vector<4096x256xf32> -> vector<4096x256xf32>
    %slice3A_540 = vector.extract_strided_slice %dot_general3A_539 {offsets = [0, 0], sizes = [4096, 128], strides = [1, 1]} : vector<4096x256xf32> to vector<4096x128xf32>
    %slice3A_541 = vector.extract_strided_slice %get3A_12 {offsets = [30, 0], sizes = [1, 128], strides = [1, 1]} : vector<32x128xf32> to vector<1x128xf32>
    %add3A_542 = vector.broadcast %slice3A_541 : vector<1x128xf32> to vector<4096x128xf32>
    %add3A_543 = arith.addf %slice3A_540, %add3A_542 : vector<4096x128xf32>
    %bitcast_convert_type3A_544 = tpu.bitcast %add3A_543 : vector<4096x128xf32> -> vector<4096x128xi32>
    %and3A_545 = arith.constant -64 : i32
    %and3A_546 = vector.broadcast %and3A_545 : i32 to vector<4096x128xi32>
    %and3A_547 = arith.andi %bitcast_convert_type3A_544, %and3A_546 : vector<4096x128xi32>
    %or3A_548 = arith.constant 1 : i32
    %or3A_549 = arith.ori %shift_left3A_8, %or3A_548 : i32
    %or3A_550 = vector.broadcast %or3A_549 : i32 to vector<4096x128xi32>
    %or3A_551 = arith.ori %and3A_547, %or3A_550 : vector<4096x128xi32>
    %bitcast_convert_type3A_552 = tpu.bitcast %or3A_551 : vector<4096x128xi32> -> vector<4096x128xf32>
    %max3A_553 = arith.maximumf %max3A_532, %bitcast_convert_type3A_552 : vector<4096x128xf32>
    %slice3A_554 = vector.extract_strided_slice %dot_general3A_539 {offsets = [0, 128], sizes = [4096, 128], strides = [1, 1]} : vector<4096x256xf32> to vector<4096x128xf32>
    %slice3A_555 = vector.extract_strided_slice %get3A_12 {offsets = [31, 0], sizes = [1, 128], strides = [1, 1]} : vector<32x128xf32> to vector<1x128xf32>
    %add3A_556 = vector.broadcast %slice3A_555 : vector<1x128xf32> to vector<4096x128xf32>
    %add3A_557 = arith.addf %slice3A_554, %add3A_556 : vector<4096x128xf32>
    %bitcast_convert_type3A_558 = tpu.bitcast %add3A_557 : vector<4096x128xf32> -> vector<4096x128xi32>
    %and3A_559 = arith.constant -64 : i32
    %and3A_560 = vector.broadcast %and3A_559 : i32 to vector<4096x128xi32>
    %and3A_561 = arith.andi %bitcast_convert_type3A_558, %and3A_560 : vector<4096x128xi32>
    %or3A_562 = arith.constant 0 : i32
    %or3A_563 = arith.ori %shift_left3A_8, %or3A_562 : i32
    %or3A_564 = vector.broadcast %or3A_563 : i32 to vector<4096x128xi32>
    %or3A_565 = arith.ori %and3A_561, %or3A_564 : vector<4096x128xi32>
    %bitcast_convert_type3A_566 = tpu.bitcast %or3A_565 : vector<4096x128xi32> -> vector<4096x128xf32>
    %max3A_567 = arith.maximumf %max3A_553, %bitcast_convert_type3A_566 : vector<4096x128xf32>
    %eq3A_568 = arith.constant 0 : i32
    %eq3A_569 = arith.cmpi eq, %arg1, %eq3A_568 : i32
    %convert_element_type3A_570 = arith.extui %eq3A_569 : i1 to i32
    %cond3A_571 = arith.constant 0 : i32
    %cond3A_572 = arith.cmpi ne, %convert_element_type3A_570, %cond3A_571 : i32
    scf.if %cond3A_572 {
      %swap3A = arith.constant 0 : index
      %swap3A_582 = arith.constant 0 : index
      %swap3A_583 = vector.load %arg7[%swap3A, %swap3A_582] : memref<4096x128xf32, #tpu.memory_space<vmem>>, vector<4096x128xf32>
      tpu.vector_store %arg7[%swap3A, %swap3A_582], %max3A_567 {strides = array<i32>} : memref<4096x128xf32, #tpu.memory_space<vmem>>, vector<4096x128xf32>,
    } else {
    }
    %gt3A = arith.constant 0 : i32
    %gt3A_573 = arith.cmpi sgt, %arg1, %gt3A : i32
    %convert_element_type3A_574 = arith.extui %gt3A_573 : i1 to i32
    %cond3A_575 = arith.constant 0 : i32
    %cond3A_576 = arith.cmpi ne, %convert_element_type3A_574, %cond3A_575 : i32
    scf.if %cond3A_576 {
      %get3A_582 = arith.constant 0 : index
      %get3A_583 = arith.constant 0 : index
      %get3A_584 = vector.load %arg7[%get3A_582, %get3A_583] : memref<4096x128xf32, #tpu.memory_space<vmem>>, vector<4096x128xf32>
      %max3A_585 = arith.maximumf %get3A_584, %max3A_567 : vector<4096x128xf32>
      %swap3A = arith.constant 0 : index
      %swap3A_586 = arith.constant 0 : index
      %swap3A_587 = vector.load %arg7[%swap3A, %swap3A_586] : memref<4096x128xf32, #tpu.memory_space<vmem>>, vector<4096x128xf32>
      tpu.vector_store %arg7[%swap3A, %swap3A_586], %max3A_585 {strides = array<i32>} : memref<4096x128xf32, #tpu.memory_space<vmem>>, vector<4096x128xf32>,
    } else {
    }
    %eq3A_577 = arith.constant 1 : i32
    %eq3A_578 = arith.cmpi eq, %arg1, %eq3A_577 : i32
    %convert_element_type3A_579 = arith.extui %eq3A_578 : i1 to i32
    %cond3A_580 = arith.constant 0 : i32
    %cond3A_581 = arith.cmpi ne, %convert_element_type3A_579, %cond3A_580 : i32
    scf.if %cond3A_581 {
      %get3A_582 = arith.constant 0 : index
      %get3A_583 = arith.constant 0 : index
      %get3A_584 = vector.load %arg7[%get3A_582, %get3A_583] : memref<4096x128xf32, #tpu.memory_space<vmem>>, vector<4096x128xf32>
      %reduce_max3A = arith.constant dense<0xFF800000> : vector<4096xf32>
      %reduce_max3A_585 = vector.multi_reduction <maximumf>, %get3A_584, %reduce_max3A [1] : vector<4096x128xf32> to vector<4096xf32>
      %broadcast_in_dim3A = vector.shape_cast %reduce_max3A_585 : vector<4096xf32> to vector<4096x1xf32>
      %iota3A = tpu.iota {dimensions = array<i32: 1>} : vector<4096x128xi32>
      %eq3A_586 = vector.broadcast %broadcast_in_dim3A : vector<4096x1xf32> to vector<4096x128xf32>
      %eq3A_587 = arith.cmpf oeq, %get3A_584, %eq3A_586 : vector<4096x128xf32>
      %jit3A = arith.constant 1073741824 : i32
      %broadcast_in_dim3A_588 = vector.broadcast %jit3A : i32 to vector<4096x128xi32>
      %select_n3A = arith.select %eq3A_587, %iota3A, %broadcast_in_dim3A_588 : vector<4096x128xi1>, vector<4096x128xi32>
      %reduce_min3A = arith.constant dense<2147483647> : vector<4096xi32>
      %reduce_min3A_589 = vector.multi_reduction <minsi>, %select_n3A, %reduce_min3A [1] : vector<4096x128xi32> to vector<4096xi32>
      %broadcast_in_dim3A_590 = vector.shape_cast %reduce_min3A_589 : vector<4096xi32> to vector<4096x1xi32>
      %bitcast_convert_type3A_591 = tpu.bitcast %broadcast_in_dim3A : vector<4096x1xf32> -> vector<4096x1xi32>
      %and3A_592 = arith.constant 63 : i32
      %and3A_593 = vector.broadcast %and3A_592 : i32 to vector<4096x1xi32>
      %and3A_594 = arith.andi %bitcast_convert_type3A_591, %and3A_593 : vector<4096x1xi32>
      %shift_right_logical3A = arith.constant 5 : i32
      %shift_right_logical3A_595 = vector.broadcast %shift_right_logical3A : i32 to vector<4096x1xi32>
      %shift_right_logical3A_596 = arith.shrui %and3A_594, %shift_right_logical3A_595 : vector<4096x1xi32>
      %sub3A_597 = arith.constant 1 : i32
      %sub3A_598 = vector.broadcast %sub3A_597 : i32 to vector<4096x1xi32>
      %sub3A_599 = arith.subi %sub3A_598, %shift_right_logical3A_596 : vector<4096x1xi32>
      %and3A_600 = arith.constant 31 : i32
      %and3A_601 = vector.broadcast %and3A_600 : i32 to vector<4096x1xi32>
      %and3A_602 = arith.andi %and3A_594, %and3A_601 : vector<4096x1xi32>
      %sub3A_603 = arith.constant 31 : i32
      %sub3A_604 = vector.broadcast %sub3A_603 : i32 to vector<4096x1xi32>
      %sub3A_605 = arith.subi %sub3A_604, %and3A_602 : vector<4096x1xi32>
      %mul3A = arith.constant 4096 : i32
      %mul3A_606 = vector.broadcast %mul3A : i32 to vector<4096x1xi32>
      %mul3A_607 = arith.muli %sub3A_599, %mul3A_606 : vector<4096x1xi32>
      %mul3A_608 = arith.constant 128 : i32
      %mul3A_609 = vector.broadcast %mul3A_608 : i32 to vector<4096x1xi32>
      %mul3A_610 = arith.muli %sub3A_605, %mul3A_609 : vector<4096x1xi32>
      %add3A_611 = arith.addi %mul3A_607, %mul3A_610 : vector<4096x1xi32>
      %add3A_612 = arith.addi %add3A_611, %broadcast_in_dim3A_590 : vector<4096x1xi32>
      %reshape3A = vector.shape_cast %add3A_612 : vector<4096x1xi32> to vector<4096xi32>
      %swap3A = arith.constant 0 : index
      %swap3A_613 = vector.load %arg4[%swap3A] : memref<4096xi32, #tpu.memory_space<vmem>>, vector<4096xi32>
      tpu.vector_store %arg4[%swap3A], %reshape3A {strides = array<i32>} : memref<4096xi32, #tpu.memory_space<vmem>>, vector<4096xi32>,
    } else {
    }
    return
  }
  func.func @transform_0(%arg0: i32, %arg1: i32) -> (i32, i32) {
    %c0_i32 = arith.constant 0 : i32
    %c0_i32_0 = arith.constant 0 : i32
    return %arg0, %c0_i32 : i32, i32
  }
  func.func @transform_1(%arg0: i32, %arg1: i32) -> (i32, i32) {
    %eq3A = arith.constant 0 : i32
    %eq3A_0 = arith.cmpi eq, %arg0, %eq3A : i32
    %jit3A = arith.constant 1 : i32
    %select_n3A = arith.select %eq3A_0, %arg1, %jit3A : i32
    %c0_i32 = arith.constant 0 : i32
    %c0_i32_1 = arith.constant 0 : i32
    return %select_n3A, %c0_i32 : i32, i32
  }
  func.func @transform_2(%arg0: i32, %arg1: i32) -> i32 {
    %c0_i32 = arith.constant 0 : i32
    return %arg0 : i32
  }
  func.func @transform_3(%arg0: i32, %arg1: i32) -> (i32, i32) {
    %c0_i32 = arith.constant 0 : i32
    %c0_i32_0 = arith.constant 0 : i32
    return %arg0, %c0_i32 : i32, i32
  }
}

</mosaic_0001>

<sc_bundles>
// kernel: kernel.4.cloned.1.call-start
scs
__scs_entry_jumppad:
0x0: {  	(pc) =	sbr.rel $0x88, $3  }
0x1: {  	(tag) =	ssettag $0x0;
	lr =	simm.s32 $0x1  }
0x2: {  	[smem:$0x3F9F] =	sst lr;
	_ =	strace $0xD0000000  }
0x3: {  	_ = 	snop  }
0x4: {  	_ = 	snop  }
0x5: {  	_ = 	snop  }
0x6: {  	_ = 	snop  }
0x7: {  	_ = 	snop  }
__scs_overlays_trampoline_lowered:
0x8: {  	[smem:$0x3FAE] =	sst s0  }
0x9: {  	[smem:$0x3FAF] =	sst s1  }
0xa: {  	[smem:$0x3FB0] =	sst s2  }
0xb: {  	[smem:$0x3FB1] =	sst s3  }
0xc: {  	[smem:$0x3FB2] =	sst s4  }
0xd: {  	[smem:$0x3FB3] =	sst s5  }
0xe: {  	[smem:$0x3FB4] =	sst s6  }
0xf: {  	[smem:$0x3FB5] =	sst s7  }
0x10: {  	[smem:$0x3FB6] =	sst s8  }
0x11: {  	[smem:$0x3FB7] =	sst s9;
	s0 =	simm.s32 @!p0 $0x0  }
0x12: {  	s1 =	sld [smem:$0x3F9D];
	s0 =	simm.s32 @p0 $0x1  }
0x13: {  	[smem:$0x3FB8] =	sst s0;
	s0 =	simm.s32 @!p1 $0x0  }
0x14: {  	s2 =	sld [smem:$0x3F9C];
	s0 =	simm.s32 @p1 $0x1  }
0x15: {  	[smem:$0x3FB9] =	sst s0;
	s0 =	simm.s32 @!p2 $0x0  }
0x16: {  	s3 =	sld [smem:$0x3FDB];
	s0 =	simm.s32 @p2 $0x1  }
0x17: {  	s4 =	simm.s32 $0x1BF5;
	[smem:$0x3FBB] =	sst s0  }
0x18: {  	s0 =	sld [smem:$0x3F9E];
	_ =	swait.ge [sflag:s4], $0x0  }
0x19: {  	s7 =	sld [smem:$0x3F9F]  }
0x1a: {  	s8 =	sadd.s32 $0xFFFFE003, lr  }
0x1b: {  	s9 =	sadd.s32 $0xFFFFFEF7, lr;
	s5 =	simm.s32 $0xFFFFFFFF;
	p2 =	slt.u32 s8, $0xFFFFF086  }
0x1c: {  	p1 =	slt.u32 s9, $0xF7A;
	s5 =	simm.s32 @!p2 $0x0  }
0x1d: {  	s5 =	simm.s32 @p1 $0x1;
	p0 =	seq.s32 s7, s2  }
0x1e: {  	s7 =	smul.u32 @!p0 $0xF7A, s2;
	p2 =	seq.s32 @!p0 s5, $0x0  }
0x1f: {  	s9 =	smul.u32 $0xF7A, s1;
	s8 =	simm.s32 @!p0 $0x1BF5;
	p2 =	por !p2, p0  }
0x20: {  	[sflag:s8] =	ssyncset.s32 @!p0 $0xFFFFF086;
	s6 =	sadd.s32 @!p0 s3, s7;
	s7 =	simm.s32 @!p0 $0x108  }
0x21: {  	s3 =	sadd.s32 s3, s9;
	s6 =	sadd.s32 @!p0 $0x88, s6;
	s7 =	simm.s32 @p2 $0x1082  }
0x22: {  	[simem:s7], [sflag:s8] =	dma.local @!p0 [hbm:s6], $0xF7A  }
0x23: {  	s9 =	sor.u32 $0xD0000000, s2;
	s6 =	simm.s32 $0x108;
	_ =	swait.ge @!p0 [sflag:s8], $0x0  }
0x24: {  	s3 =	sadd.s32 $0x88, s3;
	s6 =	simm.s32 @!p1 $0x1082;
	[sflag:s4] =	ssyncset.s32 $0xFFFFF086  }
0x25: {  	[simem:s6], [sflag:s4] =	dma.local [hbm:s3], $0xF7A  }
0x26: {  	[smem:$0x3F9F] =	sst s1;
	(tag) =	ssettag s2;
	_ =	strace s9  }
0x27: {  	s1 =	sld [smem:$0x3FAF]  }
0x28: {  	s2 =	sld [smem:$0x3FB0]  }
0x29: {  	s4 =	sld [smem:$0x3FB2]  }
0x2a: {  	p0 =	seq.s32 s5, $0x0;
	s5 =	sld [smem:$0x3FB3]  }
0x2b: {  	s6 =	sld [smem:$0x3FB4]  }
0x2c: {  	s7 =	sld [smem:$0x3FB5]  }
0x2d: {  	s3 =	simm.s32 $0x108;
	s8 =	sld [smem:$0x3FB6]  }
0x2e: {  	s3 =	simm.s32 @!p0 $0x1082;
	s9 =	sld [smem:$0x3FB7]  }
0x2f: {  	lr =	sadd.s32 s0, s3;
	s0 =	sld [smem:$0x3FAE]  }
0x30: {  	s3 =	sld [smem:$0x3FB1]  }
0x31: {  	[smem:$0x3FBA] =	sst s10  }
0x32: {  	s10 =	sld [smem:$0x3FB8];
	_ =	sdelay $0x3  }
0x33: {  	p0 =	seq.s32 s10, $0x1;
	s10 =	sld [smem:$0x3FBA];
	_ =	sdelay $0x3  }
0x34: {  	[smem:$0x3FBA] =	sst s10  }
0x35: {  	s10 =	sld [smem:$0x3FB9];
	_ =	sdelay $0x3  }
0x36: {  	p1 =	seq.s32 s10, $0x1;
	s10 =	sld [smem:$0x3FBA];
	_ =	sdelay $0x3  }
0x37: {  	[smem:$0x3FBA] =	sst s10  }
0x38: {  	s10 =	sld [smem:$0x3FBB]  }
0x39: {  	_ = 	snop;
	(pc) =	sbr.ind lr, $3  }
0x3a: {  	_ = 	snop  }
0x3b: {  	_ = 	snop  }
0x3c: {  	p2 =	seq.s32 s10, $0x1;
	s10 =	sld [smem:$0x3FBA]  }
0x3d: {  	_ =	shalt  }
0x3e: {  	_ =	shalt  }
0x3f: {  	_ =	shalt  }
0x40: {  	_ =	shalt  }
0x41: {  	_ =	shalt  }
0x42: {  	_ =	shalt  }
0x43: {  	_ =	shalt  }
0x44: {  	_ =	shalt  }
0x45: {  	_ =	shalt  }
0x46: {  	_ =	shalt  }
0x47: {  	_ =	shalt  }
0x48: {  	_ =	shalt  }
0x49: {  	_ =	shalt  }
0x4a: {  	_ =	shalt  }
0x4b: {  	_ =	shalt  }
0x4c: {  	_ =	shalt  }
0x4d: {  	_ =	shalt  }
0x4e: {  	_ =	shalt  }
0x4f: {  	_ =	shalt  }
0x50: {  	_ =	shalt  }
0x51: {  	_ =	shalt  }
0x52: {  	_ =	shalt  }
0x53: {  	_ =	shalt  }
0x54: {  	_ =	shalt  }
0x55: {  	_ =	shalt  }
0x56: {  	_ =	shalt  }
0x57: {  	_ =	shalt  }
0x58: {  	_ =	shalt  }
0x59: {  	_ =	shalt  }
0x5a: {  	_ =	shalt  }
0x5b: {  	_ =	shalt  }
0x5c: {  	_ =	shalt  }
0x5d: {  	_ =	shalt  }
0x5e: {  	_ =	shalt  }
0x5f: {  	_ =	shalt  }
0x60: {  	_ =	shalt  }
0x61: {  	_ =	shalt  }
0x62: {  	_ =	shalt  }
0x63: {  	_ =	shalt  }
0x64: {  	_ =	shalt  }
0x65: {  	_ =	shalt  }
0x66: {  	_ =	shalt  }
0x67: {  	_ =	shalt  }
0x68: {  	_ =	shalt  }
0x69: {  	_ =	shalt  }
0x6a: {  	_ =	shalt  }
0x6b: {  	_ =	shalt  }
0x6c: {  	_ =	shalt  }
0x6d: {  	_ =	shalt  }
0x6e: {  	_ =	shalt  }
0x6f: {  	_ =	shalt  }
0x70: {  	_ =	shalt  }
0x71: {  	_ =	shalt  }
0x72: {  	_ =	shalt  }
0x73: {  	_ =	shalt  }
0x74: {  	_ =	shalt  }
0x75: {  	_ =	shalt  }
0x76: {  	_ =	shalt  }
0x77: {  	_ =	shalt  }
0x78: {  	_ =	shalt  }
0x79: {  	_ =	shalt  }
0x7a: {  	_ =	shalt  }
0x7b: {  	_ =	shalt  }
0x7c: {  	_ =	shalt  }
0x7d: {  	_ =	shalt  }
0x7e: {  	_ =	shalt  }
0x7f: {  	_ =	shalt  }
0x80: {  	_ =	shalt  }
0x81: {  	_ =	shalt  }
0x82: {  	_ =	shalt  }
0x83: {  	_ =	shalt  }
0x84: {  	_ =	shalt  }
0x85: {  	_ =	shalt  }
0x86: {  	_ =	shalt  }
0x87: {  	_ =	shalt  }
.Lfunc_end0:
.L_simem_size_0:
called_computation_lowered:
.L_overlay_start_0:
0x88: {  	s2 =	sld [smem:$0x3FD9]  }
0x89: {  	s3 =	sld [smem:$0x3FFE];
	_ =	sdelay $0x1  }
0x8a: {  	s1 =	srdreg.scid  }
0x8b: {  	s0 =	sand.u32 $0x1, s1  }
0x8c: {  	s17 =	sshll.u32 s0, $0xA;
	s2 =	sadd.s32 s3, s2  }
0x8d: {  	s2 =	sadd.s32 s2, s17  }
0x8e: {  	[smem:$0x3FC6] =	sst s2  }
0x8f: {  	_ = 	snop  }
0x90: {  	s2 =	sld [smem:$0x3FC8]  }
0x91: {  	s18 =	sld [smem:$0x3FD0];
	(tm) =	ssettm $0x1  }
0x92: {  	s4 =	sld [smem:$0x3FFB];
	_ =	sdelay $0x3  }
0x93: {  	_ =	strace s4  }
0x94: {  	s4 =	sld [smem:$0x3FFC];
	_ =	sdelay $0x3  }
0x95: {  	_ =	strace s4  }
0x96: {  	s4 =	sld [smem:$0x3FFD];
	_ =	sdelay $0x3  }
0x97: {  	_ =	strace s4  }
0x98: {  	_ =	strace $0x8FFFFFFF  }
0x99: {  	s19 =	sld [smem:$0x3FDB];
	_ =	sdelay $0x1  }
0x9a: {  	s5 =	simm.s32 $_scs_section_size  }
0x9b: {  	s6 =	simm.s32 $_size__tile_overlayer_lowered;
	s7 =	simm.s32 $_tile_overlayer_lowered  }
0x9c: {  	s22 =	simm.s32 $0x1BFF;
	s21 =	sshll.u32 s7, $0x1;
	s4 =	sadd.s32 s5, s19  }
0x9d: {  	s8 =	simm.s32 $0x0;
	s20 =	sshll.u32 s6, $0x1;
	s6 =	sadd.s32 s21, s4  }
0x9e: {  	[timem:s8], [sflag:s22] =	dma.local [hbm:s6], s20  }
0x9f: {  	_ =	swait.ge [sflag:s22], s20  }
0xa0: {  	s5 =	ssub.s32 $0x0, s20;
	[sflag:s22] =	ssyncset.done $0x0  }
0xa1: {  	[sflag:s22] =	ssyncadd.s32 s5;
	_ =	sdelay $0x1  }
0xa2: {  	s23 =	simm.s32 $0x1B8B  }
0xa3: {  	_ =	swait.ge [sflag:s23], $0x1  }
0xa4: {  	[sflag:s23] =	ssyncset.done $0x0  }
0xa5: {  	s25 =	simm.s32 $0x1B8E;
	s24 =	sld [smem:$0x3FFE];
	[sflag:s23] =	ssyncadd.s32 $0xFFFFFFFF  }
0xa6: {  	s26 =	simm.s32 $execute0_lowered;
	[smem:$0x3FD2] =	sst s25  }
0xa7: {  	s6 =	sshll.u32 s26, $0x1;
	_ =	strace $0x80000046;
	[dreg:$0x1] =	wrdreg $0xFFFFFFFF  }
0xa8: {  	s28 =	simm.s32 $_size_execute0_lowered;
	s4 =	sadd.s32 s4, s6;
	[dreg:$0x0] =	wrdreg $0x0  }
0xa9: {  	s6 =	sshll.u32 s28, $0x1;
	[dreg:$0x2] =	wrdreg s4  }
0xaa: {  	[dreg:$0x3] =	wrdreg s6  }
0xab: {  	[dreg:$0x4] =	wrdreg $0xC0  }
0xac: {  	_ =	task [dreg:s8], $0x5FFFF  }
0xad: {  	[dreg:$0x1] =	wrdreg $0xFFFFFFFF  }
0xae: {  	[dreg:$0x0] =	wrdreg $0x60  }
0xaf: {  	[dreg:$0x2] =	wrdreg s2  }
0xb0: {  	[dreg:$0x3] =	wrdreg s24  }
0xb1: {  	[dreg:$0x4] =	wrdreg s18  }
0xb2: {  	[dreg:$0x5] =	wrdreg $0x9  }
0xb3: {  	_ =	task.clear_ibuf [dreg:s8], $0x6FFFF;
	_ =	strace $0x90000046  }
0xb4: {  	s29 =	simm.s32 $0x9;
	_ =	strace $0x80000048  }
0xb5: {  	_ =	swait.ge [sflag:s29], $0x1  }
0xb6: {  	[sflag:s29] =	ssyncadd.s32 $0xFFFFFFFF  }
0xb7: {  	_ =	strace $0x90000048  }
0xb8: {  	_ =	sfence  }
0xb9: {  	s30 =	sld [smem:$0x0];
	_ =	sdelay $0x2  }
0xba: {  	s31 =	sshll.u32 s1, $0xD;
	s1 =	sshrl.u32 s1, $0x2  }
0xbb: {  	s3 =	sand.u32 $0x4000, s31;
	s1 =	sadd.s32 s1, s30  }
0xbc: {  	s0 =	sor.u32 s3, s0;
	s1 =	sshll.u32 s1, $0x11  }
0xbd: {  	s0 =	sor.u32 s1, s0  }
0xbe: {  	s0 =	sadd.s32 $0x8F2B, s0  }
0xbf: {  	[sflag:s0] =	ssyncadd.remote.s32 $0x1  }
0xc0: {  	_ =	sfence.sel $0xFFFF  }
0xc1: {  	[dreg:$0x0] =	wrdreg $0xFFFFFFFF;
	(pc) =	sbr.abs _section_cstart, $3  }
0xc2: {  	[dreg:$0x1] =	wrdreg $0xFFFFFFFF  }
0xc3: {  	_ =	task.clear_ibuf [dreg:s8], $0x2FFFF;
	_ =	strace $0x9FFFFFFF  }
0xc4: {  	(tm) =	ssettm $0x7FFFFFFF  }
0xc5: {  	_ =	shalt  }
tec
execute0_lowered:
.L_overlay_start_1:
0x0: {  	(tag) =	ssettag $0x1  }
0x1: {  	s1 =	rddreg [dreg:$0x0];
	s0 =	srdreg.scid  }
0x2: {  	s2 =	rddreg [dreg:$0x1];
	s3 =	stileid.u32  }
0x3: {  	s4 =	rddreg [dreg:$0x2];
	s14 =	simm.s32 $0x4;
	s21 =	simm.s32 $0x3100  }
0x4: {  	s22 =	simm.s32 $0x3900;
	s23 =	simm.s32 $0x8100;
	s28 =	simm.s32 $0x5900  }
0x5: {  	s29 =	simm.s32 $0x6100;
	s30 =	simm.s32 $0x6900;
	s31 =	simm.s32 $0x7100  }
0x6: {  	s15 =	simm.s32 $0x1;
	s16 =	simm.s32 $0x2;
	s17 =	simm.s32 $0x3  }
0x7: {  	s0 =	sand.u32 $0x1, s0;
	s5 =	sshll.u32 s3, $0x9;
	s3 =	simm.s32 $0x0  }
0x8: {  	s6 =	sshll.u32 s0, $0x8;
	[smem:$0x7FF] =	sst s3;
	s0 =	ssub.s32 $0x2, s0  }
0x9: {  	s5 =	sor.u32 s6, s5;
	_ =	strace $0x80000047;
	s7 =	sshrl.u32 s0, $0x1  }
0xa: {  	s6 =	sshrl.u32 s5, $0x3;
	s0 =	ssub.s32 s0, s7;
	s5 =	sshll.u32 s5, $0x5  }
0xb: {  	s6 =	sadd.s32 s6, s2;
	s2 =	sadd.s32 $0xC00, s2;
	s25 =	sor.u32 $0x800, s5  }
0xc: {  	s7 =	sadd.s32 s4, s5;
	s11 =	sor.u32 $0x1000, s5;
	s13 =	smax.u32 s0, $0x1  }
0xd: {  	s0 =	simm.s32 $0xC100;
	s6 =	sadd.s32 $0x40C00, s6;
	s24 =	sadd.s32 s2, s5  }
0xe: {  	s26 =	sadd.s32 s2, s25;
	s8 =	sadd.s32 s2, s11;
	[dreg:$0x4] =	wrdreg s6  }
0xf: {  	s9 =	sadd.s32 s4, s25;
	s5 =	sor.u32 $0x1800, s5;
	[dreg:$0x5] =	wrdreg s24  }
0x10: {  	v2 =	vlaneseq.u32;
	s11 =	sadd.s32 s4, s11;
	s25 =	simm.s32 $0x4900;
	[dreg:$0x6] =	wrdreg s26  }
0x11: {  	vm0 =	vmmov $0xffff;
	v1 =	vshrl.u32 v2, $0x3;
	s10 =	sadd.s32 s2, s5;
	s12 =	sadd.s32 s4, s5;
	s24 =	simm.s32 $0x4100  }
0x12: {  	v0 =	vand.u32 $0x7, v2;
	v2 =	vor.u32 $0x8, v2;
	v1 =	vmul.u32 $0x8, v1;
	s26 =	simm.s32 $0x5100;
	s2 =	simm.s32 $0x7900;
	s4 =	simm.s32 $0x0  }
.LBB2_1:
0x13: {  	s5 =	rddreg [dreg:$0x4]  }
0x14: {  	[tilespmem:s3], [sflag:$0x4] =	stream.linear.gather [hbm4b:s5+s3], $0x100, $0x38;
	[tilespmem:$0x10100] =	vst v63  }
0x15: {  	_ =	swait.ge [sflag:s14], $0x100  }
0x16: {  	[sflag:s14] =	ssyncset.done $0x0  }
0x17: {  	[sflag:s14] =	ssyncadd.s32 $0xFFFFFF00  }
0x18: {  	v3 =	vld [tilespmem:$0x0];
	_ =	sdelay $0x4  }
0x19: {  	v4 =	vshll.u32 v3, $0x1  }
0x1a: {  	v3 =	vand.u32 $0x7, v3;
	v4 =	vand.u32 $0xFFFFFFF0, v4  }
0x1b: {  	v3 =	vor.u32 v3, v4  }
0x1c: {  	v4 =	vperm.xlane v3, v0;
	_ =	sdelay $0x1  }
0x1d: {  	v3 =	vperm.xlane v3, v2;
	v4 =	vadd.s32 v1, v4;
	_ =	sdelay $0x1  }
0x1e: {  	v3 =	vadd.s32 v1, v3;
	_ =	sdelay $0x1  }
0x1f: {  	s19 =	simm.s32 $0x100  }
0x20: {  	[tilespmem:s19], [sflag:$0x1] =	stream.indirect_vreg.gather [hbm4b:s1+s3], $0x80, v4, vm0, $0xb8;
	[tilespmem:$0x10100] =	vst v63  }
0x21: {  	s20 =	simm.s32 $0x900  }
0x22: {  	[tilespmem:s20], [sflag:$0x1] =	stream.indirect_vreg.gather [hbm4b:s1+s3], $0x80, v3, vm0, $0xb8;
	[tilespmem:$0x10100] =	vst v63  }
0x23: {  	v3 =	vld [tilespmem:$0x10];
	_ =	sdelay $0x4  }
0x24: {  	v4 =	vshll.u32 v3, $0x1  }
0x25: {  	v3 =	vand.u32 $0x7, v3;
	v4 =	vand.u32 $0xFFFFFFF0, v4  }
0x26: {  	v3 =	vor.u32 v3, v4  }
0x27: {  	v4 =	vperm.xlane v3, v0;
	_ =	sdelay $0x1  }
0x28: {  	v3 =	vperm.xlane v3, v2;
	v4 =	vadd.s32 v1, v4;
	_ =	sdelay $0x1  }
0x29: {  	v3 =	vadd.s32 v1, v3;
	_ =	sdelay $0x1  }
0x2a: {  	s6 =	simm.s32 $0x1100  }
0x2b: {  	[tilespmem:s6], [sflag:$0x1] =	stream.indirect_vreg.gather [hbm4b:s1+s3], $0x80, v4, vm0, $0xb8;
	[tilespmem:$0x10100] =	vst v63  }
0x2c: {  	s18 =	simm.s32 $0x1900  }
0x2d: {  	[tilespmem:s18], [sflag:$0x1] =	stream.indirect_vreg.gather [hbm4b:s1+s3], $0x80, v3, vm0, $0xb8;
	[tilespmem:$0x10100] =	vst v63  }
0x2e: {  	v3 =	vld [tilespmem:$0x20];
	_ =	sdelay $0x4  }
0x2f: {  	v4 =	vshll.u32 v3, $0x1  }
0x30: {  	v3 =	vand.u32 $0x7, v3;
	v4 =	vand.u32 $0xFFFFFFF0, v4  }
0x31: {  	v3 =	vor.u32 v3, v4  }
0x32: {  	v4 =	vperm.xlane v3, v0;
	_ =	sdelay $0x1  }
0x33: {  	v3 =	vperm.xlane v3, v2;
	v4 =	vadd.s32 v1, v4;
	_ =	sdelay $0x1  }
0x34: {  	v3 =	vadd.s32 v1, v3;
	_ =	sdelay $0x1  }
0x35: {  	s19 =	simm.s32 $0x2100  }
0x36: {  	[tilespmem:s19], [sflag:$0x1] =	stream.indirect_vreg.gather [hbm4b:s1+s3], $0x80, v4, vm0, $0xb8;
	[tilespmem:$0x10100] =	vst v63  }
0x37: {  	s20 =	simm.s32 $0x2900  }
0x38: {  	[tilespmem:s20], [sflag:$0x1] =	stream.indirect_vreg.gather [hbm4b:s1+s3], $0x80, v3, vm0, $0xb8;
	[tilespmem:$0x10100] =	vst v63  }
0x39: {  	v3 =	vld [tilespmem:$0x30];
	_ =	sdelay $0x4  }
0x3a: {  	v4 =	vshll.u32 v3, $0x1  }
0x3b: {  	v3 =	vand.u32 $0x7, v3;
	v4 =	vand.u32 $0xFFFFFFF0, v4  }
0x3c: {  	v3 =	vor.u32 v3, v4  }
0x3d: {  	v4 =	vperm.xlane v3, v0;
	_ =	sdelay $0x1  }
0x3e: {  	v3 =	vperm.xlane v3, v2;
	v4 =	vadd.s32 v1, v4;
	_ =	sdelay $0x1  }
0x3f: {  	v3 =	vadd.s32 v1, v3;
	_ =	sdelay $0x2  }
0x40: {  	[tilespmem:s21], [sflag:$0x1] =	stream.indirect_vreg.gather [hbm4b:s1+s3], $0x80, v4, vm0, $0xb8;
	[tilespmem:$0x10100] =	vst v63  }
0x41: {  	_ = 	snop  }
0x42: {  	[tilespmem:s22], [sflag:$0x1] =	stream.indirect_vreg.gather [hbm4b:s1+s3], $0x80, v3, vm0, $0xb8;
	[tilespmem:$0x10100] =	vst v63  }
0x43: {  	s6 =	rddreg [dreg:$0x5]  }
0x44: {  	[tilespmem:s23], [sflag:$0x2] =	stream.linear.gather [hbm4b:s6+s3], $0x4000, $0x38;
	[tilespmem:$0x10100] =	vst v63  }
0x45: {  	v3 =	vld [tilespmem:$0x40];
	_ =	sdelay $0x4  }
0x46: {  	v4 =	vshll.u32 v3, $0x1  }
0x47: {  	v3 =	vand.u32 $0x7, v3;
	v4 =	vand.u32 $0xFFFFFFF0, v4  }
0x48: {  	v3 =	vor.u32 v3, v4  }
0x49: {  	v4 =	vperm.xlane v3, v0;
	_ =	sdelay $0x1  }
0x4a: {  	v3 =	vperm.xlane v3, v2;
	v4 =	vadd.s32 v1, v4;
	_ =	sdelay $0x1  }
0x4b: {  	v3 =	vadd.s32 v1, v3;
	_ =	sdelay $0x2  }
0x4c: {  	[tilespmem:s24], [sflag:$0x1] =	stream.indirect_vreg.gather [hbm4b:s1+s3], $0x80, v4, vm0, $0xb8;
	[tilespmem:$0x10100] =	vst v63  }
0x4d: {  	_ = 	snop  }
0x4e: {  	[tilespmem:s25], [sflag:$0x1] =	stream.indirect_vreg.gather [hbm4b:s1+s3], $0x80, v3, vm0, $0xb8;
	[tilespmem:$0x10100] =	vst v63  }
0x4f: {  	v3 =	vld [tilespmem:$0x50];
	_ =	sdelay $0x4  }
0x50: {  	v4 =	vshll.u32 v3, $0x1  }
0x51: {  	v3 =	vand.u32 $0x7, v3;
	v4 =	vand.u32 $0xFFFFFFF0, v4  }
0x52: {  	v3 =	vor.u32 v3, v4  }
0x53: {  	v4 =	vperm.xlane v3, v0;
	_ =	sdelay $0x1  }
0x54: {  	v3 =	vperm.xlane v3, v2;
	v4 =	vadd.s32 v1, v4;
	_ =	sdelay $0x1  }
0x55: {  	v3 =	vadd.s32 v1, v3;
	_ =	sdelay $0x2  }
0x56: {  	[tilespmem:s26], [sflag:$0x1] =	stream.indirect_vreg.gather [hbm4b:s1+s3], $0x80, v4, vm0, $0xb8;
	[tilespmem:$0x10100] =	vst v63  }
0x57: {  	_ = 	snop  }
0x58: {  	[tilespmem:s28], [sflag:$0x1] =	stream.indirect_vreg.gather [hbm4b:s1+s3], $0x80, v3, vm0, $0xb8;
	[tilespmem:$0x10100] =	vst v63  }
0x59: {  	v3 =	vld [tilespmem:$0x60];
	_ =	sdelay $0x4  }
0x5a: {  	v4 =	vshll.u32 v3, $0x1  }
0x5b: {  	v3 =	vand.u32 $0x7, v3;
	v4 =	vand.u32 $0xFFFFFFF0, v4  }
0x5c: {  	v3 =	vor.u32 v3, v4  }
0x5d: {  	v4 =	vperm.xlane v3, v0;
	_ =	sdelay $0x1  }
0x5e: {  	v3 =	vperm.xlane v3, v2;
	v4 =	vadd.s32 v1, v4;
	_ =	sdelay $0x1  }
0x5f: {  	v3 =	vadd.s32 v1, v3;
	_ =	sdelay $0x2  }
0x60: {  	[tilespmem:s29], [sflag:$0x1] =	stream.indirect_vreg.gather [hbm4b:s1+s3], $0x80, v4, vm0, $0xb8;
	[tilespmem:$0x10100] =	vst v63  }
0x61: {  	_ = 	snop  }
0x62: {  	[tilespmem:s30], [sflag:$0x1] =	stream.indirect_vreg.gather [hbm4b:s1+s3], $0x80, v3, vm0, $0xb8;
	[tilespmem:$0x10100] =	vst v63  }
0x63: {  	v3 =	vld [tilespmem:$0x70];
	_ =	sdelay $0x4  }
0x64: {  	v4 =	vshll.u32 v3, $0x1  }
0x65: {  	v3 =	vand.u32 $0x7, v3;
	v4 =	vand.u32 $0xFFFFFFF0, v4  }
0x66: {  	v3 =	vor.u32 v3, v4  }
0x67: {  	v4 =	vperm.xlane v3, v0;
	_ =	sdelay $0x1  }
0x68: {  	v3 =	vperm.xlane v3, v2;
	v4 =	vadd.s32 v1, v4;
	_ =	sdelay $0x1  }
0x69: {  	v3 =	vadd.s32 v1, v3;
	_ =	sdelay $0x2  }
0x6a: {  	[tilespmem:s31], [sflag:$0x1] =	stream.indirect_vreg.gather [hbm4b:s1+s3], $0x80, v4, vm0, $0xb8;
	[tilespmem:$0x10100] =	vst v63  }
0x6b: {  	_ = 	snop  }
0x6c: {  	[tilespmem:s2], [sflag:$0x1] =	stream.indirect_vreg.gather [hbm4b:s1+s3], $0x80, v3, vm0, $0xb8;
	[tilespmem:$0x10100] =	vst v63  }
0x6d: {  	s18 =	rddreg [dreg:$0x6]  }
0x6e: {  	[tilespmem:s0], [sflag:$0x2] =	stream.linear.gather [hbm4b:s18+s3], $0x4000, $0x38;
	[tilespmem:$0x10100] =	vst v63  }
0x6f: {  	_ =	swait.ge [sflag:s15], $0x4000  }
0x70: {  	[sflag:s15] =	ssyncset.done $0x0  }
0x71: {  	[sflag:s15] =	ssyncadd.s32 $0xFFFFC000  }
0x72: {  	_ =	swait.ge [sflag:s16], $0x4000  }
0x73: {  	s19 =	sand.u32 $0x3800, s3;
	s6 =	sand.u32 $0x380, s3;
	[sflag:s16] =	ssyncset.done $0x0  }
0x74: {  	s18 =	sor.u32 s6, s19;
	[sflag:s16] =	ssyncadd.s32 $0xFFFFC000  }
0x75: {  	v3 =	vld [tilespmem:s18+$0x570]  }
0x76: {  	v4 =	vld [tilespmem:s18+$0x100]  }
0x77: {  	v5 =	vld [tilespmem:s18+$0x110]  }
0x78: {  	v6 =	vld [tilespmem:s18+$0x120]  }
0x79: {  	v7 =	vld [tilespmem:s18+$0x130]  }
0x7a: {  	v8 =	vld [tilespmem:s18+$0x140]  }
0x7b: {  	v9 =	vld [tilespmem:s18+$0x150]  }
0x7c: {  	v10 =	vld [tilespmem:s18+$0x170]  }
0x7d: {  	v11 =	vld [tilespmem:s18+$0x500]  }
0x7e: {  	v12 =	vld [tilespmem:s18+$0x510]  }
0x7f: {  	v13 =	vld [tilespmem:s18+$0x520]  }
0x80: {  	v14 =	vld [tilespmem:s18+$0x530]  }
0x81: {  	v15 =	vld [tilespmem:s18+$0x540]  }
0x82: {  	v16 =	vld [tilespmem:s18+$0x550];
	v3 =	vadd.f32 v3, v3  }
0x83: {  	v17 =	vld [tilespmem:s18+$0x560]  }
0x84: {  	v4 =	vadd.f32 v4, v4;
	[tilespmem:s18+$0x8570] =	vst.add.f32.msk $0xffff, v3  }
0x85: {  	v5 =	vadd.f32 v5, v5;
	v3 =	vld [tilespmem:s18+$0x160]  }
0x86: {  	v6 =	vadd.f32 v6, v6;
	[tilespmem:s18+$0x8100] =	vst.add.f32.msk $0xffff, v4  }
0x87: {  	v63 =	vadd.f32 v9, v9;
	[tilespmem:s18+$0x8110] =	vst.add.f32.msk $0xffff, v5  }
0x88: {  	v4 =	vadd.f32 v7, v7;
	[tilespmem:s18+$0x8120] =	vst.add.f32.msk $0xffff, v6  }
0x89: {  	v5 =	vadd.f32 v8, v8;
	[tilespmem:s18+$0x8150] =	vst.add.f32.msk $0xffff, v63  }
0x8a: {  	[tilespmem:s18+$0x8130] =	vst.add.f32.msk $0xffff, v4;
	v4 =	vadd.f32 v10, v10  }
0x8b: {  	[tilespmem:s18+$0x8140] =	vst.add.f32.msk $0xffff, v5;
	v5 =	vadd.f32 v11, v11  }
0x8c: {  	[tilespmem:s18+$0x8170] =	vst.add.f32.msk $0xffff, v4;
	v3 =	vadd.f32 v3, v3  }
0x8d: {  	v4 =	vadd.f32 v13, v13;
	[tilespmem:s18+$0x8500] =	vst.add.f32.msk $0xffff, v5  }
0x8e: {  	[tilespmem:s18+$0x8160] =	vst.add.f32.msk $0xffff, v3;
	v3 =	vadd.f32 v12, v12  }
0x8f: {  	v5 =	vadd.f32 v14, v14;
	[tilespmem:s18+$0x8520] =	vst.add.f32.msk $0xffff, v4  }
0x90: {  	[tilespmem:s18+$0x8510] =	vst.add.f32.msk $0xffff, v3;
	v3 =	vadd.f32 v15, v15  }
0x91: {  	v4 =	vadd.f32 v16, v16;
	[tilespmem:s18+$0x8530] =	vst.add.f32.msk $0xffff, v5  }
0x92: {  	s5 =	simm.s32 $0x80;
	s20 =	simm.s32 $0x100;
	[tilespmem:s18+$0x8540] =	vst.add.f32.msk $0xffff, v3;
	v3 =	vadd.f32 v17, v17  }
0x93: {  	s20 =	sand.u32 $0x3800, s20;
	s6 =	sand.u32 $0x380, s5;
	s19 =	simm.s32 $0x200;
	[tilespmem:s18+$0x8550] =	vst.add.f32.msk $0xffff, v4  }
.LBB2_2:
0x94: {  	p0 =	sne.s32 s19, $0x3F00;
	[tilespmem:s18+$0x8560] =	vst.add.f32.msk $0xffff, v3;
	s18 =	sor.u32 s6, s20  }
0x95: {  	v3 =	vld [tilespmem:s18+$0x570]  }
0x96: {  	v4 =	vld [tilespmem:s18+$0x100]  }
0x97: {  	v5 =	vld [tilespmem:s18+$0x110]  }
0x98: {  	v6 =	vld [tilespmem:s18+$0x120]  }
0x99: {  	v7 =	vld [tilespmem:s18+$0x130]  }
0x9a: {  	v8 =	vld [tilespmem:s18+$0x140];
	v3 =	vadd.f32 v3, v3  }
0x9b: {  	v4 =	vadd.f32 v4, v4;
	v9 =	vld [tilespmem:s18+$0x150]  }
0x9c: {  	v5 =	vadd.f32 v5, v5;
	[tilespmem:s18+$0x8570] =	vst.add.f32.msk $0xffff, v3  }
0x9d: {  	v3 =	vadd.f32 v6, v6;
	v6 =	vld [tilespmem:s18+$0x160]  }
0x9e: {  	v7 =	vadd.f32 v7, v7;
	v10 =	vld [tilespmem:s18+$0x170]  }
0x9f: {  	v8 =	vadd.f32 v8, v8;
	v11 =	vld [tilespmem:s18+$0x500]  }
0xa0: {  	v9 =	vadd.f32 v9, v9;
	v12 =	vld [tilespmem:s18+$0x510]  }
0xa1: {  	v13 =	vld [tilespmem:s18+$0x520]  }
0xa2: {  	v6 =	vadd.f32 v6, v6;
	v14 =	vld [tilespmem:s18+$0x530]  }
0xa3: {  	v10 =	vadd.f32 v10, v10;
	v15 =	vld [tilespmem:s18+$0x540]  }
0xa4: {  	v11 =	vadd.f32 v11, v11;
	v16 =	vld [tilespmem:s18+$0x550]  }
0xa5: {  	v12 =	vadd.f32 v12, v12;
	v17 =	vld [tilespmem:s18+$0x560]  }
0xa6: {  	[tilespmem:s18+$0x8100] =	vst.add.f32.msk $0xffff, v4;
	v4 =	vadd.f32 v13, v13  }
0xa7: {  	[tilespmem:s18+$0x8110] =	vst.add.f32.msk $0xffff, v5;
	v5 =	vadd.f32 v14, v14  }
0xa8: {  	[tilespmem:s18+$0x8120] =	vst.add.f32.msk $0xffff, v3;
	v13 =	vadd.f32 v15, v15  }
0xa9: {  	[tilespmem:s18+$0x8130] =	vst.add.f32.msk $0xffff, v7;
	v7 =	vadd.f32 v16, v16  }
0xaa: {  	[tilespmem:s18+$0x8140] =	vst.add.f32.msk $0xffff, v8;
	v3 =	vadd.f32 v17, v17  }
0xab: {  	[tilespmem:s18+$0x8150] =	vst.add.f32.msk $0xffff, v9  }
0xac: {  	[tilespmem:s18+$0x8160] =	vst.add.f32.msk $0xffff, v6  }
0xad: {  	[tilespmem:s18+$0x8170] =	vst.add.f32.msk $0xffff, v10  }
0xae: {  	[tilespmem:s18+$0x8500] =	vst.add.f32.msk $0xffff, v11  }
.Ltmp0:
0xaf: {  	[tilespmem:s18+$0x8510] =	vst.add.f32.msk $0xffff, v12;
	(pc) =	sbr.rel @p0 .LBB2_2-.Ltmp0, $4  }
0xb0: {  	[tilespmem:s18+$0x8520] =	vst.add.f32.msk $0xffff, v4  }
0xb1: {  	[tilespmem:s18+$0x8530] =	vst.add.f32.msk $0xffff, v5  }
0xb2: {  	s5 =	sadd.s32 $0x80, s5;
	[tilespmem:s18+$0x8540] =	vst.add.f32.msk $0xffff, v13  }
0xb3: {  	s20 =	sand.u32 $0x3800, s19;
	s19 =	sadd.s32 $0x100, s19;
	s6 =	sand.u32 $0x380, s5;
	[tilespmem:s18+$0x8550] =	vst.add.f32.msk $0xffff, v7  }
0xb4: {  	s5 =	sor.u32 s6, s20;
	[tilespmem:s18+$0x8560] =	vst.add.f32.msk $0xffff, v3  }
0xb5: {  	v3 =	vld [tilespmem:s5+$0x570]  }
0xb6: {  	v4 =	vld [tilespmem:s5+$0x100]  }
0xb7: {  	v5 =	vld [tilespmem:s5+$0x110]  }
0xb8: {  	v6 =	vld [tilespmem:s5+$0x120]  }
0xb9: {  	v7 =	vld [tilespmem:s5+$0x130]  }
0xba: {  	v8 =	vld [tilespmem:s5+$0x140]  }
0xbb: {  	v9 =	vld [tilespmem:s5+$0x150]  }
0xbc: {  	v10 =	vld [tilespmem:s5+$0x170]  }
0xbd: {  	v11 =	vld [tilespmem:s5+$0x500]  }
0xbe: {  	v12 =	vld [tilespmem:s5+$0x510]  }
0xbf: {  	v13 =	vld [tilespmem:s5+$0x520]  }
0xc0: {  	v14 =	vld [tilespmem:s5+$0x530]  }
0xc1: {  	v15 =	vld [tilespmem:s5+$0x540]  }
0xc2: {  	v16 =	vld [tilespmem:s5+$0x550];
	v3 =	vadd.f32 v3, v3  }
0xc3: {  	v17 =	vld [tilespmem:s5+$0x560]  }
0xc4: {  	v4 =	vadd.f32 v4, v4;
	[tilespmem:s5+$0x8570] =	vst.add.f32.msk $0xffff, v3  }
0xc5: {  	v5 =	vadd.f32 v5, v5;
	v3 =	vld [tilespmem:s5+$0x160]  }
0xc6: {  	v6 =	vadd.f32 v6, v6;
	[tilespmem:s5+$0x8100] =	vst.add.f32.msk $0xffff, v4  }
0xc7: {  	v50 =	vadd.f32 v9, v9;
	[tilespmem:s5+$0x8110] =	vst.add.f32.msk $0xffff, v5  }
0xc8: {  	v4 =	vadd.f32 v7, v7;
	[tilespmem:s5+$0x8120] =	vst.add.f32.msk $0xffff, v6  }
0xc9: {  	v5 =	vadd.f32 v8, v8;
	[tilespmem:s5+$0x8150] =	vst.add.f32.msk $0xffff, v50  }
0xca: {  	[tilespmem:s5+$0x8130] =	vst.add.f32.msk $0xffff, v4;
	v4 =	vadd.f32 v10, v10  }
0xcb: {  	[tilespmem:s5+$0x8140] =	vst.add.f32.msk $0xffff, v5;
	v5 =	vadd.f32 v11, v11  }
0xcc: {  	[tilespmem:s5+$0x8170] =	vst.add.f32.msk $0xffff, v4;
	v4 =	vadd.f32 v13, v13  }
0xcd: {  	[tilespmem:s5+$0x8500] =	vst.add.f32.msk $0xffff, v5;
	v5 =	vadd.f32 v14, v14  }
0xce: {  	v3 =	vadd.f32 v3, v3;
	[tilespmem:s5+$0x8520] =	vst.add.f32.msk $0xffff, v4  }
0xcf: {  	v4 =	vadd.f32 v16, v16;
	[tilespmem:s5+$0x8530] =	vst.add.f32.msk $0xffff, v5  }
0xd0: {  	[tilespmem:s5+$0x8160] =	vst.add.f32.msk $0xffff, v3;
	v3 =	vadd.f32 v12, v12  }
0xd1: {  	v5 =	vadd.f32 v17, v17;
	[tilespmem:s5+$0x8550] =	vst.add.f32.msk $0xffff, v4  }
0xd2: {  	[tilespmem:s5+$0x8510] =	vst.add.f32.msk $0xffff, v3;
	v3 =	vadd.f32 v15, v15  }
0xd3: {  	[tilespmem:s5+$0x8560] =	vst.add.f32.msk $0xffff, v5  }
0xd4: {  	[tilespmem:s5+$0x8540] =	vst.add.f32.msk $0xffff, v3;
	s5 =	simm.s32 $0x0  }
0xd5: {  	[hbm4b:s7+s5] =	stream.linear.scatter [tilespmem:s23], [sflag:$0x3], $0x4000, $0x38;
	[tilespmem:$0x10100] =	vst v63  }
0xd6: {  	_ =	swait.ge [sflag:s17], $0x4000  }
0xd7: {  	[sflag:s17] =	ssyncset.done $0x0  }
0xd8: {  	[sflag:s17] =	ssyncadd.s32 $0xFFFFC000  }
0xd9: {  	v3 =	vld [tilespmem:$0x80];
	_ =	sdelay $0x4  }
0xda: {  	v4 =	vshll.u32 v3, $0x1  }
0xdb: {  	v3 =	vand.u32 $0x7, v3;
	v4 =	vand.u32 $0xFFFFFFF0, v4  }
0xdc: {  	v3 =	vor.u32 v3, v4  }
0xdd: {  	v4 =	vperm.xlane v3, v0;
	_ =	sdelay $0x1  }
0xde: {  	v3 =	vperm.xlane v3, v2;
	v4 =	vadd.s32 v1, v4;
	_ =	sdelay $0x1  }
0xdf: {  	v3 =	vadd.s32 v1, v3;
	_ =	sdelay $0x1  }
0xe0: {  	s19 =	simm.s32 $0x100  }
0xe1: {  	[tilespmem:s19], [sflag:$0x1] =	stream.indirect_vreg.gather [hbm4b:s1+s5], $0x80, v4, vm0, $0xb8;
	[tilespmem:$0x10100] =	vst v63  }
0xe2: {  	s20 =	simm.s32 $0x900  }
0xe3: {  	[tilespmem:s20], [sflag:$0x1] =	stream.indirect_vreg.gather [hbm4b:s1+s5], $0x80, v3, vm0, $0xb8;
	[tilespmem:$0x10100] =	vst v63  }
0xe4: {  	v3 =	vld [tilespmem:$0x90];
	_ =	sdelay $0x4  }
0xe5: {  	v4 =	vshll.u32 v3, $0x1  }
0xe6: {  	v3 =	vand.u32 $0x7, v3;
	v4 =	vand.u32 $0xFFFFFFF0, v4  }
0xe7: {  	v3 =	vor.u32 v3, v4  }
0xe8: {  	v4 =	vperm.xlane v3, v0;
	_ =	sdelay $0x1  }
0xe9: {  	v3 =	vperm.xlane v3, v2;
	v4 =	vadd.s32 v1, v4;
	_ =	sdelay $0x1  }
0xea: {  	v3 =	vadd.s32 v1, v3;
	_ =	sdelay $0x1  }
0xeb: {  	s18 =	simm.s32 $0x1100  }
0xec: {  	[tilespmem:s18], [sflag:$0x1] =	stream.indirect_vreg.gather [hbm4b:s1+s5], $0x80, v4, vm0, $0xb8;
	[tilespmem:$0x10100] =	vst v63  }
0xed: {  	s19 =	simm.s32 $0x1900  }
0xee: {  	[tilespmem:s19], [sflag:$0x1] =	stream.indirect_vreg.gather [hbm4b:s1+s5], $0x80, v3, vm0, $0xb8;
	[tilespmem:$0x10100] =	vst v63  }
0xef: {  	v3 =	vld [tilespmem:$0xA0];
	_ =	sdelay $0x4  }
0xf0: {  	v4 =	vshll.u32 v3, $0x1  }
0xf1: {  	v3 =	vand.u32 $0x7, v3;
	v4 =	vand.u32 $0xFFFFFFF0, v4  }
0xf2: {  	v3 =	vor.u32 v3, v4  }
0xf3: {  	v4 =	vperm.xlane v3, v0;
	_ =	sdelay $0x1  }
0xf4: {  	v3 =	vperm.xlane v3, v2;
	v4 =	vadd.s32 v1, v4;
	_ =	sdelay $0x1  }
0xf5: {  	v3 =	vadd.s32 v1, v3;
	_ =	sdelay $0x1  }
0xf6: {  	s20 =	simm.s32 $0x2100  }
0xf7: {  	[tilespmem:s20], [sflag:$0x1] =	stream.indirect_vreg.gather [hbm4b:s1+s5], $0x80, v4, vm0, $0xb8;
	[tilespmem:$0x10100] =	vst v63  }
0xf8: {  	s18 =	simm.s32 $0x2900  }
0xf9: {  	[tilespmem:s18], [sflag:$0x1] =	stream.indirect_vreg.gather [hbm4b:s1+s5], $0x80, v3, vm0, $0xb8;
	[tilespmem:$0x10100] =	vst v63  }
0xfa: {  	v3 =	vld [tilespmem:$0xB0];
	_ =	sdelay $0x4  }
0xfb: {  	v4 =	vshll.u32 v3, $0x1  }
0xfc: {  	v3 =	vand.u32 $0x7, v3;
	v4 =	vand.u32 $0xFFFFFFF0, v4  }
0xfd: {  	v3 =	vor.u32 v3, v4  }
0xfe: {  	v4 =	vperm.xlane v3, v0;
	_ =	sdelay $0x1  }
0xff: {  	v3 =	vperm.xlane v3, v2;
	v4 =	vadd.s32 v1, v4;
	_ =	sdelay $0x1  }
0x100: {  	v3 =	vadd.s32 v1, v3;
	_ =	sdelay $0x2  }
0x101: {  	[tilespmem:s21], [sflag:$0x1] =	stream.indirect_vreg.gather [hbm4b:s1+s5], $0x80, v4, vm0, $0xb8;
	[tilespmem:$0x10100] =	vst v63  }
0x102: {  	_ = 	snop  }
0x103: {  	[tilespmem:s22], [sflag:$0x1] =	stream.indirect_vreg.gather [hbm4b:s1+s5], $0x80, v3, vm0, $0xb8;
	[tilespmem:$0x10100] =	vst v63  }
0x104: {  	_ = 	snop  }
0x105: {  	[tilespmem:s23], [sflag:$0x2] =	stream.linear.gather [hbm4b:s8+s5], $0x4000, $0x38;
	[tilespmem:$0x10100] =	vst v63  }
0x106: {  	_ =	swait.ge [sflag:s15], $0x4000  }
0x107: {  	[sflag:s15] =	ssyncset.done $0x0  }
0x108: {  	[sflag:s15] =	ssyncadd.s32 $0xFFFFC000  }
0x109: {  	_ =	swait.ge [sflag:s16], $0x4000  }
0x10a: {  	s19 =	sand.u32 $0x3800, s5;
	s5 =	sand.u32 $0x380, s5;
	[sflag:s16] =	ssyncset.done $0x0  }
0x10b: {  	s18 =	sor.u32 s5, s19;
	[sflag:s16] =	ssyncadd.s32 $0xFFFFC000  }
0x10c: {  	v3 =	vld [tilespmem:s18+$0x4570]  }
0x10d: {  	v4 =	vld [tilespmem:s18+$0x4100]  }
0x10e: {  	v5 =	vld [tilespmem:s18+$0x4110]  }
0x10f: {  	v51 =	vld [tilespmem:s18+$0x4120]  }
0x110: {  	v52 =	vld [tilespmem:s18+$0x4130]  }
0x111: {  	v53 =	vld [tilespmem:s18+$0x4140]  }
0x112: {  	v54 =	vld [tilespmem:s18+$0x4150]  }
0x113: {  	v55 =	vld [tilespmem:s18+$0x4170]  }
0x114: {  	v56 =	vld [tilespmem:s18+$0x4500]  }
0x115: {  	v57 =	vld [tilespmem:s18+$0x4510]  }
0x116: {  	v58 =	vld [tilespmem:s18+$0x4520]  }
0x117: {  	v59 =	vld [tilespmem:s18+$0x4530]  }
0x118: {  	v60 =	vld [tilespmem:s18+$0x4540]  }
0x119: {  	v61 =	vld [tilespmem:s18+$0x4550];
	v3 =	vadd.f32 v3, v3  }
0x11a: {  	v62 =	vld [tilespmem:s18+$0x4560]  }
0x11b: {  	v4 =	vadd.f32 v4, v4;
	[tilespmem:s18+$0xC570] =	vst.add.f32.msk $0xffff, v3  }
0x11c: {  	v5 =	vadd.f32 v5, v5;
	v3 =	vld [tilespmem:s18+$0x4160]  }
0x11d: {  	v6 =	vadd.f32 v51, v51;
	[tilespmem:s18+$0xC100] =	vst.add.f32.msk $0xffff, v4  }
0x11e: {  	v63 =	vadd.f32 v54, v54;
	[tilespmem:s18+$0xC110] =	vst.add.f32.msk $0xffff, v5  }
0x11f: {  	v4 =	vadd.f32 v52, v52;
	[tilespmem:s18+$0xC120] =	vst.add.f32.msk $0xffff, v6  }
0x120: {  	v5 =	vadd.f32 v53, v53;
	[tilespmem:s18+$0xC150] =	vst.add.f32.msk $0xffff, v63  }
0x121: {  	[tilespmem:s18+$0xC130] =	vst.add.f32.msk $0xffff, v4;
	v4 =	vadd.f32 v55, v55  }
0x122: {  	[tilespmem:s18+$0xC140] =	vst.add.f32.msk $0xffff, v5;
	v5 =	vadd.f32 v56, v56  }
0x123: {  	[tilespmem:s18+$0xC170] =	vst.add.f32.msk $0xffff, v4;
	v3 =	vadd.f32 v3, v3  }
0x124: {  	v4 =	vadd.f32 v58, v58;
	[tilespmem:s18+$0xC500] =	vst.add.f32.msk $0xffff, v5  }
0x125: {  	[tilespmem:s18+$0xC160] =	vst.add.f32.msk $0xffff, v3;
	v3 =	vadd.f32 v57, v57  }
0x126: {  	v5 =	vadd.f32 v59, v59;
	[tilespmem:s18+$0xC520] =	vst.add.f32.msk $0xffff, v4  }
0x127: {  	[tilespmem:s18+$0xC510] =	vst.add.f32.msk $0xffff, v3;
	v3 =	vadd.f32 v60, v60  }
0x128: {  	v4 =	vadd.f32 v61, v61;
	[tilespmem:s18+$0xC530] =	vst.add.f32.msk $0xffff, v5  }
0x129: {  	s20 =	simm.s32 $0x100;
	s5 =	simm.s32 $0x80;
	[tilespmem:s18+$0xC540] =	vst.add.f32.msk $0xffff, v3;
	v3 =	vadd.f32 v62, v62  }
0x12a: {  	s20 =	sand.u32 $0x3800, s20;
	s19 =	simm.s32 $0x200;
	s6 =	sand.u32 $0x380, s5;
	[tilespmem:s18+$0xC550] =	vst.add.f32.msk $0xffff, v4  }
.LBB2_4:
0x12b: {  	p0 =	sne.s32 s19, $0x3F00;
	[tilespmem:s18+$0xC560] =	vst.add.f32.msk $0xffff, v3;
	s18 =	sor.u32 s6, s20  }
0x12c: {  	v3 =	vld [tilespmem:s18+$0x4570]  }
0x12d: {  	v4 =	vld [tilespmem:s18+$0x4100]  }
0x12e: {  	v5 =	vld [tilespmem:s18+$0x4110]  }
0x12f: {  	v6 =	vld [tilespmem:s18+$0x4120]  }
0x130: {  	v7 =	vld [tilespmem:s18+$0x4130]  }
0x131: {  	v8 =	vld [tilespmem:s18+$0x4140];
	v3 =	vadd.f32 v3, v3  }
0x132: {  	v4 =	vadd.f32 v4, v4;
	v9 =	vld [tilespmem:s18+$0x4150]  }
0x133: {  	v5 =	vadd.f32 v5, v5;
	[tilespmem:s18+$0xC570] =	vst.add.f32.msk $0xffff, v3  }
0x134: {  	v3 =	vadd.f32 v6, v6;
	v6 =	vld [tilespmem:s18+$0x4160]  }
0x135: {  	v7 =	vadd.f32 v7, v7;
	v10 =	vld [tilespmem:s18+$0x4170]  }
0x136: {  	v8 =	vadd.f32 v8, v8;
	v11 =	vld [tilespmem:s18+$0x4500]  }
0x137: {  	v9 =	vadd.f32 v9, v9;
	v12 =	vld [tilespmem:s18+$0x4510]  }
0x138: {  	v13 =	vld [tilespmem:s18+$0x4520]  }
0x139: {  	v6 =	vadd.f32 v6, v6;
	v14 =	vld [tilespmem:s18+$0x4530]  }
0x13a: {  	v10 =	vadd.f32 v10, v10;
	v15 =	vld [tilespmem:s18+$0x4540]  }
0x13b: {  	v11 =	vadd.f32 v11, v11;
	v16 =	vld [tilespmem:s18+$0x4550]  }
0x13c: {  	v12 =	vadd.f32 v12, v12;
	v17 =	vld [tilespmem:s18+$0x4560]  }
0x13d: {  	[tilespmem:s18+$0xC100] =	vst.add.f32.msk $0xffff, v4;
	v4 =	vadd.f32 v13, v13  }
0x13e: {  	[tilespmem:s18+$0xC110] =	vst.add.f32.msk $0xffff, v5;
	v5 =	vadd.f32 v14, v14  }
0x13f: {  	[tilespmem:s18+$0xC120] =	vst.add.f32.msk $0xffff, v3;
	v13 =	vadd.f32 v15, v15  }
0x140: {  	[tilespmem:s18+$0xC130] =	vst.add.f32.msk $0xffff, v7;
	v7 =	vadd.f32 v16, v16  }
0x141: {  	[tilespmem:s18+$0xC140] =	vst.add.f32.msk $0xffff, v8;
	v3 =	vadd.f32 v17, v17  }
0x142: {  	[tilespmem:s18+$0xC150] =	vst.add.f32.msk $0xffff, v9  }
0x143: {  	[tilespmem:s18+$0xC160] =	vst.add.f32.msk $0xffff, v6  }
0x144: {  	[tilespmem:s18+$0xC170] =	vst.add.f32.msk $0xffff, v10  }
0x145: {  	[tilespmem:s18+$0xC500] =	vst.add.f32.msk $0xffff, v11  }
.Ltmp1:
0x146: {  	[tilespmem:s18+$0xC510] =	vst.add.f32.msk $0xffff, v12;
	(pc) =	sbr.rel @p0 .LBB2_4-.Ltmp1, $4  }
0x147: {  	[tilespmem:s18+$0xC520] =	vst.add.f32.msk $0xffff, v4  }
0x148: {  	[tilespmem:s18+$0xC530] =	vst.add.f32.msk $0xffff, v5  }
0x149: {  	s5 =	sadd.s32 $0x80, s5;
	[tilespmem:s18+$0xC540] =	vst.add.f32.msk $0xffff, v13  }
0x14a: {  	s20 =	sand.u32 $0x3800, s19;
	s19 =	sadd.s32 $0x100, s19;
	s6 =	sand.u32 $0x380, s5;
	[tilespmem:s18+$0xC550] =	vst.add.f32.msk $0xffff, v7  }
0x14b: {  	s5 =	sor.u32 s6, s20;
	[tilespmem:s18+$0xC560] =	vst.add.f32.msk $0xffff, v3  }
0x14c: {  	v3 =	vld [tilespmem:s5+$0x4570]  }
0x14d: {  	v4 =	vld [tilespmem:s5+$0x4100]  }
0x14e: {  	v5 =	vld [tilespmem:s5+$0x4110]  }
0x14f: {  	v6 =	vld [tilespmem:s5+$0x4120]  }
0x150: {  	v7 =	vld [tilespmem:s5+$0x4130]  }
0x151: {  	v8 =	vld [tilespmem:s5+$0x4140]  }
0x152: {  	v9 =	vld [tilespmem:s5+$0x4150]  }
0x153: {  	v10 =	vld [tilespmem:s5+$0x4170]  }
0x154: {  	v11 =	vld [tilespmem:s5+$0x4500]  }
0x155: {  	v12 =	vld [tilespmem:s5+$0x4510]  }
0x156: {  	v13 =	vld [tilespmem:s5+$0x4520]  }
0x157: {  	v14 =	vld [tilespmem:s5+$0x4530]  }
0x158: {  	v15 =	vld [tilespmem:s5+$0x4540]  }
0x159: {  	v16 =	vld [tilespmem:s5+$0x4550];
	v3 =	vadd.f32 v3, v3  }
0x15a: {  	v17 =	vld [tilespmem:s5+$0x4560]  }
0x15b: {  	v4 =	vadd.f32 v4, v4;
	[tilespmem:s5+$0xC570] =	vst.add.f32.msk $0xffff, v3  }
0x15c: {  	v5 =	vadd.f32 v5, v5;
	v3 =	vld [tilespmem:s5+$0x4160]  }
0x15d: {  	v6 =	vadd.f32 v6, v6;
	[tilespmem:s5+$0xC100] =	vst.add.f32.msk $0xffff, v4  }
0x15e: {  	v50 =	vadd.f32 v9, v9;
	[tilespmem:s5+$0xC110] =	vst.add.f32.msk $0xffff, v5  }
0x15f: {  	v4 =	vadd.f32 v7, v7;
	[tilespmem:s5+$0xC120] =	vst.add.f32.msk $0xffff, v6  }
0x160: {  	v5 =	vadd.f32 v8, v8;
	[tilespmem:s5+$0xC150] =	vst.add.f32.msk $0xffff, v50  }
0x161: {  	[tilespmem:s5+$0xC130] =	vst.add.f32.msk $0xffff, v4;
	v4 =	vadd.f32 v10, v10  }
0x162: {  	[tilespmem:s5+$0xC140] =	vst.add.f32.msk $0xffff, v5;
	v5 =	vadd.f32 v11, v11  }
0x163: {  	[tilespmem:s5+$0xC170] =	vst.add.f32.msk $0xffff, v4;
	v4 =	vadd.f32 v13, v13  }
0x164: {  	[tilespmem:s5+$0xC500] =	vst.add.f32.msk $0xffff, v5;
	v5 =	vadd.f32 v14, v14  }
0x165: {  	v3 =	vadd.f32 v3, v3;
	[tilespmem:s5+$0xC520] =	vst.add.f32.msk $0xffff, v4  }
0x166: {  	v4 =	vadd.f32 v16, v16;
	[tilespmem:s5+$0xC530] =	vst.add.f32.msk $0xffff, v5  }
0x167: {  	[tilespmem:s5+$0xC160] =	vst.add.f32.msk $0xffff, v3;
	v3 =	vadd.f32 v12, v12  }
0x168: {  	v5 =	vadd.f32 v17, v17;
	[tilespmem:s5+$0xC550] =	vst.add.f32.msk $0xffff, v4  }
0x169: {  	[tilespmem:s5+$0xC510] =	vst.add.f32.msk $0xffff, v3;
	v3 =	vadd.f32 v15, v15  }
0x16a: {  	[tilespmem:s5+$0xC560] =	vst.add.f32.msk $0xffff, v5  }
0x16b: {  	s18 =	simm.s32 $0x0;
	[tilespmem:s5+$0xC540] =	vst.add.f32.msk $0xffff, v3  }
0x16c: {  	[hbm4b:s9+s18] =	stream.linear.scatter [tilespmem:s0], [sflag:$0x3], $0x4000, $0x38;
	[tilespmem:$0x10100] =	vst v63  }
0x16d: {  	_ =	swait.ge [sflag:s17], $0x4000  }
0x16e: {  	[sflag:s17] =	ssyncset.done $0x0  }
0x16f: {  	[sflag:s17] =	ssyncadd.s32 $0xFFFFC000  }
0x170: {  	v3 =	vld [tilespmem:$0xC0];
	_ =	sdelay $0x4  }
0x171: {  	v4 =	vshll.u32 v3, $0x1  }
0x172: {  	v3 =	vand.u32 $0x7, v3;
	v4 =	vand.u32 $0xFFFFFFF0, v4  }
0x173: {  	v3 =	vor.u32 v3, v4  }
0x174: {  	v4 =	vperm.xlane v3, v0;
	_ =	sdelay $0x1  }
0x175: {  	v3 =	vperm.xlane v3, v2;
	v4 =	vadd.s32 v1, v4;
	_ =	sdelay $0x1  }
0x176: {  	v3 =	vadd.s32 v1, v3;
	_ =	sdelay $0x2  }
0x177: {  	[tilespmem:s24], [sflag:$0x1] =	stream.indirect_vreg.gather [hbm4b:s1+s18], $0x80, v4, vm0, $0xb8;
	[tilespmem:$0x10100] =	vst v63  }
0x178: {  	_ = 	snop  }
0x179: {  	[tilespmem:s25], [sflag:$0x1] =	stream.indirect_vreg.gather [hbm4b:s1+s18], $0x80, v3, vm0, $0xb8;
	[tilespmem:$0x10100] =	vst v63  }
0x17a: {  	v3 =	vld [tilespmem:$0xD0];
	_ =	sdelay $0x4  }
0x17b: {  	v4 =	vshll.u32 v3, $0x1  }
0x17c: {  	v3 =	vand.u32 $0x7, v3;
	v4 =	vand.u32 $0xFFFFFFF0, v4  }
0x17d: {  	v3 =	vor.u32 v3, v4  }
0x17e: {  	v4 =	vperm.xlane v3, v0;
	_ =	sdelay $0x1  }
0x17f: {  	v3 =	vperm.xlane v3, v2;
	v4 =	vadd.s32 v1, v4;
	_ =	sdelay $0x1  }
0x180: {  	v3 =	vadd.s32 v1, v3;
	_ =	sdelay $0x2  }
0x181: {  	[tilespmem:s26], [sflag:$0x1] =	stream.indirect_vreg.gather [hbm4b:s1+s18], $0x80, v4, vm0, $0xb8;
	[tilespmem:$0x10100] =	vst v63  }
0x182: {  	_ = 	snop  }
0x183: {  	[tilespmem:s28], [sflag:$0x1] =	stream.indirect_vreg.gather [hbm4b:s1+s18], $0x80, v3, vm0, $0xb8;
	[tilespmem:$0x10100] =	vst v63  }
0x184: {  	v3 =	vld [tilespmem:$0xE0];
	_ =	sdelay $0x4  }
0x185: {  	v4 =	vshll.u32 v3, $0x1  }
0x186: {  	v3 =	vand.u32 $0x7, v3;
	v4 =	vand.u32 $0xFFFFFFF0, v4  }
0x187: {  	v3 =	vor.u32 v3, v4  }
0x188: {  	v4 =	vperm.xlane v3, v0;
	_ =	sdelay $0x1  }
0x189: {  	v3 =	vperm.xlane v3, v2;
	v4 =	vadd.s32 v1, v4;
	_ =	sdelay $0x1  }
0x18a: {  	v3 =	vadd.s32 v1, v3;
	_ =	sdelay $0x2  }
0x18b: {  	[tilespmem:s29], [sflag:$0x1] =	stream.indirect_vreg.gather [hbm4b:s1+s18], $0x80, v4, vm0, $0xb8;
	[tilespmem:$0x10100] =	vst v63  }
0x18c: {  	_ = 	snop  }
0x18d: {  	[tilespmem:s30], [sflag:$0x1] =	stream.indirect_vreg.gather [hbm4b:s1+s18], $0x80, v3, vm0, $0xb8;
	[tilespmem:$0x10100] =	vst v63  }
0x18e: {  	v3 =	vld [tilespmem:$0xF0];
	_ =	sdelay $0x4  }
0x18f: {  	v4 =	vshll.u32 v3, $0x1  }
0x190: {  	v3 =	vand.u32 $0x7, v3;
	v4 =	vand.u32 $0xFFFFFFF0, v4  }
0x191: {  	v3 =	vor.u32 v3, v4  }
0x192: {  	v4 =	vperm.xlane v3, v0;
	_ =	sdelay $0x1  }
0x193: {  	v3 =	vperm.xlane v3, v2;
	v4 =	vadd.s32 v1, v4;
	_ =	sdelay $0x1  }
0x194: {  	v3 =	vadd.s32 v1, v3;
	_ =	sdelay $0x2  }
0x195: {  	[tilespmem:s31], [sflag:$0x1] =	stream.indirect_vreg.gather [hbm4b:s1+s18], $0x80, v4, vm0, $0xb8;
	[tilespmem:$0x10100] =	vst v63  }
0x196: {  	_ = 	snop  }
0x197: {  	[tilespmem:s2], [sflag:$0x1] =	stream.indirect_vreg.gather [hbm4b:s1+s18], $0x80, v3, vm0, $0xb8;
	[tilespmem:$0x10100] =	vst v63  }
0x198: {  	_ = 	snop  }
0x199: {  	[tilespmem:s0], [sflag:$0x2] =	stream.linear.gather [hbm4b:s10+s18], $0x4000, $0x38;
	[tilespmem:$0x10100] =	vst v63  }
0x19a: {  	_ =	swait.ge [sflag:s15], $0x4000  }
0x19b: {  	[sflag:s15] =	ssyncset.done $0x0  }
0x19c: {  	[sflag:s15] =	ssyncadd.s32 $0xFFFFC000  }
0x19d: {  	_ =	swait.ge [sflag:s16], $0x4000  }
0x19e: {  	s19 =	sand.u32 $0x3800, s18;
	s5 =	sand.u32 $0x380, s18;
	[sflag:s16] =	ssyncset.done $0x0  }
0x19f: {  	s18 =	sor.u32 s5, s19;
	[sflag:s16] =	ssyncadd.s32 $0xFFFFC000  }
0x1a0: {  	v3 =	vld [tilespmem:s18+$0x570]  }
0x1a1: {  	v4 =	vld [tilespmem:s18+$0x100]  }
0x1a2: {  	v5 =	vld [tilespmem:s18+$0x110]  }
0x1a3: {  	v51 =	vld [tilespmem:s18+$0x120]  }
0x1a4: {  	v52 =	vld [tilespmem:s18+$0x130]  }
0x1a5: {  	v53 =	vld [tilespmem:s18+$0x140]  }
0x1a6: {  	v54 =	vld [tilespmem:s18+$0x150]  }
0x1a7: {  	v55 =	vld [tilespmem:s18+$0x170]  }
0x1a8: {  	v56 =	vld [tilespmem:s18+$0x500]  }
0x1a9: {  	v57 =	vld [tilespmem:s18+$0x510]  }
0x1aa: {  	v58 =	vld [tilespmem:s18+$0x520]  }
0x1ab: {  	v59 =	vld [tilespmem:s18+$0x530]  }
0x1ac: {  	v60 =	vld [tilespmem:s18+$0x540]  }
0x1ad: {  	v61 =	vld [tilespmem:s18+$0x550];
	v3 =	vadd.f32 v3, v3  }
0x1ae: {  	v62 =	vld [tilespmem:s18+$0x560]  }
0x1af: {  	v4 =	vadd.f32 v4, v4;
	[tilespmem:s18+$0x8570] =	vst.add.f32.msk $0xffff, v3  }
0x1b0: {  	v5 =	vadd.f32 v5, v5;
	v3 =	vld [tilespmem:s18+$0x160]  }
0x1b1: {  	v6 =	vadd.f32 v51, v51;
	[tilespmem:s18+$0x8100] =	vst.add.f32.msk $0xffff, v4  }
0x1b2: {  	v63 =	vadd.f32 v54, v54;
	[tilespmem:s18+$0x8110] =	vst.add.f32.msk $0xffff, v5  }
0x1b3: {  	v4 =	vadd.f32 v52, v52;
	[tilespmem:s18+$0x8120] =	vst.add.f32.msk $0xffff, v6  }
0x1b4: {  	v5 =	vadd.f32 v53, v53;
	[tilespmem:s18+$0x8150] =	vst.add.f32.msk $0xffff, v63  }
0x1b5: {  	[tilespmem:s18+$0x8130] =	vst.add.f32.msk $0xffff, v4;
	v4 =	vadd.f32 v55, v55  }
0x1b6: {  	[tilespmem:s18+$0x8140] =	vst.add.f32.msk $0xffff, v5;
	v5 =	vadd.f32 v56, v56  }
0x1b7: {  	[tilespmem:s18+$0x8170] =	vst.add.f32.msk $0xffff, v4;
	v3 =	vadd.f32 v3, v3  }
0x1b8: {  	v4 =	vadd.f32 v58, v58;
	[tilespmem:s18+$0x8500] =	vst.add.f32.msk $0xffff, v5  }
0x1b9: {  	[tilespmem:s18+$0x8160] =	vst.add.f32.msk $0xffff, v3;
	v3 =	vadd.f32 v57, v57  }
0x1ba: {  	v5 =	vadd.f32 v59, v59;
	[tilespmem:s18+$0x8520] =	vst.add.f32.msk $0xffff, v4  }
0x1bb: {  	[tilespmem:s18+$0x8510] =	vst.add.f32.msk $0xffff, v3;
	v3 =	vadd.f32 v60, v60  }
0x1bc: {  	v4 =	vadd.f32 v61, v61;
	[tilespmem:s18+$0x8530] =	vst.add.f32.msk $0xffff, v5  }
0x1bd: {  	s20 =	simm.s32 $0x100;
	s5 =	simm.s32 $0x80;
	[tilespmem:s18+$0x8540] =	vst.add.f32.msk $0xffff, v3;
	v3 =	vadd.f32 v62, v62  }
0x1be: {  	s20 =	sand.u32 $0x3800, s20;
	s19 =	simm.s32 $0x200;
	s6 =	sand.u32 $0x380, s5;
	[tilespmem:s18+$0x8550] =	vst.add.f32.msk $0xffff, v4  }
.LBB2_6:
0x1bf: {  	p0 =	sne.s32 s19, $0x3F00;
	[tilespmem:s18+$0x8560] =	vst.add.f32.msk $0xffff, v3;
	s18 =	sor.u32 s6, s20  }
0x1c0: {  	v3 =	vld [tilespmem:s18+$0x570]  }
0x1c1: {  	v4 =	vld [tilespmem:s18+$0x100]  }
0x1c2: {  	v5 =	vld [tilespmem:s18+$0x110]  }
0x1c3: {  	v6 =	vld [tilespmem:s18+$0x120]  }
0x1c4: {  	v7 =	vld [tilespmem:s18+$0x130]  }
0x1c5: {  	v8 =	vld [tilespmem:s18+$0x140];
	v3 =	vadd.f32 v3, v3  }
0x1c6: {  	v4 =	vadd.f32 v4, v4;
	v9 =	vld [tilespmem:s18+$0x150]  }
0x1c7: {  	v5 =	vadd.f32 v5, v5;
	[tilespmem:s18+$0x8570] =	vst.add.f32.msk $0xffff, v3  }
0x1c8: {  	v3 =	vadd.f32 v6, v6;
	v6 =	vld [tilespmem:s18+$0x160]  }
0x1c9: {  	v7 =	vadd.f32 v7, v7;
	v10 =	vld [tilespmem:s18+$0x170]  }
0x1ca: {  	v8 =	vadd.f32 v8, v8;
	v11 =	vld [tilespmem:s18+$0x500]  }
0x1cb: {  	v9 =	vadd.f32 v9, v9;
	v12 =	vld [tilespmem:s18+$0x510]  }
0x1cc: {  	v13 =	vld [tilespmem:s18+$0x520]  }
0x1cd: {  	v6 =	vadd.f32 v6, v6;
	v14 =	vld [tilespmem:s18+$0x530]  }
0x1ce: {  	v10 =	vadd.f32 v10, v10;
	v15 =	vld [tilespmem:s18+$0x540]  }
0x1cf: {  	v11 =	vadd.f32 v11, v11;
	v16 =	vld [tilespmem:s18+$0x550]  }
0x1d0: {  	v12 =	vadd.f32 v12, v12;
	v17 =	vld [tilespmem:s18+$0x560]  }
0x1d1: {  	[tilespmem:s18+$0x8100] =	vst.add.f32.msk $0xffff, v4;
	v4 =	vadd.f32 v13, v13  }
0x1d2: {  	[tilespmem:s18+$0x8110] =	vst.add.f32.msk $0xffff, v5;
	v5 =	vadd.f32 v14, v14  }
0x1d3: {  	[tilespmem:s18+$0x8120] =	vst.add.f32.msk $0xffff, v3;
	v13 =	vadd.f32 v15, v15  }
0x1d4: {  	[tilespmem:s18+$0x8130] =	vst.add.f32.msk $0xffff, v7;
	v7 =	vadd.f32 v16, v16  }
0x1d5: {  	[tilespmem:s18+$0x8140] =	vst.add.f32.msk $0xffff, v8;
	v3 =	vadd.f32 v17, v17  }
0x1d6: {  	[tilespmem:s18+$0x8150] =	vst.add.f32.msk $0xffff, v9  }
0x1d7: {  	[tilespmem:s18+$0x8160] =	vst.add.f32.msk $0xffff, v6  }
0x1d8: {  	[tilespmem:s18+$0x8170] =	vst.add.f32.msk $0xffff, v10  }
0x1d9: {  	[tilespmem:s18+$0x8500] =	vst.add.f32.msk $0xffff, v11  }
.Ltmp2:
0x1da: {  	[tilespmem:s18+$0x8510] =	vst.add.f32.msk $0xffff, v12;
	(pc) =	sbr.rel @p0 .LBB2_6-.Ltmp2, $4  }
0x1db: {  	[tilespmem:s18+$0x8520] =	vst.add.f32.msk $0xffff, v4  }
0x1dc: {  	[tilespmem:s18+$0x8530] =	vst.add.f32.msk $0xffff, v5  }
0x1dd: {  	s5 =	sadd.s32 $0x80, s5;
	[tilespmem:s18+$0x8540] =	vst.add.f32.msk $0xffff, v13  }
0x1de: {  	s20 =	sand.u32 $0x3800, s19;
	s19 =	sadd.s32 $0x100, s19;
	s6 =	sand.u32 $0x380, s5;
	[tilespmem:s18+$0x8550] =	vst.add.f32.msk $0xffff, v7  }
0x1df: {  	s5 =	sor.u32 s6, s20;
	[tilespmem:s18+$0x8560] =	vst.add.f32.msk $0xffff, v3  }
0x1e0: {  	v3 =	vld [tilespmem:s5+$0x570]  }
0x1e1: {  	v4 =	vld [tilespmem:s5+$0x100]  }
0x1e2: {  	v5 =	vld [tilespmem:s5+$0x110]  }
0x1e3: {  	v6 =	vld [tilespmem:s5+$0x120]  }
0x1e4: {  	v7 =	vld [tilespmem:s5+$0x130]  }
0x1e5: {  	v8 =	vld [tilespmem:s5+$0x140]  }
0x1e6: {  	v9 =	vld [tilespmem:s5+$0x150]  }
0x1e7: {  	v10 =	vld [tilespmem:s5+$0x170]  }
0x1e8: {  	v11 =	vld [tilespmem:s5+$0x500]  }
0x1e9: {  	v12 =	vld [tilespmem:s5+$0x510]  }
0x1ea: {  	v13 =	vld [tilespmem:s5+$0x520]  }
0x1eb: {  	v14 =	vld [tilespmem:s5+$0x530]  }
0x1ec: {  	v15 =	vld [tilespmem:s5+$0x540]  }
0x1ed: {  	v16 =	vld [tilespmem:s5+$0x550];
	v3 =	vadd.f32 v3, v3  }
0x1ee: {  	v17 =	vld [tilespmem:s5+$0x560]  }
0x1ef: {  	v4 =	vadd.f32 v4, v4;
	[tilespmem:s5+$0x8570] =	vst.add.f32.msk $0xffff, v3  }
0x1f0: {  	v5 =	vadd.f32 v5, v5;
	v3 =	vld [tilespmem:s5+$0x160]  }
0x1f1: {  	v6 =	vadd.f32 v6, v6;
	[tilespmem:s5+$0x8100] =	vst.add.f32.msk $0xffff, v4  }
0x1f2: {  	v50 =	vadd.f32 v9, v9;
	[tilespmem:s5+$0x8110] =	vst.add.f32.msk $0xffff, v5  }
0x1f3: {  	v4 =	vadd.f32 v7, v7;
	[tilespmem:s5+$0x8120] =	vst.add.f32.msk $0xffff, v6  }
0x1f4: {  	v5 =	vadd.f32 v8, v8;
	[tilespmem:s5+$0x8150] =	vst.add.f32.msk $0xffff, v50  }
0x1f5: {  	[tilespmem:s5+$0x8130] =	vst.add.f32.msk $0xffff, v4;
	v4 =	vadd.f32 v10, v10  }
0x1f6: {  	[tilespmem:s5+$0x8140] =	vst.add.f32.msk $0xffff, v5;
	v5 =	vadd.f32 v11, v11  }
0x1f7: {  	[tilespmem:s5+$0x8170] =	vst.add.f32.msk $0xffff, v4;
	v4 =	vadd.f32 v13, v13  }
0x1f8: {  	[tilespmem:s5+$0x8500] =	vst.add.f32.msk $0xffff, v5;
	v5 =	vadd.f32 v14, v14  }
0x1f9: {  	v3 =	vadd.f32 v3, v3;
	[tilespmem:s5+$0x8520] =	vst.add.f32.msk $0xffff, v4  }
0x1fa: {  	v4 =	vadd.f32 v16, v16;
	[tilespmem:s5+$0x8530] =	vst.add.f32.msk $0xffff, v5  }
0x1fb: {  	[tilespmem:s5+$0x8160] =	vst.add.f32.msk $0xffff, v3;
	v3 =	vadd.f32 v12, v12  }
0x1fc: {  	v5 =	vadd.f32 v17, v17;
	[tilespmem:s5+$0x8550] =	vst.add.f32.msk $0xffff, v4  }
0x1fd: {  	[tilespmem:s5+$0x8510] =	vst.add.f32.msk $0xffff, v3;
	v3 =	vadd.f32 v15, v15  }
0x1fe: {  	[tilespmem:s5+$0x8560] =	vst.add.f32.msk $0xffff, v5  }
0x1ff: {  	s18 =	simm.s32 $0x0;
	[tilespmem:s5+$0x8540] =	vst.add.f32.msk $0xffff, v3  }
0x200: {  	[hbm4b:s11+s18] =	stream.linear.scatter [tilespmem:s23], [sflag:$0x3], $0x4000, $0x38;
	[tilespmem:$0x10100] =	vst v63  }
0x201: {  	_ =	swait.ge [sflag:s15], $0x4000  }
0x202: {  	[sflag:s15] =	ssyncset.done $0x0  }
0x203: {  	[sflag:s15] =	ssyncadd.s32 $0xFFFFC000  }
0x204: {  	_ =	swait.ge [sflag:s16], $0x4000  }
0x205: {  	s19 =	sand.u32 $0x3800, s18;
	s5 =	sand.u32 $0x380, s18;
	[sflag:s16] =	ssyncset.done $0x0  }
0x206: {  	s18 =	sor.u32 s5, s19;
	[sflag:s16] =	ssyncadd.s32 $0xFFFFC000  }
0x207: {  	v3 =	vld [tilespmem:s18+$0x4570]  }
0x208: {  	v4 =	vld [tilespmem:s18+$0x4100]  }
0x209: {  	v5 =	vld [tilespmem:s18+$0x4110]  }
0x20a: {  	v51 =	vld [tilespmem:s18+$0x4120]  }
0x20b: {  	v52 =	vld [tilespmem:s18+$0x4130]  }
0x20c: {  	v53 =	vld [tilespmem:s18+$0x4140]  }
0x20d: {  	v54 =	vld [tilespmem:s18+$0x4150]  }
0x20e: {  	v55 =	vld [tilespmem:s18+$0x4170]  }
0x20f: {  	v56 =	vld [tilespmem:s18+$0x4500]  }
0x210: {  	v57 =	vld [tilespmem:s18+$0x4510]  }
0x211: {  	v58 =	vld [tilespmem:s18+$0x4520]  }
0x212: {  	v59 =	vld [tilespmem:s18+$0x4530]  }
0x213: {  	v60 =	vld [tilespmem:s18+$0x4540]  }
0x214: {  	v61 =	vld [tilespmem:s18+$0x4550];
	v3 =	vadd.f32 v3, v3  }
0x215: {  	v62 =	vld [tilespmem:s18+$0x4560]  }
0x216: {  	v4 =	vadd.f32 v4, v4;
	[tilespmem:s18+$0xC570] =	vst.add.f32.msk $0xffff, v3  }
0x217: {  	v5 =	vadd.f32 v5, v5;
	v3 =	vld [tilespmem:s18+$0x4160]  }
0x218: {  	v6 =	vadd.f32 v51, v51;
	[tilespmem:s18+$0xC100] =	vst.add.f32.msk $0xffff, v4  }
0x219: {  	v63 =	vadd.f32 v54, v54;
	[tilespmem:s18+$0xC110] =	vst.add.f32.msk $0xffff, v5  }
0x21a: {  	v4 =	vadd.f32 v52, v52;
	[tilespmem:s18+$0xC120] =	vst.add.f32.msk $0xffff, v6  }
0x21b: {  	v5 =	vadd.f32 v53, v53;
	[tilespmem:s18+$0xC150] =	vst.add.f32.msk $0xffff, v63  }
0x21c: {  	[tilespmem:s18+$0xC130] =	vst.add.f32.msk $0xffff, v4;
	v4 =	vadd.f32 v55, v55  }
0x21d: {  	[tilespmem:s18+$0xC140] =	vst.add.f32.msk $0xffff, v5;
	v5 =	vadd.f32 v56, v56  }
0x21e: {  	[tilespmem:s18+$0xC170] =	vst.add.f32.msk $0xffff, v4;
	v3 =	vadd.f32 v3, v3  }
0x21f: {  	v4 =	vadd.f32 v58, v58;
	[tilespmem:s18+$0xC500] =	vst.add.f32.msk $0xffff, v5  }
0x220: {  	[tilespmem:s18+$0xC160] =	vst.add.f32.msk $0xffff, v3;
	v3 =	vadd.f32 v57, v57  }
0x221: {  	v5 =	vadd.f32 v59, v59;
	[tilespmem:s18+$0xC520] =	vst.add.f32.msk $0xffff, v4  }
0x222: {  	[tilespmem:s18+$0xC510] =	vst.add.f32.msk $0xffff, v3;
	v3 =	vadd.f32 v60, v60  }
0x223: {  	v4 =	vadd.f32 v61, v61;
	[tilespmem:s18+$0xC530] =	vst.add.f32.msk $0xffff, v5  }
0x224: {  	s20 =	simm.s32 $0x100;
	s5 =	simm.s32 $0x80;
	[tilespmem:s18+$0xC540] =	vst.add.f32.msk $0xffff, v3;
	v3 =	vadd.f32 v62, v62  }
0x225: {  	s20 =	sand.u32 $0x3800, s20;
	s19 =	simm.s32 $0x200;
	s6 =	sand.u32 $0x380, s5;
	[tilespmem:s18+$0xC550] =	vst.add.f32.msk $0xffff, v4  }
.LBB2_8:
0x226: {  	p0 =	sne.s32 s19, $0x3F00;
	[tilespmem:s18+$0xC560] =	vst.add.f32.msk $0xffff, v3;
	s18 =	sor.u32 s6, s20  }
0x227: {  	v3 =	vld [tilespmem:s18+$0x4570]  }
0x228: {  	v4 =	vld [tilespmem:s18+$0x4100]  }
0x229: {  	v5 =	vld [tilespmem:s18+$0x4110]  }
0x22a: {  	v6 =	vld [tilespmem:s18+$0x4120]  }
0x22b: {  	v7 =	vld [tilespmem:s18+$0x4130]  }
0x22c: {  	v8 =	vld [tilespmem:s18+$0x4140];
	v3 =	vadd.f32 v3, v3  }
0x22d: {  	v4 =	vadd.f32 v4, v4;
	v9 =	vld [tilespmem:s18+$0x4150]  }
0x22e: {  	v5 =	vadd.f32 v5, v5;
	[tilespmem:s18+$0xC570] =	vst.add.f32.msk $0xffff, v3  }
0x22f: {  	v3 =	vadd.f32 v6, v6;
	v6 =	vld [tilespmem:s18+$0x4160]  }
0x230: {  	v7 =	vadd.f32 v7, v7;
	v10 =	vld [tilespmem:s18+$0x4170]  }
0x231: {  	v8 =	vadd.f32 v8, v8;
	v11 =	vld [tilespmem:s18+$0x4500]  }
0x232: {  	v9 =	vadd.f32 v9, v9;
	v12 =	vld [tilespmem:s18+$0x4510]  }
0x233: {  	v13 =	vld [tilespmem:s18+$0x4520]  }
0x234: {  	v6 =	vadd.f32 v6, v6;
	v14 =	vld [tilespmem:s18+$0x4530]  }
0x235: {  	v10 =	vadd.f32 v10, v10;
	v15 =	vld [tilespmem:s18+$0x4540]  }
0x236: {  	v11 =	vadd.f32 v11, v11;
	v16 =	vld [tilespmem:s18+$0x4550]  }
0x237: {  	v12 =	vadd.f32 v12, v12;
	v17 =	vld [tilespmem:s18+$0x4560]  }
0x238: {  	[tilespmem:s18+$0xC100] =	vst.add.f32.msk $0xffff, v4;
	v4 =	vadd.f32 v13, v13  }
0x239: {  	[tilespmem:s18+$0xC110] =	vst.add.f32.msk $0xffff, v5;
	v5 =	vadd.f32 v14, v14  }
0x23a: {  	[tilespmem:s18+$0xC120] =	vst.add.f32.msk $0xffff, v3;
	v13 =	vadd.f32 v15, v15  }
0x23b: {  	[tilespmem:s18+$0xC130] =	vst.add.f32.msk $0xffff, v7;
	v7 =	vadd.f32 v16, v16  }
0x23c: {  	[tilespmem:s18+$0xC140] =	vst.add.f32.msk $0xffff, v8;
	v3 =	vadd.f32 v17, v17  }
0x23d: {  	[tilespmem:s18+$0xC150] =	vst.add.f32.msk $0xffff, v9  }
0x23e: {  	[tilespmem:s18+$0xC160] =	vst.add.f32.msk $0xffff, v6  }
0x23f: {  	[tilespmem:s18+$0xC170] =	vst.add.f32.msk $0xffff, v10  }
0x240: {  	[tilespmem:s18+$0xC500] =	vst.add.f32.msk $0xffff, v11  }
.Ltmp3:
0x241: {  	[tilespmem:s18+$0xC510] =	vst.add.f32.msk $0xffff, v12;
	(pc) =	sbr.rel @p0 .LBB2_8-.Ltmp3, $4  }
0x242: {  	[tilespmem:s18+$0xC520] =	vst.add.f32.msk $0xffff, v4  }
0x243: {  	[tilespmem:s18+$0xC530] =	vst.add.f32.msk $0xffff, v5  }
0x244: {  	s5 =	sadd.s32 $0x80, s5;
	[tilespmem:s18+$0xC540] =	vst.add.f32.msk $0xffff, v13  }
0x245: {  	s20 =	sand.u32 $0x3800, s19;
	s19 =	sadd.s32 $0x100, s19;
	s6 =	sand.u32 $0x380, s5;
	[tilespmem:s18+$0xC550] =	vst.add.f32.msk $0xffff, v7  }
0x246: {  	s5 =	sor.u32 s6, s20;
	[tilespmem:s18+$0xC560] =	vst.add.f32.msk $0xffff, v3  }
0x247: {  	v3 =	vld [tilespmem:s5+$0x4570]  }
0x248: {  	v4 =	vld [tilespmem:s5+$0x4100]  }
0x249: {  	v5 =	vld [tilespmem:s5+$0x4110]  }
0x24a: {  	v6 =	vld [tilespmem:s5+$0x4120]  }
0x24b: {  	v7 =	vld [tilespmem:s5+$0x4130]  }
0x24c: {  	v8 =	vld [tilespmem:s5+$0x4140]  }
0x24d: {  	v9 =	vld [tilespmem:s5+$0x4150]  }
0x24e: {  	v10 =	vld [tilespmem:s5+$0x4170]  }
0x24f: {  	v11 =	vld [tilespmem:s5+$0x4500]  }
0x250: {  	v12 =	vld [tilespmem:s5+$0x4510]  }
0x251: {  	v13 =	vld [tilespmem:s5+$0x4520]  }
0x252: {  	v14 =	vld [tilespmem:s5+$0x4530]  }
0x253: {  	v15 =	vld [tilespmem:s5+$0x4540]  }
0x254: {  	v16 =	vld [tilespmem:s5+$0x4550];
	v3 =	vadd.f32 v3, v3  }
0x255: {  	v17 =	vld [tilespmem:s5+$0x4560]  }
0x256: {  	v4 =	vadd.f32 v4, v4;
	[tilespmem:s5+$0xC570] =	vst.add.f32.msk $0xffff, v3  }
0x257: {  	v5 =	vadd.f32 v5, v5;
	v3 =	vld [tilespmem:s5+$0x4160]  }
0x258: {  	v6 =	vadd.f32 v6, v6;
	[tilespmem:s5+$0xC100] =	vst.add.f32.msk $0xffff, v4  }
0x259: {  	v55 =	vadd.f32 v7, v7;
	[tilespmem:s5+$0xC110] =	vst.add.f32.msk $0xffff, v5  }
0x25a: {  	v56 =	vadd.f32 v8, v8;
	[tilespmem:s5+$0xC120] =	vst.add.f32.msk $0xffff, v6  }
0x25b: {  	v57 =	vadd.f32 v9, v9;
	[tilespmem:s5+$0xC130] =	vst.add.f32.msk $0xffff, v55  }
0x25c: {  	v58 =	vadd.f32 v10, v10;
	[tilespmem:s5+$0xC140] =	vst.add.f32.msk $0xffff, v56  }
0x25d: {  	v59 =	vadd.f32 v11, v11;
	[tilespmem:s5+$0xC150] =	vst.add.f32.msk $0xffff, v57  }
0x25e: {  	v60 =	vadd.f32 v13, v13;
	[tilespmem:s5+$0xC170] =	vst.add.f32.msk $0xffff, v58  }
0x25f: {  	v61 =	vadd.f32 v14, v14;
	[tilespmem:s5+$0xC500] =	vst.add.f32.msk $0xffff, v59  }
0x260: {  	[tilespmem:s5+$0xC520] =	vst.add.f32.msk $0xffff, v60;
	v3 =	vadd.f32 v3, v3  }
0x261: {  	v62 =	vadd.f32 v16, v16;
	[tilespmem:s5+$0xC530] =	vst.add.f32.msk $0xffff, v61  }
0x262: {  	[tilespmem:s5+$0xC160] =	vst.add.f32.msk $0xffff, v3;
	v3 =	vadd.f32 v12, v12  }
0x263: {  	v63 =	vadd.f32 v17, v17;
	[tilespmem:s5+$0xC550] =	vst.add.f32.msk $0xffff, v62  }
0x264: {  	[tilespmem:s5+$0xC510] =	vst.add.f32.msk $0xffff, v3;
	v3 =	vadd.f32 v15, v15  }
0x265: {  	[tilespmem:s5+$0xC560] =	vst.add.f32.msk $0xffff, v63  }
0x266: {  	s4 =	sadd.s32 $0x1, s4;
	[tilespmem:s5+$0xC540] =	vst.add.f32.msk $0xffff, v3  }
0x267: {  	[hbm4b:s12+s3] =	stream.linear.scatter [tilespmem:s0], [sflag:$0x3], $0x4000, $0x38;
	[tilespmem:$0x10100] =	vst v63  }
0x268: {  	p0 =	sne.s32 s4, s13;
	_ =	swait.ge [sflag:s17], $0x4000  }
.Ltmp4:
0x269: {  	[sflag:s17] =	ssyncset.done $0x0;
	(pc) =	sbr.rel @p0 .LBB2_1-.Ltmp4, $4  }
0x26a: {  	[sflag:s17] =	ssyncadd.s32 $0xFFFFC000  }
0x26b: {  	_ =	swait.ge [sflag:s17], $0x4000  }
0x26c: {  	[sflag:s17] =	ssyncset.done $0x0  }
0x26d: {  	[sflag:s17] =	ssyncadd.s32 $0xFFFFC000  }
0x26e: {  	_ =	sfence.sel $0x180000  }
0x26f: {  	[bflag:$0x0] =	sbarrier.arrive $0xFFFF  }
0x270: {  	_ =	strace $0x90000047  }
0x271: {  	s0 =	stileid.u32;
	[bflag:$0x2] =	sbarrier.arrive $0xFFFF  }
0x272: {  	p0 =	sne.s32 s0, $0x0;
	s0 =	rddreg [dreg:$0x3]  }
0x273: {  	s0 =	sadd.s32 @!p0 $0x100000, s0  }
0x274: {  	[sflag:s0] =	ssyncadd.tile.s32 @!p0 $0x1;
	_ =	shalt  }
.Lfunc_end2:
_tile_overlayer_lowered:
.L_overlay_start_2:
0x275: {  	(tag) =	ssettag $0x2  }
0x276: {  	s0 =	rddreg [dreg:$0x0];
	s2 =	stileid.u32  }
0x277: {  	s1 =	rddreg [dreg:$0x1];
	p0 =	sne.s32 s2, $0x0  }
0x278: {  	s3 =	rddreg [dreg:$0x2];
	[bflag:$0x3] =	sbarrier.arrive $0xFFFF;
	s2 =	simm.s32 @!p0 $0x1C04  }
0x279: {  	[timem:s3], [sflag:s2] =	dma.local @!p0 [hbm:s0], s1  }
0x27a: {  	s0 =	simm.s32 @!p0 $0x4  }
0x27b: {  	_ =	swait.ge @!p0 [sflag:s0], s1  }
0x27c: {  	s1 =	ssub.s32 @!p0 $0x0, s1;
	[sflag:s0] =	ssyncset.done @!p0 $0x0  }
0x27d: {  	[sflag:s0] =	ssyncadd.s32 @!p0 s1  }
0x27e: {  	[bflag:$0x3] =	sbarrier.arrive $0xFFFF  }
0x27f: {  	_ =	shalt  }

</sc_bundles>
